<compile_context>
chip_gen: v7x
topology: tpu7x:2x2x1
jax: 0.10.2.dev20260603
libtpu: 0.0.44.dev20260713+nightly
codegen_flags: <defaults>
</compile_context>

<pallas_src>
import functools

import jax
import jax.numpy as jnp
from jax import lax
from jax.experimental import pallas as pl
from jax.experimental.pallas import tpu as pltpu
from jax.experimental.pallas import tpu_sc as plsc

_INFO = plsc.get_sparse_core_info()
_NC = _INFO.num_cores
_NS = _INFO.num_subcores
_NW = _NC * _NS
_LANES = _INFO.num_lanes

_CP = pltpu.CompilerParams(needs_layout_passes=False,
                           use_tc_tiling_on_sc=False)
_MESH = plsc.VectorSubcoreMesh(core_axis_name="c", subcore_axis_name="s")


def _hist_sums(hist_flat, hist_table, B, L, V, D):
    RPW = B // _NW
    CB = 16
    NCH = RPW // CB
    NH = D // _LANES
    HPC = CB * L
    GS = [(k * 128, min(128, HPC - k * 128))
          for k in range((HPC + 127) // 128)]

    @functools.partial(
        pl.kernel,
        out_type=jax.ShapeDtypeStruct((B * D,), jnp.float32),
        mesh=_MESH,
        compiler_params=_CP,
        scratch_types=[
            pltpu.VMEM((RPW * L,), jnp.int32),
            pltpu.VMEM((HPC, D), jnp.float32),
            pltpu.VMEM((HPC, D), jnp.float32),
            pltpu.VMEM((CB * D,), jnp.float32),
            pltpu.VMEM((CB * D,), jnp.float32),
            pltpu.SemaphoreType.DMA,
            pltpu.SemaphoreType.DMA,
            pltpu.SemaphoreType.DMA,
            pltpu.SemaphoreType.DMA,
        ],
    )
    def _h(hid, ht, out, hidx, hb0, hb1, st0, st1,
           semh0, semh1, semo0, semo1):
        hb = (hb0, hb1)
        st = (st0, st1)
        semh = (semh0, semh1)
        semo = (semo0, semo1)

        wid = lax.axis_index("s") * _NC + lax.axis_index("c")
        base = wid * RPW
        pltpu.sync_copy(hid.at[pl.ds(base * L, RPW * L)], hidx)

        def fire(g, p):
            h0 = g * CB * L
            for (o, n) in GS:
                pltpu.async_copy(ht.at[hidx.at[pl.ds(h0 + o, n)]],
                                 hb[p].at[pl.ds(o, n)], semh[p])

        def drain(g, p):
            h0 = g * CB * L
            for (o, n) in GS:
                pltpu.make_async_copy(ht.at[hidx.at[pl.ds(h0 + o, n)]],
                                      hb[p].at[pl.ds(o, n)], semh[p]).wait()

        def compute(g, p):
            r0 = g * CB

            @pl.when(g >= 2)
            def _():
                pltpu.make_async_copy(
                    st[p], out.at[pl.ds((base + (g - 2) * CB) * D, CB * D)],
                    semo[p]).wait()

            def crow(c, _):
                for h in range(NH):
                    o = h * _LANES
                    acc = [hb[p][c * L + l, pl.ds(o, _LANES)]
                           for l in range(4)]
                    for l in range(4, L):
                        acc[l % 4] = (acc[l % 4]
                                      + hb[p][c * L + l, pl.ds(o, _LANES)])
                    st[p][pl.ds(c * D + o, _LANES)] = \
                        (acc[0] + acc[1]) + (acc[2] + acc[3])
                return 0

            lax.fori_loop(0, CB, crow, 0)
            pltpu.async_copy(
                st[p], out.at[pl.ds((base + r0) * D, CB * D)], semo[p])

        NP = NCH // 2
        fire(0, 0)

        def pair(gp, _):
            g0 = gp * 2
            fire(g0 + 1, 1)
            drain(g0, 0)
            compute(g0, 0)

            @pl.when(gp < NP - 1)
            def _():
                fire(g0 + 2, 0)

            drain(g0 + 1, 1)
            compute(g0 + 1, 1)
            return 0

        lax.fori_loop(0, NP, pair, 0)
        pltpu.make_async_copy(
            st0, out.at[pl.ds((base + (NCH - 2) * CB) * D, CB * D)],
            semo0).wait()
        pltpu.make_async_copy(
            st1, out.at[pl.ds((base + (NCH - 1) * CB) * D, CB * D)],
            semo1).wait()

    return _h(hist_flat, hist_table)


def kernel(user_id, item_id, hist_item, price, user_table, item_table,
           hist_table):
    B = user_id.shape[0]
    L = hist_item.shape[1]
    V = user_table.shape[0]
    D = user_table.shape[1]
    OUTW = 3 * D + 1
    RPW = B // _NW
    CB = 16
    NCH = RPW // CB
    NH = D // _LANES

    hist_flat = hist_item.reshape(-1)
    hsum = _hist_sums(hist_flat, hist_table, B, L, V, D)
    h2d = hsum.reshape(B, D)

    @functools.partial(
        pl.kernel,
        out_type=jax.ShapeDtypeStruct((B, OUTW), jnp.float32),
        mesh=_MESH,
        compiler_params=_CP,
        scratch_types=[
            pltpu.VMEM((RPW,), jnp.int32),
            pltpu.VMEM((RPW,), jnp.int32),
            pltpu.VMEM((RPW,), jnp.float32),
            pltpu.VMEM((CB, D), jnp.float32),
            pltpu.VMEM((CB, D), jnp.float32),
            pltpu.VMEM((CB, D), jnp.float32),
            pltpu.VMEM((CB, D), jnp.float32),
            pltpu.VMEM((CB, D), jnp.float32),
            pltpu.VMEM((CB, D), jnp.float32),
            pltpu.VMEM((CB, OUTW), jnp.float32),
            pltpu.VMEM((CB, OUTW), jnp.float32),
            pltpu.SemaphoreType.DMA,
            pltpu.SemaphoreType.DMA,
            pltpu.SemaphoreType.DMA,
            pltpu.SemaphoreType.DMA,
        ],
    )
    def _cat(uid, iid, pr, hs, ut, it, out,
             uidx, iidx, pst, su0, su1, si0, si1, sh0, sh1,
             st0, st1, semg0, semg1, semo0, semo1):
        su = (su0, su1)
        si = (si0, si1)
        sh = (sh0, sh1)
        st = (st0, st1)
        semg = (semg0, semg1)
        semo = (semo0, semo1)

        wid = lax.axis_index("s") * _NC + lax.axis_index("c")
        base = wid * RPW

        cps = [
            pltpu.async_copy(uid.at[pl.ds(base, RPW)], uidx, semg0),
            pltpu.async_copy(iid.at[pl.ds(base, RPW)], iidx, semg0),
            pltpu.async_copy(pr.at[pl.ds(base, RPW)], pst, semg0),
        ]
        for c in cps:
            c.wait()

        iota16 = lax.broadcasted_iota(jnp.int32, (_LANES,), 0)
        col_last = jnp.full((_LANES,), OUTW - 1, jnp.int32)

        def fire(g, p):
            r0 = g * CB
            pltpu.async_copy(ut.at[uidx.at[pl.ds(r0, CB)]], su[p], semg[p])
            pltpu.async_copy(it.at[iidx.at[pl.ds(r0, CB)]], si[p], semg[p])
            pltpu.async_copy(hs.at[pl.ds(base + r0, CB)], sh[p], semg[p])

        def drain(g, p):
            r0 = g * CB
            pltpu.make_async_copy(
                ut.at[uidx.at[pl.ds(r0, CB)]], su[p], semg[p]).wait()
            pltpu.make_async_copy(
                it.at[iidx.at[pl.ds(r0, CB)]], si[p], semg[p]).wait()
            pltpu.make_async_copy(
                hs.at[pl.ds(base + r0, CB)], sh[p], semg[p]).wait()

        def compute(g, p):
            r0 = g * CB

            @pl.when(g >= 2)
            def _():
                pltpu.make_async_copy(
                    st[p], out.at[pl.ds(base + (g - 2) * CB, CB)],
                    semo[p]).wait()

            def crow(c, _):
                for h in range(NH):
                    o = h * _LANES
                    st[p][c, pl.ds(o, _LANES)] = su[p][c, pl.ds(o, _LANES)]
                    st[p][c, pl.ds(D + o, _LANES)] = si[p][c, pl.ds(o, _LANES)]
                    st[p][c, pl.ds(2 * D + o, _LANES)] = \
                        sh[p][c, pl.ds(o, _LANES)]
                return 0

            lax.fori_loop(0, CB, crow, 0)
            plsc.store_scatter(st[p], [iota16, col_last], pst[pl.ds(r0, CB)])
            pltpu.async_copy(st[p], out.at[pl.ds(base + r0, CB)], semo[p])

        NP = NCH // 2
        fire(0, 0)

        def pair(gp, _):
            g0 = gp * 2
            fire(g0 + 1, 1)
            drain(g0, 0)
            compute(g0, 0)

            @pl.when(gp < NP - 1)
            def _():
                fire(g0 + 2, 0)

            drain(g0 + 1, 1)
            compute(g0 + 1, 1)
            return 0

        lax.fori_loop(0, NP, pair, 0)
        pltpu.make_async_copy(
            st0, out.at[pl.ds(base + (NCH - 2) * CB, CB)], semo0).wait()
        pltpu.make_async_copy(
            st1, out.at[pl.ds(base + (NCH - 1) * CB, CB)], semo1).wait()

    return _cat(user_id, item_id, price, h2d, user_table, item_table)

# --- scband reference (transcript-rebuilt; emitter-appended) ---
"""Pipeline reference for scband-embedding-table-68229850464543 (READ-ONLY COPY).

The authoritative reference and input builder live on the scoring server;
editing this copy changes nothing except your own understanding.
"""

import jax, jax.numpy as jnp
import numpy as np

B = 16384
V = 100000
D = 32
L = 50

def setup_inputs(seed: int = 0) -> dict:
    key = jax.random.key(seed)
    ks = jax.random.split(key, 7)
    return {
        "user_id": jax.random.randint(ks[0], (B,), 0, V),
        "item_id": jax.random.randint(ks[1], (B,), 0, V),
        "hist_item": jax.random.randint(ks[2], (B, L), 0, V),
        "price": jax.random.uniform(ks[3], (B,), dtype=jnp.float32),
        "user_table": jax.random.normal(ks[4], (V, D), dtype=jnp.float32) * 0.02,
        "item_table": jax.random.normal(ks[5], (V, D), dtype=jnp.float32) * 0.02,
        "hist_table": jax.random.normal(ks[6], (V, D), dtype=jnp.float32) * 0.02,
    }

def reference(user_id, item_id, hist_item, price, user_table, item_table, hist_table):
    # TOKEN field: plain embedding lookup
    u = jnp.take(user_table, user_id, axis=0)            # [B, D]
    i = jnp.take(item_table, item_id, axis=0)            # [B, D]
    # TOKEN_SEQ field: embedding lookup + sum over sequence dim (dim=1)
    h = jnp.sum(jnp.take(hist_table, hist_item, axis=0), axis=1)  # [B, D]
    # FLOAT field: reshape to [B, 1]
    p = jnp.reshape(price, (price.shape[0], 1))          # [B, 1]
    # concatenate all field embeddings along dim=1
    return jnp.concatenate([u, i, h, p], axis=1)         # [B, 3*D + 1]

if __name__ == "__main__":
    import jax
    _d = setup_inputs()
    print(jax.jit(kernel)(*tuple(_d.values())))

</pallas_src>

<mosaic_0001>
#map = affine_map<(d0, d1) -> (0)>
#map1 = affine_map<(d0, d1) -> (0, 0)>
module attributes {stable_mosaic.version = 14 : i64} {
  func.func @_cat(%arg0: i32, %arg1: i32, %arg2: memref<16384xi32, #tpu.memory_space<hbm>>, %arg3: memref<16384xi32, #tpu.memory_space<hbm>>, %arg4: memref<16384xf32, #tpu.memory_space<hbm>>, %arg5: memref<16384x32xf32, #tpu.memory_space<hbm>>, %arg6: memref<100000x32xf32, #tpu.memory_space<hbm>>, %arg7: memref<100000x32xf32, #tpu.memory_space<hbm>>, %arg8: memref<16384x97xf32, #tpu.memory_space<hbm>>, %arg9: memref<512xi32, #tpu.memory_space<vmem>>, %arg10: memref<512xi32, #tpu.memory_space<vmem>>, %arg11: memref<512xf32, #tpu.memory_space<vmem>>, %arg12: memref<16x32xf32, #tpu.memory_space<vmem>>, %arg13: memref<16x32xf32, #tpu.memory_space<vmem>>, %arg14: memref<16x32xf32, #tpu.memory_space<vmem>>, %arg15: memref<16x32xf32, #tpu.memory_space<vmem>>, %arg16: memref<16x32xf32, #tpu.memory_space<vmem>>, %arg17: memref<16x32xf32, #tpu.memory_space<vmem>>, %arg18: memref<16x97xf32, #tpu.memory_space<vmem>>, %arg19: memref<16x97xf32, #tpu.memory_space<vmem>>, %arg20: memref<!tpu.dma_semaphore, #tpu.memory_space<semaphore_mem>>, %arg21: memref<!tpu.dma_semaphore, #tpu.memory_space<semaphore_mem>>, %arg22: memref<!tpu.dma_semaphore, #tpu.memory_space<semaphore_mem>>, %arg23: memref<!tpu.dma_semaphore, #tpu.memory_space<semaphore_mem>>) attributes {dimension_semantics = [#tpu.dimension_semantics<core_parallel>, #tpu.dimension_semantics<subcore_parallel>], iteration_bounds = array<i64: 2, 16>, scalar_prefetch = 0 : i64, scratch_operands = 15 : i64, tpu.core_type = #tpu.core_type<sc_vector_subcore>, window_params = [{transform_indices = #map}, {transform_indices = #map}, {transform_indices = #map}, {transform_indices = #map1}, {transform_indices = #map1}, {transform_indices = #map1}, {transform_indices = #map1}]} {
    %mul3A = arith.constant 2 : i32
    %mul3A_0 = arith.muli %arg1, %mul3A : i32
    %add3A = arith.addi %mul3A_0, %arg0 : i32
    %mul3A_1 = arith.constant 512 : i32
    %mul3A_2 = arith.muli %add3A, %mul3A_1 : i32
    %dma_start3A = tpu.memref_slice %arg2[%mul3A_2] : memref<16384xi32, #tpu.memory_space<hbm>> -> memref<512xi32, #tpu.memory_space<hbm>>
    %dma_start3A_3 = tpu.memref_slice %arg2[%mul3A_2] : memref<16384xi32, #tpu.memory_space<hbm>> -> memref<512xi32, #tpu.memory_space<hbm>>
    tpu.enqueue_dma source(%dma_start3A_3 : memref<512xi32, #tpu.memory_space<hbm>>) target(%arg9 : memref<512xi32, #tpu.memory_space<vmem>>) target_semaphore(%arg20 : memref<!tpu.dma_semaphore, #tpu.memory_space<semaphore_mem>>)
    %dma_start3A_4 = tpu.memref_slice %arg3[%mul3A_2] : memref<16384xi32, #tpu.memory_space<hbm>> -> memref<512xi32, #tpu.memory_space<hbm>>
    %dma_start3A_5 = tpu.memref_slice %arg3[%mul3A_2] : memref<16384xi32, #tpu.memory_space<hbm>> -> memref<512xi32, #tpu.memory_space<hbm>>
    tpu.enqueue_dma source(%dma_start3A_5 : memref<512xi32, #tpu.memory_space<hbm>>) target(%arg10 : memref<512xi32, #tpu.memory_space<vmem>>) target_semaphore(%arg20 : memref<!tpu.dma_semaphore, #tpu.memory_space<semaphore_mem>>)
    %dma_start3A_6 = tpu.memref_slice %arg4[%mul3A_2] : memref<16384xf32, #tpu.memory_space<hbm>> -> memref<512xf32, #tpu.memory_space<hbm>>
    %dma_start3A_7 = tpu.memref_slice %arg4[%mul3A_2] : memref<16384xf32, #tpu.memory_space<hbm>> -> memref<512xf32, #tpu.memory_space<hbm>>
    tpu.enqueue_dma source(%dma_start3A_7 : memref<512xf32, #tpu.memory_space<hbm>>) target(%arg11 : memref<512xf32, #tpu.memory_space<vmem>>) target_semaphore(%arg20 : memref<!tpu.dma_semaphore, #tpu.memory_space<semaphore_mem>>)
    %dma_wait3A = tpu.memref_slice %arg2[%mul3A_2] : memref<16384xi32, #tpu.memory_space<hbm>> -> memref<512xi32, #tpu.memory_space<hbm>>
    %dma_wait3A_8 = tpu.memref_slice %arg2[%mul3A_2] : memref<16384xi32, #tpu.memory_space<hbm>> -> memref<512xi32, #tpu.memory_space<hbm>>
    tpu.wait_dma2 semaphore(%arg20 : memref<!tpu.dma_semaphore, #tpu.memory_space<semaphore_mem>>) src(%dma_wait3A_8 : memref<512xi32, #tpu.memory_space<hbm>>) dst(%arg9 : memref<512xi32, #tpu.memory_space<vmem>>)
    %dma_wait3A_9 = tpu.memref_slice %arg3[%mul3A_2] : memref<16384xi32, #tpu.memory_space<hbm>> -> memref<512xi32, #tpu.memory_space<hbm>>
    %dma_wait3A_10 = tpu.memref_slice %arg3[%mul3A_2] : memref<16384xi32, #tpu.memory_space<hbm>> -> memref<512xi32, #tpu.memory_space<hbm>>
    tpu.wait_dma2 semaphore(%arg20 : memref<!tpu.dma_semaphore, #tpu.memory_space<semaphore_mem>>) src(%dma_wait3A_10 : memref<512xi32, #tpu.memory_space<hbm>>) dst(%arg10 : memref<512xi32, #tpu.memory_space<vmem>>)
    %dma_wait3A_11 = tpu.memref_slice %arg4[%mul3A_2] : memref<16384xf32, #tpu.memory_space<hbm>> -> memref<512xf32, #tpu.memory_space<hbm>>
    %dma_wait3A_12 = tpu.memref_slice %arg4[%mul3A_2] : memref<16384xf32, #tpu.memory_space<hbm>> -> memref<512xf32, #tpu.memory_space<hbm>>
    tpu.wait_dma2 semaphore(%arg20 : memref<!tpu.dma_semaphore, #tpu.memory_space<semaphore_mem>>) src(%dma_wait3A_12 : memref<512xf32, #tpu.memory_space<hbm>>) dst(%arg11 : memref<512xf32, #tpu.memory_space<vmem>>)
    %iota3A = tpu.iota {dimensions = array<i32: 0>} : vector<16xi32>
    %broadcast_in_dim3A = arith.constant 96 : i32
    %broadcast_in_dim3A_13 = vector.broadcast %broadcast_in_dim3A : i32 to vector<16xi32>
    %dma_start3A_14 = arith.constant 0 : i32
    %dma_start3A_15 = tpu.memref_slice %arg9[%dma_start3A_14] : memref<512xi32, #tpu.memory_space<vmem>> -> memref<16xi32, #tpu.memory_space<vmem>>
    %dma_start3A_16 = arith.constant 0 : i32
    %dma_start3A_17 = arith.constant 0 : i32
    %dma_start3A_18 = tpu.memref_slice %arg6[%dma_start3A_16, %dma_start3A_17] : memref<100000x32xf32, #tpu.memory_space<hbm>> -> memref<100000x32xf32, #tpu.memory_space<hbm>>
    tpu.enqueue_indirect_dma source(%dma_start3A_18 : memref<100000x32xf32, #tpu.memory_space<hbm>>) target(%arg12 : memref<16x32xf32, #tpu.memory_space<vmem>>) offsets(%dma_start3A_15 : memref<16xi32, #tpu.memory_space<vmem>>) semaphore(%arg20 : memref<!tpu.dma_semaphore, #tpu.memory_space<semaphore_mem>>)
    %dma_start3A_19 = arith.constant 0 : i32
    %dma_start3A_20 = tpu.memref_slice %arg10[%dma_start3A_19] : memref<512xi32, #tpu.memory_space<vmem>> -> memref<16xi32, #tpu.memory_space<vmem>>
    %dma_start3A_21 = arith.constant 0 : i32
    %dma_start3A_22 = arith.constant 0 : i32
    %dma_start3A_23 = tpu.memref_slice %arg7[%dma_start3A_21, %dma_start3A_22] : memref<100000x32xf32, #tpu.memory_space<hbm>> -> memref<100000x32xf32, #tpu.memory_space<hbm>>
    tpu.enqueue_indirect_dma source(%dma_start3A_23 : memref<100000x32xf32, #tpu.memory_space<hbm>>) target(%arg14 : memref<16x32xf32, #tpu.memory_space<vmem>>) offsets(%dma_start3A_20 : memref<16xi32, #tpu.memory_space<vmem>>) semaphore(%arg20 : memref<!tpu.dma_semaphore, #tpu.memory_space<semaphore_mem>>)
    %add3A_24 = arith.constant 0 : i32
    %add3A_25 = arith.addi %mul3A_2, %add3A_24 : i32
    %dma_start3A_26 = arith.constant 0 : i32
    %dma_start3A_27 = tpu.memref_slice %arg5[%add3A_25, %dma_start3A_26] : memref<16384x32xf32, #tpu.memory_space<hbm>> -> memref<16x32xf32, #tpu.memory_space<hbm>>
    %dma_start3A_28 = arith.constant 0 : i32
    %dma_start3A_29 = tpu.memref_slice %arg5[%add3A_25, %dma_start3A_28] : memref<16384x32xf32, #tpu.memory_space<hbm>> -> memref<16x32xf32, #tpu.memory_space<hbm>>
    tpu.enqueue_dma source(%dma_start3A_29 : memref<16x32xf32, #tpu.memory_space<hbm>>) target(%arg16 : memref<16x32xf32, #tpu.memory_space<vmem>>) target_semaphore(%arg20 : memref<!tpu.dma_semaphore, #tpu.memory_space<semaphore_mem>>)
    %scan3A = arith.constant 0 : i32
    %scan3A_30 = arith.constant 0 : i32
    %scan3A_31 = arith.constant 16 : i32
    %scan3A_32 = arith.addi %scan3A_30, %scan3A_31 : i32
    %scan3A_33 = arith.constant 1 : i32
    %scan3A_34 = scf.for %scan3A_48 = %scan3A_30 to %scan3A_32 step %scan3A_33 iter_args(%scan3A_49 = %scan3A) -> (i32)  : i32 {
      %mul3A_50 = arith.constant 2 : i32
      %mul3A_51 = arith.muli %scan3A_48, %mul3A_50 : i32
      %add3A_52 = arith.constant 1 : i32
      %add3A_53 = arith.addi %mul3A_51, %add3A_52 : i32
      %mul3A_54 = arith.constant 16 : i32
      %mul3A_55 = arith.muli %add3A_53, %mul3A_54 : i32
      %dma_start3A_56 = tpu.memref_slice %arg9[%mul3A_55] : memref<512xi32, #tpu.memory_space<vmem>> -> memref<16xi32, #tpu.memory_space<vmem>>
      %dma_start3A_57 = arith.constant 0 : i32
      %dma_start3A_58 = arith.constant 0 : i32
      %dma_start3A_59 = tpu.memref_slice %arg6[%dma_start3A_57, %dma_start3A_58] : memref<100000x32xf32, #tpu.memory_space<hbm>> -> memref<100000x32xf32, #tpu.memory_space<hbm>>
      tpu.enqueue_indirect_dma source(%dma_start3A_59 : memref<100000x32xf32, #tpu.memory_space<hbm>>) target(%arg13 : memref<16x32xf32, #tpu.memory_space<vmem>>) offsets(%dma_start3A_56 : memref<16xi32, #tpu.memory_space<vmem>>) semaphore(%arg21 : memref<!tpu.dma_semaphore, #tpu.memory_space<semaphore_mem>>)
      %dma_start3A_60 = tpu.memref_slice %arg10[%mul3A_55] : memref<512xi32, #tpu.memory_space<vmem>> -> memref<16xi32, #tpu.memory_space<vmem>>
      %dma_start3A_61 = arith.constant 0 : i32
      %dma_start3A_62 = arith.constant 0 : i32
      %dma_start3A_63 = tpu.memref_slice %arg7[%dma_start3A_61, %dma_start3A_62] : memref<100000x32xf32, #tpu.memory_space<hbm>> -> memref<100000x32xf32, #tpu.memory_space<hbm>>
      tpu.enqueue_indirect_dma source(%dma_start3A_63 : memref<100000x32xf32, #tpu.memory_space<hbm>>) target(%arg15 : memref<16x32xf32, #tpu.memory_space<vmem>>) offsets(%dma_start3A_60 : memref<16xi32, #tpu.memory_space<vmem>>) semaphore(%arg21 : memref<!tpu.dma_semaphore, #tpu.memory_space<semaphore_mem>>)
      %add3A_64 = arith.addi %mul3A_2, %mul3A_55 : i32
      %dma_start3A_65 = arith.constant 0 : i32
      %dma_start3A_66 = tpu.memref_slice %arg5[%add3A_64, %dma_start3A_65] : memref<16384x32xf32, #tpu.memory_space<hbm>> -> memref<16x32xf32, #tpu.memory_space<hbm>>
      %dma_start3A_67 = arith.constant 0 : i32
      %dma_start3A_68 = tpu.memref_slice %arg5[%add3A_64, %dma_start3A_67] : memref<16384x32xf32, #tpu.memory_space<hbm>> -> memref<16x32xf32, #tpu.memory_space<hbm>>
      tpu.enqueue_dma source(%dma_start3A_68 : memref<16x32xf32, #tpu.memory_space<hbm>>) target(%arg17 : memref<16x32xf32, #tpu.memory_space<vmem>>) target_semaphore(%arg21 : memref<!tpu.dma_semaphore, #tpu.memory_space<semaphore_mem>>)
      %mul3A_69 = arith.constant 16 : i32
      %mul3A_70 = arith.muli %mul3A_51, %mul3A_69 : i32
      %dma_wait3A_71 = tpu.memref_slice %arg9[%mul3A_70] : memref<512xi32, #tpu.memory_space<vmem>> -> memref<16xi32, #tpu.memory_space<vmem>>
      %dma_wait3A_72 = arith.constant 0 : i32
      %dma_wait3A_73 = arith.constant 0 : i32
      %dma_wait3A_74 = tpu.memref_slice %arg6[%dma_wait3A_72, %dma_wait3A_73] : memref<100000x32xf32, #tpu.memory_space<hbm>> -> memref<100000x32xf32, #tpu.memory_space<hbm>>
      tpu.wait_indirect_dma semaphore(%arg20 : memref<!tpu.dma_semaphore, #tpu.memory_space<semaphore_mem>>) src(%dma_wait3A_74 : memref<100000x32xf32, #tpu.memory_space<hbm>>) dst(%arg12 : memref<16x32xf32, #tpu.memory_space<vmem>>)
      %dma_wait3A_75 = tpu.memref_slice %arg10[%mul3A_70] : memref<512xi32, #tpu.memory_space<vmem>> -> memref<16xi32, #tpu.memory_space<vmem>>
      %dma_wait3A_76 = arith.constant 0 : i32
      %dma_wait3A_77 = arith.constant 0 : i32
      %dma_wait3A_78 = tpu.memref_slice %arg7[%dma_wait3A_76, %dma_wait3A_77] : memref<100000x32xf32, #tpu.memory_space<hbm>> -> memref<100000x32xf32, #tpu.memory_space<hbm>>
      tpu.wait_indirect_dma semaphore(%arg20 : memref<!tpu.dma_semaphore, #tpu.memory_space<semaphore_mem>>) src(%dma_wait3A_78 : memref<100000x32xf32, #tpu.memory_space<hbm>>) dst(%arg14 : memref<16x32xf32, #tpu.memory_space<vmem>>)
      %add3A_79 = arith.addi %mul3A_2, %mul3A_70 : i32
      %dma_wait3A_80 = arith.constant 0 : i32
      %dma_wait3A_81 = tpu.memref_slice %arg5[%add3A_79, %dma_wait3A_80] : memref<16384x32xf32, #tpu.memory_space<hbm>> -> memref<16x32xf32, #tpu.memory_space<hbm>>
      %dma_wait3A_82 = arith.constant 0 : i32
      %dma_wait3A_83 = tpu.memref_slice %arg5[%add3A_79, %dma_wait3A_82] : memref<16384x32xf32, #tpu.memory_space<hbm>> -> memref<16x32xf32, #tpu.memory_space<hbm>>
      tpu.wait_dma2 semaphore(%arg20 : memref<!tpu.dma_semaphore, #tpu.memory_space<semaphore_mem>>) src(%dma_wait3A_83 : memref<16x32xf32, #tpu.memory_space<hbm>>) dst(%arg16 : memref<16x32xf32, #tpu.memory_space<vmem>>)
      %mul3A_84 = arith.constant 16 : i32
      %mul3A_85 = arith.muli %mul3A_51, %mul3A_84 : i32
      %ge3A = arith.constant 2 : i32
      %ge3A_86 = arith.cmpi sge, %mul3A_51, %ge3A : i32
      %convert_element_type3A = arith.extui %ge3A_86 : i1 to i32
      %cond3A = arith.constant 0 : i32
      %cond3A_87 = arith.cmpi ne, %convert_element_type3A, %cond3A : i32
      scf.if %cond3A_87 {
        %sub3A = arith.constant 2 : i32
        %sub3A_146 = arith.subi %mul3A_51, %sub3A : i32
        %mul3A_147 = arith.constant 16 : i32
        %mul3A_148 = arith.muli %sub3A_146, %mul3A_147 : i32
        %add3A_149 = arith.addi %mul3A_2, %mul3A_148 : i32
        %dma_wait3A_150 = arith.constant 0 : i32
        %dma_wait3A_151 = tpu.memref_slice %arg8[%add3A_149, %dma_wait3A_150] : memref<16384x97xf32, #tpu.memory_space<hbm>> -> memref<16x97xf32, #tpu.memory_space<hbm>>
        %dma_wait3A_152 = arith.constant 0 : i32
        %dma_wait3A_153 = tpu.memref_slice %arg8[%add3A_149, %dma_wait3A_152] : memref<16384x97xf32, #tpu.memory_space<hbm>> -> memref<16x97xf32, #tpu.memory_space<hbm>>
        tpu.wait_dma2 semaphore(%arg22 : memref<!tpu.dma_semaphore, #tpu.memory_space<semaphore_mem>>) src(%arg18 : memref<16x97xf32, #tpu.memory_space<vmem>>) dst(%dma_wait3A_153 : memref<16x97xf32, #tpu.memory_space<hbm>>)
      } else {
      }
      %scan3A_88 = arith.constant 0 : i32
      %scan3A_89 = arith.constant 0 : i32
      %scan3A_90 = arith.constant 16 : i32
      %scan3A_91 = arith.addi %scan3A_89, %scan3A_90 : i32
      %scan3A_92 = arith.constant 1 : i32
      %scan3A_93 = scf.for %scan3A_146 = %scan3A_89 to %scan3A_91 step %scan3A_92 iter_args(%scan3A_147 = %scan3A_88) -> (i32)  : i32 {
        %get3A_148 = arith.index_cast %scan3A_146 : i32 to index
        %get3A_149 = arith.constant 0 : index
        %get3A_150 = tpu.vector_load %arg12[%get3A_148, %get3A_149] {strides = array<i32>} : memref<16x32xf32, #tpu.memory_space<vmem>>, vector<16xf32>,
        %swap3A = arith.index_cast %scan3A_146 : i32 to index
        %swap3A_151 = arith.constant 0 : index
        %swap3A_152 = tpu.vector_load %arg18[%swap3A, %swap3A_151] {strides = array<i32>} : memref<16x97xf32, #tpu.memory_space<vmem>>, vector<16xf32>,
        tpu.vector_store %arg18[%swap3A, %swap3A_151], %get3A_150 {strides = array<i32>} : memref<16x97xf32, #tpu.memory_space<vmem>>, vector<16xf32>,
        %get3A_153 = arith.index_cast %scan3A_146 : i32 to index
        %get3A_154 = arith.constant 0 : index
        %get3A_155 = tpu.vector_load %arg14[%get3A_153, %get3A_154] {strides = array<i32>} : memref<16x32xf32, #tpu.memory_space<vmem>>, vector<16xf32>,
        %swap3A_156 = arith.index_cast %scan3A_146 : i32 to index
        %swap3A_157 = arith.constant 32 : index
        %swap3A_158 = tpu.vector_load %arg18[%swap3A_156, %swap3A_157] {strides = array<i32>} : memref<16x97xf32, #tpu.memory_space<vmem>>, vector<16xf32>,
        tpu.vector_store %arg18[%swap3A_156, %swap3A_157], %get3A_155 {strides = array<i32>} : memref<16x97xf32, #tpu.memory_space<vmem>>, vector<16xf32>,
        %get3A_159 = arith.index_cast %scan3A_146 : i32 to index
        %get3A_160 = arith.constant 0 : index
        %get3A_161 = tpu.vector_load %arg16[%get3A_159, %get3A_160] {strides = array<i32>} : memref<16x32xf32, #tpu.memory_space<vmem>>, vector<16xf32>,
        %swap3A_162 = arith.index_cast %scan3A_146 : i32 to index
        %swap3A_163 = arith.constant 64 : index
        %swap3A_164 = tpu.vector_load %arg18[%swap3A_162, %swap3A_163] {strides = array<i32>} : memref<16x97xf32, #tpu.memory_space<vmem>>, vector<16xf32>,
        tpu.vector_store %arg18[%swap3A_162, %swap3A_163], %get3A_161 {strides = array<i32>} : memref<16x97xf32, #tpu.memory_space<vmem>>, vector<16xf32>,
        %get3A_165 = arith.index_cast %scan3A_146 : i32 to index
        %get3A_166 = arith.constant 16 : index
        %get3A_167 = tpu.vector_load %arg12[%get3A_165, %get3A_166] {strides = array<i32>} : memref<16x32xf32, #tpu.memory_space<vmem>>, vector<16xf32>,
        %swap3A_168 = arith.index_cast %scan3A_146 : i32 to index
        %swap3A_169 = arith.constant 16 : index
        %swap3A_170 = tpu.vector_load %arg18[%swap3A_168, %swap3A_169] {strides = array<i32>} : memref<16x97xf32, #tpu.memory_space<vmem>>, vector<16xf32>,
        tpu.vector_store %arg18[%swap3A_168, %swap3A_169], %get3A_167 {strides = array<i32>} : memref<16x97xf32, #tpu.memory_space<vmem>>, vector<16xf32>,
        %get3A_171 = arith.index_cast %scan3A_146 : i32 to index
        %get3A_172 = arith.constant 16 : index
        %get3A_173 = tpu.vector_load %arg14[%get3A_171, %get3A_172] {strides = array<i32>} : memref<16x32xf32, #tpu.memory_space<vmem>>, vector<16xf32>,
        %swap3A_174 = arith.index_cast %scan3A_146 : i32 to index
        %swap3A_175 = arith.constant 48 : index
        %swap3A_176 = tpu.vector_load %arg18[%swap3A_174, %swap3A_175] {strides = array<i32>} : memref<16x97xf32, #tpu.memory_space<vmem>>, vector<16xf32>,
        tpu.vector_store %arg18[%swap3A_174, %swap3A_175], %get3A_173 {strides = array<i32>} : memref<16x97xf32, #tpu.memory_space<vmem>>, vector<16xf32>,
        %get3A_177 = arith.index_cast %scan3A_146 : i32 to index
        %get3A_178 = arith.constant 16 : index
        %get3A_179 = tpu.vector_load %arg16[%get3A_177, %get3A_178] {strides = array<i32>} : memref<16x32xf32, #tpu.memory_space<vmem>>, vector<16xf32>,
        %swap3A_180 = arith.index_cast %scan3A_146 : i32 to index
        %swap3A_181 = arith.constant 80 : index
        %swap3A_182 = tpu.vector_load %arg18[%swap3A_180, %swap3A_181] {strides = array<i32>} : memref<16x97xf32, #tpu.memory_space<vmem>>, vector<16xf32>,
        tpu.vector_store %arg18[%swap3A_180, %swap3A_181], %get3A_179 {strides = array<i32>} : memref<16x97xf32, #tpu.memory_space<vmem>>, vector<16xf32>,
        %scan3A_183 = arith.constant 0 : i32
        scf.yield %scan3A_183 : i32
      }
      %scan3A_94 = arith.constant 16 : i32
      %get3A = arith.index_cast %mul3A_85 : i32 to index
      %get3A_95 = tpu.vector_load %arg11[%get3A] {strides = array<i32>} : memref<512xf32, #tpu.memory_space<vmem>>, vector<16xf32>,
      tpu.vector_store_idx %arg18[%iota3A, %broadcast_in_dim3A_13], %get3A_95 : memref<16x97xf32, #tpu.memory_space<vmem>>[vector<16xi32>, vector<16xi32>], vector<16xf32>,
      %add3A_96 = arith.addi %mul3A_2, %mul3A_85 : i32
      %dma_start3A_97 = arith.constant 0 : i32
      %dma_start3A_98 = tpu.memref_slice %arg8[%add3A_96, %dma_start3A_97] : memref<16384x97xf32, #tpu.memory_space<hbm>> -> memref<16x97xf32, #tpu.memory_space<hbm>>
      %dma_start3A_99 = arith.constant 0 : i32
      %dma_start3A_100 = tpu.memref_slice %arg8[%add3A_96, %dma_start3A_99] : memref<16384x97xf32, #tpu.memory_space<hbm>> -> memref<16x97xf32, #tpu.memory_space<hbm>>
      tpu.enqueue_dma source(%arg18 : memref<16x97xf32, #tpu.memory_space<vmem>>) target(%dma_start3A_100 : memref<16x97xf32, #tpu.memory_space<hbm>>) target_semaphore(%arg22 : memref<!tpu.dma_semaphore, #tpu.memory_space<semaphore_mem>>)
      %lt3A = arith.constant 15 : i32
      %lt3A_101 = arith.cmpi slt, %scan3A_48, %lt3A : i32
      %convert_element_type3A_102 = arith.extui %lt3A_101 : i1 to i32
      %cond3A_103 = arith.constant 0 : i32
      %cond3A_104 = arith.cmpi ne, %convert_element_type3A_102, %cond3A_103 : i32
      scf.if %cond3A_104 {
        %add3A_146 = arith.constant 2 : i32
        %add3A_147 = arith.addi %mul3A_51, %add3A_146 : i32
        %mul3A_148 = arith.constant 16 : i32
        %mul3A_149 = arith.muli %add3A_147, %mul3A_148 : i32
        %dma_start3A_150 = tpu.memref_slice %arg9[%mul3A_149] : memref<512xi32, #tpu.memory_space<vmem>> -> memref<16xi32, #tpu.memory_space<vmem>>
        %dma_start3A_151 = arith.constant 0 : i32
        %dma_start3A_152 = arith.constant 0 : i32
        %dma_start3A_153 = tpu.memref_slice %arg6[%dma_start3A_151, %dma_start3A_152] : memref<100000x32xf32, #tpu.memory_space<hbm>> -> memref<100000x32xf32, #tpu.memory_space<hbm>>
        tpu.enqueue_indirect_dma source(%dma_start3A_153 : memref<100000x32xf32, #tpu.memory_space<hbm>>) target(%arg12 : memref<16x32xf32, #tpu.memory_space<vmem>>) offsets(%dma_start3A_150 : memref<16xi32, #tpu.memory_space<vmem>>) semaphore(%arg20 : memref<!tpu.dma_semaphore, #tpu.memory_space<semaphore_mem>>)
        %dma_start3A_154 = tpu.memref_slice %arg10[%mul3A_149] : memref<512xi32, #tpu.memory_space<vmem>> -> memref<16xi32, #tpu.memory_space<vmem>>
        %dma_start3A_155 = arith.constant 0 : i32
        %dma_start3A_156 = arith.constant 0 : i32
        %dma_start3A_157 = tpu.memref_slice %arg7[%dma_start3A_155, %dma_start3A_156] : memref<100000x32xf32, #tpu.memory_space<hbm>> -> memref<100000x32xf32, #tpu.memory_space<hbm>>
        tpu.enqueue_indirect_dma source(%dma_start3A_157 : memref<100000x32xf32, #tpu.memory_space<hbm>>) target(%arg14 : memref<16x32xf32, #tpu.memory_space<vmem>>) offsets(%dma_start3A_154 : memref<16xi32, #tpu.memory_space<vmem>>) semaphore(%arg20 : memref<!tpu.dma_semaphore, #tpu.memory_space<semaphore_mem>>)
        %add3A_158 = arith.addi %mul3A_2, %mul3A_149 : i32
        %dma_start3A_159 = arith.constant 0 : i32
        %dma_start3A_160 = tpu.memref_slice %arg5[%add3A_158, %dma_start3A_159] : memref<16384x32xf32, #tpu.memory_space<hbm>> -> memref<16x32xf32, #tpu.memory_space<hbm>>
        %dma_start3A_161 = arith.constant 0 : i32
        %dma_start3A_162 = tpu.memref_slice %arg5[%add3A_158, %dma_start3A_161] : memref<16384x32xf32, #tpu.memory_space<hbm>> -> memref<16x32xf32, #tpu.memory_space<hbm>>
        tpu.enqueue_dma source(%dma_start3A_162 : memref<16x32xf32, #tpu.memory_space<hbm>>) target(%arg16 : memref<16x32xf32, #tpu.memory_space<vmem>>) target_semaphore(%arg20 : memref<!tpu.dma_semaphore, #tpu.memory_space<semaphore_mem>>)
      } else {
      }
      %add3A_105 = arith.constant 1 : i32
      %add3A_106 = arith.addi %mul3A_51, %add3A_105 : i32
      %mul3A_107 = arith.constant 16 : i32
      %mul3A_108 = arith.muli %add3A_106, %mul3A_107 : i32
      %dma_wait3A_109 = tpu.memref_slice %arg9[%mul3A_108] : memref<512xi32, #tpu.memory_space<vmem>> -> memref<16xi32, #tpu.memory_space<vmem>>
      %dma_wait3A_110 = arith.constant 0 : i32
      %dma_wait3A_111 = arith.constant 0 : i32
      %dma_wait3A_112 = tpu.memref_slice %arg6[%dma_wait3A_110, %dma_wait3A_111] : memref<100000x32xf32, #tpu.memory_space<hbm>> -> memref<100000x32xf32, #tpu.memory_space<hbm>>
      tpu.wait_indirect_dma semaphore(%arg21 : memref<!tpu.dma_semaphore, #tpu.memory_space<semaphore_mem>>) src(%dma_wait3A_112 : memref<100000x32xf32, #tpu.memory_space<hbm>>) dst(%arg13 : memref<16x32xf32, #tpu.memory_space<vmem>>)
      %dma_wait3A_113 = tpu.memref_slice %arg10[%mul3A_108] : memref<512xi32, #tpu.memory_space<vmem>> -> memref<16xi32, #tpu.memory_space<vmem>>
      %dma_wait3A_114 = arith.constant 0 : i32
      %dma_wait3A_115 = arith.constant 0 : i32
      %dma_wait3A_116 = tpu.memref_slice %arg7[%dma_wait3A_114, %dma_wait3A_115] : memref<100000x32xf32, #tpu.memory_space<hbm>> -> memref<100000x32xf32, #tpu.memory_space<hbm>>
      tpu.wait_indirect_dma semaphore(%arg21 : memref<!tpu.dma_semaphore, #tpu.memory_space<semaphore_mem>>) src(%dma_wait3A_116 : memref<100000x32xf32, #tpu.memory_space<hbm>>) dst(%arg15 : memref<16x32xf32, #tpu.memory_space<vmem>>)
      %add3A_117 = arith.addi %mul3A_2, %mul3A_108 : i32
      %dma_wait3A_118 = arith.constant 0 : i32
      %dma_wait3A_119 = tpu.memref_slice %arg5[%add3A_117, %dma_wait3A_118] : memref<16384x32xf32, #tpu.memory_space<hbm>> -> memref<16x32xf32, #tpu.memory_space<hbm>>
      %dma_wait3A_120 = arith.constant 0 : i32
      %dma_wait3A_121 = tpu.memref_slice %arg5[%add3A_117, %dma_wait3A_120] : memref<16384x32xf32, #tpu.memory_space<hbm>> -> memref<16x32xf32, #tpu.memory_space<hbm>>
      tpu.wait_dma2 semaphore(%arg21 : memref<!tpu.dma_semaphore, #tpu.memory_space<semaphore_mem>>) src(%dma_wait3A_121 : memref<16x32xf32, #tpu.memory_space<hbm>>) dst(%arg17 : memref<16x32xf32, #tpu.memory_space<vmem>>)
      %add3A_122 = arith.constant 1 : i32
      %add3A_123 = arith.addi %mul3A_51, %add3A_122 : i32
      %mul3A_124 = arith.constant 16 : i32
      %mul3A_125 = arith.muli %add3A_123, %mul3A_124 : i32
      %ge3A_126 = arith.constant 2 : i32
      %ge3A_127 = arith.cmpi sge, %add3A_123, %ge3A_126 : i32
      %convert_element_type3A_128 = arith.extui %ge3A_127 : i1 to i32
      %cond3A_129 = arith.constant 0 : i32
      %cond3A_130 = arith.cmpi ne, %convert_element_type3A_128, %cond3A_129 : i32
      scf.if %cond3A_130 {
        %sub3A = arith.constant 2 : i32
        %sub3A_146 = arith.subi %add3A_123, %sub3A : i32
        %mul3A_147 = arith.constant 16 : i32
        %mul3A_148 = arith.muli %sub3A_146, %mul3A_147 : i32
        %add3A_149 = arith.addi %mul3A_2, %mul3A_148 : i32
        %dma_wait3A_150 = arith.constant 0 : i32
        %dma_wait3A_151 = tpu.memref_slice %arg8[%add3A_149, %dma_wait3A_150] : memref<16384x97xf32, #tpu.memory_space<hbm>> -> memref<16x97xf32, #tpu.memory_space<hbm>>
        %dma_wait3A_152 = arith.constant 0 : i32
        %dma_wait3A_153 = tpu.memref_slice %arg8[%add3A_149, %dma_wait3A_152] : memref<16384x97xf32, #tpu.memory_space<hbm>> -> memref<16x97xf32, #tpu.memory_space<hbm>>
        tpu.wait_dma2 semaphore(%arg23 : memref<!tpu.dma_semaphore, #tpu.memory_space<semaphore_mem>>) src(%arg19 : memref<16x97xf32, #tpu.memory_space<vmem>>) dst(%dma_wait3A_153 : memref<16x97xf32, #tpu.memory_space<hbm>>)
      } else {
      }
      %scan3A_131 = arith.constant 0 : i32
      %scan3A_132 = arith.constant 0 : i32
      %scan3A_133 = arith.constant 16 : i32
      %scan3A_134 = arith.addi %scan3A_132, %scan3A_133 : i32
      %scan3A_135 = arith.constant 1 : i32
      %scan3A_136 = scf.for %scan3A_146 = %scan3A_132 to %scan3A_134 step %scan3A_135 iter_args(%scan3A_147 = %scan3A_131) -> (i32)  : i32 {
        %get3A_148 = arith.index_cast %scan3A_146 : i32 to index
        %get3A_149 = arith.constant 0 : index
        %get3A_150 = tpu.vector_load %arg13[%get3A_148, %get3A_149] {strides = array<i32>} : memref<16x32xf32, #tpu.memory_space<vmem>>, vector<16xf32>,
        %swap3A = arith.index_cast %scan3A_146 : i32 to index
        %swap3A_151 = arith.constant 0 : index
        %swap3A_152 = tpu.vector_load %arg19[%swap3A, %swap3A_151] {strides = array<i32>} : memref<16x97xf32, #tpu.memory_space<vmem>>, vector<16xf32>,
        tpu.vector_store %arg19[%swap3A, %swap3A_151], %get3A_150 {strides = array<i32>} : memref<16x97xf32, #tpu.memory_space<vmem>>, vector<16xf32>,
        %get3A_153 = arith.index_cast %scan3A_146 : i32 to index
        %get3A_154 = arith.constant 0 : index
        %get3A_155 = tpu.vector_load %arg15[%get3A_153, %get3A_154] {strides = array<i32>} : memref<16x32xf32, #tpu.memory_space<vmem>>, vector<16xf32>,
        %swap3A_156 = arith.index_cast %scan3A_146 : i32 to index
        %swap3A_157 = arith.constant 32 : index
        %swap3A_158 = tpu.vector_load %arg19[%swap3A_156, %swap3A_157] {strides = array<i32>} : memref<16x97xf32, #tpu.memory_space<vmem>>, vector<16xf32>,
        tpu.vector_store %arg19[%swap3A_156, %swap3A_157], %get3A_155 {strides = array<i32>} : memref<16x97xf32, #tpu.memory_space<vmem>>, vector<16xf32>,
        %get3A_159 = arith.index_cast %scan3A_146 : i32 to index
        %get3A_160 = arith.constant 0 : index
        %get3A_161 = tpu.vector_load %arg17[%get3A_159, %get3A_160] {strides = array<i32>} : memref<16x32xf32, #tpu.memory_space<vmem>>, vector<16xf32>,
        %swap3A_162 = arith.index_cast %scan3A_146 : i32 to index
        %swap3A_163 = arith.constant 64 : index
        %swap3A_164 = tpu.vector_load %arg19[%swap3A_162, %swap3A_163] {strides = array<i32>} : memref<16x97xf32, #tpu.memory_space<vmem>>, vector<16xf32>,
        tpu.vector_store %arg19[%swap3A_162, %swap3A_163], %get3A_161 {strides = array<i32>} : memref<16x97xf32, #tpu.memory_space<vmem>>, vector<16xf32>,
        %get3A_165 = arith.index_cast %scan3A_146 : i32 to index
        %get3A_166 = arith.constant 16 : index
        %get3A_167 = tpu.vector_load %arg13[%get3A_165, %get3A_166] {strides = array<i32>} : memref<16x32xf32, #tpu.memory_space<vmem>>, vector<16xf32>,
        %swap3A_168 = arith.index_cast %scan3A_146 : i32 to index
        %swap3A_169 = arith.constant 16 : index
        %swap3A_170 = tpu.vector_load %arg19[%swap3A_168, %swap3A_169] {strides = array<i32>} : memref<16x97xf32, #tpu.memory_space<vmem>>, vector<16xf32>,
        tpu.vector_store %arg19[%swap3A_168, %swap3A_169], %get3A_167 {strides = array<i32>} : memref<16x97xf32, #tpu.memory_space<vmem>>, vector<16xf32>,
        %get3A_171 = arith.index_cast %scan3A_146 : i32 to index
        %get3A_172 = arith.constant 16 : index
        %get3A_173 = tpu.vector_load %arg15[%get3A_171, %get3A_172] {strides = array<i32>} : memref<16x32xf32, #tpu.memory_space<vmem>>, vector<16xf32>,
        %swap3A_174 = arith.index_cast %scan3A_146 : i32 to index
        %swap3A_175 = arith.constant 48 : index
        %swap3A_176 = tpu.vector_load %arg19[%swap3A_174, %swap3A_175] {strides = array<i32>} : memref<16x97xf32, #tpu.memory_space<vmem>>, vector<16xf32>,
        tpu.vector_store %arg19[%swap3A_174, %swap3A_175], %get3A_173 {strides = array<i32>} : memref<16x97xf32, #tpu.memory_space<vmem>>, vector<16xf32>,
        %get3A_177 = arith.index_cast %scan3A_146 : i32 to index
        %get3A_178 = arith.constant 16 : index
        %get3A_179 = tpu.vector_load %arg17[%get3A_177, %get3A_178] {strides = array<i32>} : memref<16x32xf32, #tpu.memory_space<vmem>>, vector<16xf32>,
        %swap3A_180 = arith.index_cast %scan3A_146 : i32 to index
        %swap3A_181 = arith.constant 80 : index
        %swap3A_182 = tpu.vector_load %arg19[%swap3A_180, %swap3A_181] {strides = array<i32>} : memref<16x97xf32, #tpu.memory_space<vmem>>, vector<16xf32>,
        tpu.vector_store %arg19[%swap3A_180, %swap3A_181], %get3A_179 {strides = array<i32>} : memref<16x97xf32, #tpu.memory_space<vmem>>, vector<16xf32>,
        %scan3A_183 = arith.constant 0 : i32
        scf.yield %scan3A_183 : i32
      }
      %scan3A_137 = arith.constant 16 : i32
      %get3A_138 = arith.index_cast %mul3A_125 : i32 to index
      %get3A_139 = tpu.vector_load %arg11[%get3A_138] {strides = array<i32>} : memref<512xf32, #tpu.memory_space<vmem>>, vector<16xf32>,
      tpu.vector_store_idx %arg19[%iota3A, %broadcast_in_dim3A_13], %get3A_139 : memref<16x97xf32, #tpu.memory_space<vmem>>[vector<16xi32>, vector<16xi32>], vector<16xf32>,
      %add3A_140 = arith.addi %mul3A_2, %mul3A_125 : i32
      %dma_start3A_141 = arith.constant 0 : i32
      %dma_start3A_142 = tpu.memref_slice %arg8[%add3A_140, %dma_start3A_141] : memref<16384x97xf32, #tpu.memory_space<hbm>> -> memref<16x97xf32, #tpu.memory_space<hbm>>
      %dma_start3A_143 = arith.constant 0 : i32
      %dma_start3A_144 = tpu.memref_slice %arg8[%add3A_140, %dma_start3A_143] : memref<16384x97xf32, #tpu.memory_space<hbm>> -> memref<16x97xf32, #tpu.memory_space<hbm>>
      tpu.enqueue_dma source(%arg19 : memref<16x97xf32, #tpu.memory_space<vmem>>) target(%dma_start3A_144 : memref<16x97xf32, #tpu.memory_space<hbm>>) target_semaphore(%arg23 : memref<!tpu.dma_semaphore, #tpu.memory_space<semaphore_mem>>)
      %scan3A_145 = arith.constant 0 : i32
      scf.yield %scan3A_145 : i32
    }
    %scan3A_35 = arith.constant 16 : i32
    %add3A_36 = arith.constant 480 : i32
    %add3A_37 = arith.addi %mul3A_2, %add3A_36 : i32
    %dma_wait3A_38 = arith.constant 0 : i32
    %dma_wait3A_39 = tpu.memref_slice %arg8[%add3A_37, %dma_wait3A_38] : memref<16384x97xf32, #tpu.memory_space<hbm>> -> memref<16x97xf32, #tpu.memory_space<hbm>>
    %dma_wait3A_40 = arith.constant 0 : i32
    %dma_wait3A_41 = tpu.memref_slice %arg8[%add3A_37, %dma_wait3A_40] : memref<16384x97xf32, #tpu.memory_space<hbm>> -> memref<16x97xf32, #tpu.memory_space<hbm>>
    tpu.wait_dma2 semaphore(%arg22 : memref<!tpu.dma_semaphore, #tpu.memory_space<semaphore_mem>>) src(%arg18 : memref<16x97xf32, #tpu.memory_space<vmem>>) dst(%dma_wait3A_41 : memref<16x97xf32, #tpu.memory_space<hbm>>)
    %add3A_42 = arith.constant 496 : i32
    %add3A_43 = arith.addi %mul3A_2, %add3A_42 : i32
    %dma_wait3A_44 = arith.constant 0 : i32
    %dma_wait3A_45 = tpu.memref_slice %arg8[%add3A_43, %dma_wait3A_44] : memref<16384x97xf32, #tpu.memory_space<hbm>> -> memref<16x97xf32, #tpu.memory_space<hbm>>
    %dma_wait3A_46 = arith.constant 0 : i32
    %dma_wait3A_47 = tpu.memref_slice %arg8[%add3A_43, %dma_wait3A_46] : memref<16384x97xf32, #tpu.memory_space<hbm>> -> memref<16x97xf32, #tpu.memory_space<hbm>>
    tpu.wait_dma2 semaphore(%arg23 : memref<!tpu.dma_semaphore, #tpu.memory_space<semaphore_mem>>) src(%arg19 : memref<16x97xf32, #tpu.memory_space<vmem>>) dst(%dma_wait3A_47 : memref<16x97xf32, #tpu.memory_space<hbm>>)
    return
  }
}

#map = affine_map<(d0, d1) -> (0)>
#map1 = affine_map<(d0, d1) -> (0, 0)>
module attributes {stable_mosaic.version = 14 : i64} {
  func.func @_h(%arg0: i32, %arg1: i32, %arg2: memref<819200xi32, #tpu.memory_space<hbm>>, %arg3: memref<100000x32xf32, #tpu.memory_space<hbm>>, %arg4: memref<524288xf32, #tpu.memory_space<hbm>>, %arg5: memref<25600xi32, #tpu.memory_space<vmem>>, %arg6: memref<800x32xf32, #tpu.memory_space<vmem>>, %arg7: memref<800x32xf32, #tpu.memory_space<vmem>>, %arg8: memref<512xf32, #tpu.memory_space<vmem>>, %arg9: memref<512xf32, #tpu.memory_space<vmem>>, %arg10: memref<!tpu.dma_semaphore, #tpu.memory_space<semaphore_mem>>, %arg11: memref<!tpu.dma_semaphore, #tpu.memory_space<semaphore_mem>>, %arg12: memref<!tpu.dma_semaphore, #tpu.memory_space<semaphore_mem>>, %arg13: memref<!tpu.dma_semaphore, #tpu.memory_space<semaphore_mem>>) attributes {dimension_semantics = [#tpu.dimension_semantics<core_parallel>, #tpu.dimension_semantics<subcore_parallel>], iteration_bounds = array<i64: 2, 16>, scalar_prefetch = 0 : i64, scratch_operands = 9 : i64, tpu.core_type = #tpu.core_type<sc_vector_subcore>, window_params = [{transform_indices = #map}, {transform_indices = #map1}, {transform_indices = #map}]} {
    %mul3A = arith.constant 2 : i32
    %mul3A_0 = arith.muli %arg1, %mul3A : i32
    %add3A = arith.addi %mul3A_0, %arg0 : i32
    %mul3A_1 = arith.constant 512 : i32
    %mul3A_2 = arith.muli %add3A, %mul3A_1 : i32
    %mul3A_3 = arith.constant 50 : i32
    %mul3A_4 = arith.muli %mul3A_2, %mul3A_3 : i32
    "tpu.region"() ({
      %run_scoped3A = tpu.sem_alloc : memref<!tpu.dma_semaphore, #tpu.memory_space<semaphore_mem>>
      %dma_start3A_77 = tpu.memref_slice %arg2[%mul3A_4] : memref<819200xi32, #tpu.memory_space<hbm>> -> memref<25600xi32, #tpu.memory_space<hbm>>
      %dma_start3A_78 = tpu.memref_slice %arg2[%mul3A_4] : memref<819200xi32, #tpu.memory_space<hbm>> -> memref<25600xi32, #tpu.memory_space<hbm>>
      tpu.enqueue_dma source(%dma_start3A_78 : memref<25600xi32, #tpu.memory_space<hbm>>) target(%arg5 : memref<25600xi32, #tpu.memory_space<vmem>>) target_semaphore(%run_scoped3A : memref<!tpu.dma_semaphore, #tpu.memory_space<semaphore_mem>>)
      %dma_wait3A_79 = tpu.memref_slice %arg2[%mul3A_4] : memref<819200xi32, #tpu.memory_space<hbm>> -> memref<25600xi32, #tpu.memory_space<hbm>>
      %dma_wait3A_80 = tpu.memref_slice %arg2[%mul3A_4] : memref<819200xi32, #tpu.memory_space<hbm>> -> memref<25600xi32, #tpu.memory_space<hbm>>
      tpu.wait_dma2 semaphore(%run_scoped3A : memref<!tpu.dma_semaphore, #tpu.memory_space<semaphore_mem>>) src(%dma_wait3A_80 : memref<25600xi32, #tpu.memory_space<hbm>>) dst(%arg5 : memref<25600xi32, #tpu.memory_space<vmem>>)
      tpu.yield
    }) : () -> ()
    %dma_start3A = arith.constant 0 : i32
    %dma_start3A_5 = arith.constant 0 : i32
    %dma_start3A_6 = tpu.memref_slice %arg6[%dma_start3A, %dma_start3A_5] : memref<800x32xf32, #tpu.memory_space<vmem>> -> memref<128x32xf32, #tpu.memory_space<vmem>>
    %dma_start3A_7 = arith.constant 0 : i32
    %dma_start3A_8 = tpu.memref_slice %arg5[%dma_start3A_7] : memref<25600xi32, #tpu.memory_space<vmem>> -> memref<128xi32, #tpu.memory_space<vmem>>
    %dma_start3A_9 = arith.constant 0 : i32
    %dma_start3A_10 = arith.constant 0 : i32
    %dma_start3A_11 = tpu.memref_slice %arg3[%dma_start3A_9, %dma_start3A_10] : memref<100000x32xf32, #tpu.memory_space<hbm>> -> memref<100000x32xf32, #tpu.memory_space<hbm>>
    tpu.enqueue_indirect_dma source(%dma_start3A_11 : memref<100000x32xf32, #tpu.memory_space<hbm>>) target(%dma_start3A_6 : memref<128x32xf32, #tpu.memory_space<vmem>>) offsets(%dma_start3A_8 : memref<128xi32, #tpu.memory_space<vmem>>) semaphore(%arg10 : memref<!tpu.dma_semaphore, #tpu.memory_space<semaphore_mem>>)
    %dma_start3A_12 = arith.constant 128 : i32
    %dma_start3A_13 = arith.constant 0 : i32
    %dma_start3A_14 = tpu.memref_slice %arg6[%dma_start3A_12, %dma_start3A_13] : memref<800x32xf32, #tpu.memory_space<vmem>> -> memref<128x32xf32, #tpu.memory_space<vmem>>
    %dma_start3A_15 = arith.constant 128 : i32
    %dma_start3A_16 = tpu.memref_slice %arg5[%dma_start3A_15] : memref<25600xi32, #tpu.memory_space<vmem>> -> memref<128xi32, #tpu.memory_space<vmem>>
    %dma_start3A_17 = arith.constant 0 : i32
    %dma_start3A_18 = arith.constant 0 : i32
    %dma_start3A_19 = tpu.memref_slice %arg3[%dma_start3A_17, %dma_start3A_18] : memref<100000x32xf32, #tpu.memory_space<hbm>> -> memref<100000x32xf32, #tpu.memory_space<hbm>>
    tpu.enqueue_indirect_dma source(%dma_start3A_19 : memref<100000x32xf32, #tpu.memory_space<hbm>>) target(%dma_start3A_14 : memref<128x32xf32, #tpu.memory_space<vmem>>) offsets(%dma_start3A_16 : memref<128xi32, #tpu.memory_space<vmem>>) semaphore(%arg10 : memref<!tpu.dma_semaphore, #tpu.memory_space<semaphore_mem>>)
    %dma_start3A_20 = arith.constant 256 : i32
    %dma_start3A_21 = arith.constant 0 : i32
    %dma_start3A_22 = tpu.memref_slice %arg6[%dma_start3A_20, %dma_start3A_21] : memref<800x32xf32, #tpu.memory_space<vmem>> -> memref<128x32xf32, #tpu.memory_space<vmem>>
    %dma_start3A_23 = arith.constant 256 : i32
    %dma_start3A_24 = tpu.memref_slice %arg5[%dma_start3A_23] : memref<25600xi32, #tpu.memory_space<vmem>> -> memref<128xi32, #tpu.memory_space<vmem>>
    %dma_start3A_25 = arith.constant 0 : i32
    %dma_start3A_26 = arith.constant 0 : i32
    %dma_start3A_27 = tpu.memref_slice %arg3[%dma_start3A_25, %dma_start3A_26] : memref<100000x32xf32, #tpu.memory_space<hbm>> -> memref<100000x32xf32, #tpu.memory_space<hbm>>
    tpu.enqueue_indirect_dma source(%dma_start3A_27 : memref<100000x32xf32, #tpu.memory_space<hbm>>) target(%dma_start3A_22 : memref<128x32xf32, #tpu.memory_space<vmem>>) offsets(%dma_start3A_24 : memref<128xi32, #tpu.memory_space<vmem>>) semaphore(%arg10 : memref<!tpu.dma_semaphore, #tpu.memory_space<semaphore_mem>>)
    %dma_start3A_28 = arith.constant 384 : i32
    %dma_start3A_29 = arith.constant 0 : i32
    %dma_start3A_30 = tpu.memref_slice %arg6[%dma_start3A_28, %dma_start3A_29] : memref<800x32xf32, #tpu.memory_space<vmem>> -> memref<128x32xf32, #tpu.memory_space<vmem>>
    %dma_start3A_31 = arith.constant 384 : i32
    %dma_start3A_32 = tpu.memref_slice %arg5[%dma_start3A_31] : memref<25600xi32, #tpu.memory_space<vmem>> -> memref<128xi32, #tpu.memory_space<vmem>>
    %dma_start3A_33 = arith.constant 0 : i32
    %dma_start3A_34 = arith.constant 0 : i32
    %dma_start3A_35 = tpu.memref_slice %arg3[%dma_start3A_33, %dma_start3A_34] : memref<100000x32xf32, #tpu.memory_space<hbm>> -> memref<100000x32xf32, #tpu.memory_space<hbm>>
    tpu.enqueue_indirect_dma source(%dma_start3A_35 : memref<100000x32xf32, #tpu.memory_space<hbm>>) target(%dma_start3A_30 : memref<128x32xf32, #tpu.memory_space<vmem>>) offsets(%dma_start3A_32 : memref<128xi32, #tpu.memory_space<vmem>>) semaphore(%arg10 : memref<!tpu.dma_semaphore, #tpu.memory_space<semaphore_mem>>)
    %dma_start3A_36 = arith.constant 512 : i32
    %dma_start3A_37 = arith.constant 0 : i32
    %dma_start3A_38 = tpu.memref_slice %arg6[%dma_start3A_36, %dma_start3A_37] : memref<800x32xf32, #tpu.memory_space<vmem>> -> memref<128x32xf32, #tpu.memory_space<vmem>>
    %dma_start3A_39 = arith.constant 512 : i32
    %dma_start3A_40 = tpu.memref_slice %arg5[%dma_start3A_39] : memref<25600xi32, #tpu.memory_space<vmem>> -> memref<128xi32, #tpu.memory_space<vmem>>
    %dma_start3A_41 = arith.constant 0 : i32
    %dma_start3A_42 = arith.constant 0 : i32
    %dma_start3A_43 = tpu.memref_slice %arg3[%dma_start3A_41, %dma_start3A_42] : memref<100000x32xf32, #tpu.memory_space<hbm>> -> memref<100000x32xf32, #tpu.memory_space<hbm>>
    tpu.enqueue_indirect_dma source(%dma_start3A_43 : memref<100000x32xf32, #tpu.memory_space<hbm>>) target(%dma_start3A_38 : memref<128x32xf32, #tpu.memory_space<vmem>>) offsets(%dma_start3A_40 : memref<128xi32, #tpu.memory_space<vmem>>) semaphore(%arg10 : memref<!tpu.dma_semaphore, #tpu.memory_space<semaphore_mem>>)
    %dma_start3A_44 = arith.constant 640 : i32
    %dma_start3A_45 = arith.constant 0 : i32
    %dma_start3A_46 = tpu.memref_slice %arg6[%dma_start3A_44, %dma_start3A_45] : memref<800x32xf32, #tpu.memory_space<vmem>> -> memref<128x32xf32, #tpu.memory_space<vmem>>
    %dma_start3A_47 = arith.constant 640 : i32
    %dma_start3A_48 = tpu.memref_slice %arg5[%dma_start3A_47] : memref<25600xi32, #tpu.memory_space<vmem>> -> memref<128xi32, #tpu.memory_space<vmem>>
    %dma_start3A_49 = arith.constant 0 : i32
    %dma_start3A_50 = arith.constant 0 : i32
    %dma_start3A_51 = tpu.memref_slice %arg3[%dma_start3A_49, %dma_start3A_50] : memref<100000x32xf32, #tpu.memory_space<hbm>> -> memref<100000x32xf32, #tpu.memory_space<hbm>>
    tpu.enqueue_indirect_dma source(%dma_start3A_51 : memref<100000x32xf32, #tpu.memory_space<hbm>>) target(%dma_start3A_46 : memref<128x32xf32, #tpu.memory_space<vmem>>) offsets(%dma_start3A_48 : memref<128xi32, #tpu.memory_space<vmem>>) semaphore(%arg10 : memref<!tpu.dma_semaphore, #tpu.memory_space<semaphore_mem>>)
    %dma_start3A_52 = arith.constant 768 : i32
    %dma_start3A_53 = arith.constant 0 : i32
    %dma_start3A_54 = tpu.memref_slice %arg6[%dma_start3A_52, %dma_start3A_53] : memref<800x32xf32, #tpu.memory_space<vmem>> -> memref<32x32xf32, #tpu.memory_space<vmem>>
    %dma_start3A_55 = arith.constant 768 : i32
    %dma_start3A_56 = tpu.memref_slice %arg5[%dma_start3A_55] : memref<25600xi32, #tpu.memory_space<vmem>> -> memref<32xi32, #tpu.memory_space<vmem>>
    %dma_start3A_57 = arith.constant 0 : i32
    %dma_start3A_58 = arith.constant 0 : i32
    %dma_start3A_59 = tpu.memref_slice %arg3[%dma_start3A_57, %dma_start3A_58] : memref<100000x32xf32, #tpu.memory_space<hbm>> -> memref<100000x32xf32, #tpu.memory_space<hbm>>
    tpu.enqueue_indirect_dma source(%dma_start3A_59 : memref<100000x32xf32, #tpu.memory_space<hbm>>) target(%dma_start3A_54 : memref<32x32xf32, #tpu.memory_space<vmem>>) offsets(%dma_start3A_56 : memref<32xi32, #tpu.memory_space<vmem>>) semaphore(%arg10 : memref<!tpu.dma_semaphore, #tpu.memory_space<semaphore_mem>>)
    %scan3A = arith.constant 0 : i32
    %scan3A_60 = arith.constant 0 : i32
    %scan3A_61 = arith.constant 16 : i32
    %scan3A_62 = arith.addi %scan3A_60, %scan3A_61 : i32
    %scan3A_63 = arith.constant 1 : i32
    %scan3A_64 = scf.for %scan3A_77 = %scan3A_60 to %scan3A_62 step %scan3A_63 iter_args(%scan3A_78 = %scan3A) -> (i32)  : i32 {
      %mul3A_79 = arith.constant 2 : i32
      %mul3A_80 = arith.muli %scan3A_77, %mul3A_79 : i32
      %add3A_81 = arith.constant 1 : i32
      %add3A_82 = arith.addi %mul3A_80, %add3A_81 : i32
      %mul3A_83 = arith.constant 16 : i32
      %mul3A_84 = arith.muli %add3A_82, %mul3A_83 : i32
      %mul3A_85 = arith.constant 50 : i32
      %mul3A_86 = arith.muli %mul3A_84, %mul3A_85 : i32
      %add3A_87 = arith.constant 0 : i32
      %add3A_88 = arith.addi %mul3A_86, %add3A_87 : i32
      %dma_start3A_89 = arith.constant 0 : i32
      %dma_start3A_90 = arith.constant 0 : i32
      %dma_start3A_91 = tpu.memref_slice %arg7[%dma_start3A_89, %dma_start3A_90] : memref<800x32xf32, #tpu.memory_space<vmem>> -> memref<128x32xf32, #tpu.memory_space<vmem>>
      %dma_start3A_92 = tpu.memref_slice %arg5[%add3A_88] : memref<25600xi32, #tpu.memory_space<vmem>> -> memref<128xi32, #tpu.memory_space<vmem>>
      %dma_start3A_93 = arith.constant 0 : i32
      %dma_start3A_94 = arith.constant 0 : i32
      %dma_start3A_95 = tpu.memref_slice %arg3[%dma_start3A_93, %dma_start3A_94] : memref<100000x32xf32, #tpu.memory_space<hbm>> -> memref<100000x32xf32, #tpu.memory_space<hbm>>
      tpu.enqueue_indirect_dma source(%dma_start3A_95 : memref<100000x32xf32, #tpu.memory_space<hbm>>) target(%dma_start3A_91 : memref<128x32xf32, #tpu.memory_space<vmem>>) offsets(%dma_start3A_92 : memref<128xi32, #tpu.memory_space<vmem>>) semaphore(%arg11 : memref<!tpu.dma_semaphore, #tpu.memory_space<semaphore_mem>>)
      %add3A_96 = arith.constant 128 : i32
      %add3A_97 = arith.addi %mul3A_86, %add3A_96 : i32
      %dma_start3A_98 = arith.constant 128 : i32
      %dma_start3A_99 = arith.constant 0 : i32
      %dma_start3A_100 = tpu.memref_slice %arg7[%dma_start3A_98, %dma_start3A_99] : memref<800x32xf32, #tpu.memory_space<vmem>> -> memref<128x32xf32, #tpu.memory_space<vmem>>
      %dma_start3A_101 = tpu.memref_slice %arg5[%add3A_97] : memref<25600xi32, #tpu.memory_space<vmem>> -> memref<128xi32, #tpu.memory_space<vmem>>
      %dma_start3A_102 = arith.constant 0 : i32
      %dma_start3A_103 = arith.constant 0 : i32
      %dma_start3A_104 = tpu.memref_slice %arg3[%dma_start3A_102, %dma_start3A_103] : memref<100000x32xf32, #tpu.memory_space<hbm>> -> memref<100000x32xf32, #tpu.memory_space<hbm>>
      tpu.enqueue_indirect_dma source(%dma_start3A_104 : memref<100000x32xf32, #tpu.memory_space<hbm>>) target(%dma_start3A_100 : memref<128x32xf32, #tpu.memory_space<vmem>>) offsets(%dma_start3A_101 : memref<128xi32, #tpu.memory_space<vmem>>) semaphore(%arg11 : memref<!tpu.dma_semaphore, #tpu.memory_space<semaphore_mem>>)
      %add3A_105 = arith.constant 256 : i32
      %add3A_106 = arith.addi %mul3A_86, %add3A_105 : i32
      %dma_start3A_107 = arith.constant 256 : i32
      %dma_start3A_108 = arith.constant 0 : i32
      %dma_start3A_109 = tpu.memref_slice %arg7[%dma_start3A_107, %dma_start3A_108] : memref<800x32xf32, #tpu.memory_space<vmem>> -> memref<128x32xf32, #tpu.memory_space<vmem>>
      %dma_start3A_110 = tpu.memref_slice %arg5[%add3A_106] : memref<25600xi32, #tpu.memory_space<vmem>> -> memref<128xi32, #tpu.memory_space<vmem>>
      %dma_start3A_111 = arith.constant 0 : i32
      %dma_start3A_112 = arith.constant 0 : i32
      %dma_start3A_113 = tpu.memref_slice %arg3[%dma_start3A_111, %dma_start3A_112] : memref<100000x32xf32, #tpu.memory_space<hbm>> -> memref<100000x32xf32, #tpu.memory_space<hbm>>
      tpu.enqueue_indirect_dma source(%dma_start3A_113 : memref<100000x32xf32, #tpu.memory_space<hbm>>) target(%dma_start3A_109 : memref<128x32xf32, #tpu.memory_space<vmem>>) offsets(%dma_start3A_110 : memref<128xi32, #tpu.memory_space<vmem>>) semaphore(%arg11 : memref<!tpu.dma_semaphore, #tpu.memory_space<semaphore_mem>>)
      %add3A_114 = arith.constant 384 : i32
      %add3A_115 = arith.addi %mul3A_86, %add3A_114 : i32
      %dma_start3A_116 = arith.constant 384 : i32
      %dma_start3A_117 = arith.constant 0 : i32
      %dma_start3A_118 = tpu.memref_slice %arg7[%dma_start3A_116, %dma_start3A_117] : memref<800x32xf32, #tpu.memory_space<vmem>> -> memref<128x32xf32, #tpu.memory_space<vmem>>
      %dma_start3A_119 = tpu.memref_slice %arg5[%add3A_115] : memref<25600xi32, #tpu.memory_space<vmem>> -> memref<128xi32, #tpu.memory_space<vmem>>
      %dma_start3A_120 = arith.constant 0 : i32
      %dma_start3A_121 = arith.constant 0 : i32
      %dma_start3A_122 = tpu.memref_slice %arg3[%dma_start3A_120, %dma_start3A_121] : memref<100000x32xf32, #tpu.memory_space<hbm>> -> memref<100000x32xf32, #tpu.memory_space<hbm>>
      tpu.enqueue_indirect_dma source(%dma_start3A_122 : memref<100000x32xf32, #tpu.memory_space<hbm>>) target(%dma_start3A_118 : memref<128x32xf32, #tpu.memory_space<vmem>>) offsets(%dma_start3A_119 : memref<128xi32, #tpu.memory_space<vmem>>) semaphore(%arg11 : memref<!tpu.dma_semaphore, #tpu.memory_space<semaphore_mem>>)
      %add3A_123 = arith.constant 512 : i32
      %add3A_124 = arith.addi %mul3A_86, %add3A_123 : i32
      %dma_start3A_125 = arith.constant 512 : i32
      %dma_start3A_126 = arith.constant 0 : i32
      %dma_start3A_127 = tpu.memref_slice %arg7[%dma_start3A_125, %dma_start3A_126] : memref<800x32xf32, #tpu.memory_space<vmem>> -> memref<128x32xf32, #tpu.memory_space<vmem>>
      %dma_start3A_128 = tpu.memref_slice %arg5[%add3A_124] : memref<25600xi32, #tpu.memory_space<vmem>> -> memref<128xi32, #tpu.memory_space<vmem>>
      %dma_start3A_129 = arith.constant 0 : i32
      %dma_start3A_130 = arith.constant 0 : i32
      %dma_start3A_131 = tpu.memref_slice %arg3[%dma_start3A_129, %dma_start3A_130] : memref<100000x32xf32, #tpu.memory_space<hbm>> -> memref<100000x32xf32, #tpu.memory_space<hbm>>
      tpu.enqueue_indirect_dma source(%dma_start3A_131 : memref<100000x32xf32, #tpu.memory_space<hbm>>) target(%dma_start3A_127 : memref<128x32xf32, #tpu.memory_space<vmem>>) offsets(%dma_start3A_128 : memref<128xi32, #tpu.memory_space<vmem>>) semaphore(%arg11 : memref<!tpu.dma_semaphore, #tpu.memory_space<semaphore_mem>>)
      %add3A_132 = arith.constant 640 : i32
      %add3A_133 = arith.addi %mul3A_86, %add3A_132 : i32
      %dma_start3A_134 = arith.constant 640 : i32
      %dma_start3A_135 = arith.constant 0 : i32
      %dma_start3A_136 = tpu.memref_slice %arg7[%dma_start3A_134, %dma_start3A_135] : memref<800x32xf32, #tpu.memory_space<vmem>> -> memref<128x32xf32, #tpu.memory_space<vmem>>
      %dma_start3A_137 = tpu.memref_slice %arg5[%add3A_133] : memref<25600xi32, #tpu.memory_space<vmem>> -> memref<128xi32, #tpu.memory_space<vmem>>
      %dma_start3A_138 = arith.constant 0 : i32
      %dma_start3A_139 = arith.constant 0 : i32
      %dma_start3A_140 = tpu.memref_slice %arg3[%dma_start3A_138, %dma_start3A_139] : memref<100000x32xf32, #tpu.memory_space<hbm>> -> memref<100000x32xf32, #tpu.memory_space<hbm>>
      tpu.enqueue_indirect_dma source(%dma_start3A_140 : memref<100000x32xf32, #tpu.memory_space<hbm>>) target(%dma_start3A_136 : memref<128x32xf32, #tpu.memory_space<vmem>>) offsets(%dma_start3A_137 : memref<128xi32, #tpu.memory_space<vmem>>) semaphore(%arg11 : memref<!tpu.dma_semaphore, #tpu.memory_space<semaphore_mem>>)
      %add3A_141 = arith.constant 768 : i32
      %add3A_142 = arith.addi %mul3A_86, %add3A_141 : i32
      %dma_start3A_143 = arith.constant 768 : i32
      %dma_start3A_144 = arith.constant 0 : i32
      %dma_start3A_145 = tpu.memref_slice %arg7[%dma_start3A_143, %dma_start3A_144] : memref<800x32xf32, #tpu.memory_space<vmem>> -> memref<32x32xf32, #tpu.memory_space<vmem>>
      %dma_start3A_146 = tpu.memref_slice %arg5[%add3A_142] : memref<25600xi32, #tpu.memory_space<vmem>> -> memref<32xi32, #tpu.memory_space<vmem>>
      %dma_start3A_147 = arith.constant 0 : i32
      %dma_start3A_148 = arith.constant 0 : i32
      %dma_start3A_149 = tpu.memref_slice %arg3[%dma_start3A_147, %dma_start3A_148] : memref<100000x32xf32, #tpu.memory_space<hbm>> -> memref<100000x32xf32, #tpu.memory_space<hbm>>
      tpu.enqueue_indirect_dma source(%dma_start3A_149 : memref<100000x32xf32, #tpu.memory_space<hbm>>) target(%dma_start3A_145 : memref<32x32xf32, #tpu.memory_space<vmem>>) offsets(%dma_start3A_146 : memref<32xi32, #tpu.memory_space<vmem>>) semaphore(%arg11 : memref<!tpu.dma_semaphore, #tpu.memory_space<semaphore_mem>>)
      %mul3A_150 = arith.constant 16 : i32
      %mul3A_151 = arith.muli %mul3A_80, %mul3A_150 : i32
      %mul3A_152 = arith.constant 50 : i32
      %mul3A_153 = arith.muli %mul3A_151, %mul3A_152 : i32
      %add3A_154 = arith.constant 0 : i32
      %add3A_155 = arith.addi %mul3A_153, %add3A_154 : i32
      %dma_wait3A_156 = arith.constant 0 : i32
      %dma_wait3A_157 = arith.constant 0 : i32
      %dma_wait3A_158 = tpu.memref_slice %arg6[%dma_wait3A_156, %dma_wait3A_157] : memref<800x32xf32, #tpu.memory_space<vmem>> -> memref<128x32xf32, #tpu.memory_space<vmem>>
      %dma_wait3A_159 = tpu.memref_slice %arg5[%add3A_155] : memref<25600xi32, #tpu.memory_space<vmem>> -> memref<128xi32, #tpu.memory_space<vmem>>
      %dma_wait3A_160 = arith.constant 0 : i32
      %dma_wait3A_161 = arith.constant 0 : i32
      %dma_wait3A_162 = tpu.memref_slice %arg3[%dma_wait3A_160, %dma_wait3A_161] : memref<100000x32xf32, #tpu.memory_space<hbm>> -> memref<100000x32xf32, #tpu.memory_space<hbm>>
      tpu.wait_indirect_dma semaphore(%arg10 : memref<!tpu.dma_semaphore, #tpu.memory_space<semaphore_mem>>) src(%dma_wait3A_162 : memref<100000x32xf32, #tpu.memory_space<hbm>>) dst(%dma_wait3A_158 : memref<128x32xf32, #tpu.memory_space<vmem>>)
      %add3A_163 = arith.constant 128 : i32
      %add3A_164 = arith.addi %mul3A_153, %add3A_163 : i32
      %dma_wait3A_165 = arith.constant 128 : i32
      %dma_wait3A_166 = arith.constant 0 : i32
      %dma_wait3A_167 = tpu.memref_slice %arg6[%dma_wait3A_165, %dma_wait3A_166] : memref<800x32xf32, #tpu.memory_space<vmem>> -> memref<128x32xf32, #tpu.memory_space<vmem>>
      %dma_wait3A_168 = tpu.memref_slice %arg5[%add3A_164] : memref<25600xi32, #tpu.memory_space<vmem>> -> memref<128xi32, #tpu.memory_space<vmem>>
      %dma_wait3A_169 = arith.constant 0 : i32
      %dma_wait3A_170 = arith.constant 0 : i32
      %dma_wait3A_171 = tpu.memref_slice %arg3[%dma_wait3A_169, %dma_wait3A_170] : memref<100000x32xf32, #tpu.memory_space<hbm>> -> memref<100000x32xf32, #tpu.memory_space<hbm>>
      tpu.wait_indirect_dma semaphore(%arg10 : memref<!tpu.dma_semaphore, #tpu.memory_space<semaphore_mem>>) src(%dma_wait3A_171 : memref<100000x32xf32, #tpu.memory_space<hbm>>) dst(%dma_wait3A_167 : memref<128x32xf32, #tpu.memory_space<vmem>>)
      %add3A_172 = arith.constant 256 : i32
      %add3A_173 = arith.addi %mul3A_153, %add3A_172 : i32
      %dma_wait3A_174 = arith.constant 256 : i32
      %dma_wait3A_175 = arith.constant 0 : i32
      %dma_wait3A_176 = tpu.memref_slice %arg6[%dma_wait3A_174, %dma_wait3A_175] : memref<800x32xf32, #tpu.memory_space<vmem>> -> memref<128x32xf32, #tpu.memory_space<vmem>>
      %dma_wait3A_177 = tpu.memref_slice %arg5[%add3A_173] : memref<25600xi32, #tpu.memory_space<vmem>> -> memref<128xi32, #tpu.memory_space<vmem>>
      %dma_wait3A_178 = arith.constant 0 : i32
      %dma_wait3A_179 = arith.constant 0 : i32
      %dma_wait3A_180 = tpu.memref_slice %arg3[%dma_wait3A_178, %dma_wait3A_179] : memref<100000x32xf32, #tpu.memory_space<hbm>> -> memref<100000x32xf32, #tpu.memory_space<hbm>>
      tpu.wait_indirect_dma semaphore(%arg10 : memref<!tpu.dma_semaphore, #tpu.memory_space<semaphore_mem>>) src(%dma_wait3A_180 : memref<100000x32xf32, #tpu.memory_space<hbm>>) dst(%dma_wait3A_176 : memref<128x32xf32, #tpu.memory_space<vmem>>)
      %add3A_181 = arith.constant 384 : i32
      %add3A_182 = arith.addi %mul3A_153, %add3A_181 : i32
      %dma_wait3A_183 = arith.constant 384 : i32
      %dma_wait3A_184 = arith.constant 0 : i32
      %dma_wait3A_185 = tpu.memref_slice %arg6[%dma_wait3A_183, %dma_wait3A_184] : memref<800x32xf32, #tpu.memory_space<vmem>> -> memref<128x32xf32, #tpu.memory_space<vmem>>
      %dma_wait3A_186 = tpu.memref_slice %arg5[%add3A_182] : memref<25600xi32, #tpu.memory_space<vmem>> -> memref<128xi32, #tpu.memory_space<vmem>>
      %dma_wait3A_187 = arith.constant 0 : i32
      %dma_wait3A_188 = arith.constant 0 : i32
      %dma_wait3A_189 = tpu.memref_slice %arg3[%dma_wait3A_187, %dma_wait3A_188] : memref<100000x32xf32, #tpu.memory_space<hbm>> -> memref<100000x32xf32, #tpu.memory_space<hbm>>
      tpu.wait_indirect_dma semaphore(%arg10 : memref<!tpu.dma_semaphore, #tpu.memory_space<semaphore_mem>>) src(%dma_wait3A_189 : memref<100000x32xf32, #tpu.memory_space<hbm>>) dst(%dma_wait3A_185 : memref<128x32xf32, #tpu.memory_space<vmem>>)
      %add3A_190 = arith.constant 512 : i32
      %add3A_191 = arith.addi %mul3A_153, %add3A_190 : i32
      %dma_wait3A_192 = arith.constant 512 : i32
      %dma_wait3A_193 = arith.constant 0 : i32
      %dma_wait3A_194 = tpu.memref_slice %arg6[%dma_wait3A_192, %dma_wait3A_193] : memref<800x32xf32, #tpu.memory_space<vmem>> -> memref<128x32xf32, #tpu.memory_space<vmem>>
      %dma_wait3A_195 = tpu.memref_slice %arg5[%add3A_191] : memref<25600xi32, #tpu.memory_space<vmem>> -> memref<128xi32, #tpu.memory_space<vmem>>
      %dma_wait3A_196 = arith.constant 0 : i32
      %dma_wait3A_197 = arith.constant 0 : i32
      %dma_wait3A_198 = tpu.memref_slice %arg3[%dma_wait3A_196, %dma_wait3A_197] : memref<100000x32xf32, #tpu.memory_space<hbm>> -> memref<100000x32xf32, #tpu.memory_space<hbm>>
      tpu.wait_indirect_dma semaphore(%arg10 : memref<!tpu.dma_semaphore, #tpu.memory_space<semaphore_mem>>) src(%dma_wait3A_198 : memref<100000x32xf32, #tpu.memory_space<hbm>>) dst(%dma_wait3A_194 : memref<128x32xf32, #tpu.memory_space<vmem>>)
      %add3A_199 = arith.constant 640 : i32
      %add3A_200 = arith.addi %mul3A_153, %add3A_199 : i32
      %dma_wait3A_201 = arith.constant 640 : i32
      %dma_wait3A_202 = arith.constant 0 : i32
      %dma_wait3A_203 = tpu.memref_slice %arg6[%dma_wait3A_201, %dma_wait3A_202] : memref<800x32xf32, #tpu.memory_space<vmem>> -> memref<128x32xf32, #tpu.memory_space<vmem>>
      %dma_wait3A_204 = tpu.memref_slice %arg5[%add3A_200] : memref<25600xi32, #tpu.memory_space<vmem>> -> memref<128xi32, #tpu.memory_space<vmem>>
      %dma_wait3A_205 = arith.constant 0 : i32
      %dma_wait3A_206 = arith.constant 0 : i32
      %dma_wait3A_207 = tpu.memref_slice %arg3[%dma_wait3A_205, %dma_wait3A_206] : memref<100000x32xf32, #tpu.memory_space<hbm>> -> memref<100000x32xf32, #tpu.memory_space<hbm>>
      tpu.wait_indirect_dma semaphore(%arg10 : memref<!tpu.dma_semaphore, #tpu.memory_space<semaphore_mem>>) src(%dma_wait3A_207 : memref<100000x32xf32, #tpu.memory_space<hbm>>) dst(%dma_wait3A_203 : memref<128x32xf32, #tpu.memory_space<vmem>>)
      %add3A_208 = arith.constant 768 : i32
      %add3A_209 = arith.addi %mul3A_153, %add3A_208 : i32
      %dma_wait3A_210 = arith.constant 768 : i32
      %dma_wait3A_211 = arith.constant 0 : i32
      %dma_wait3A_212 = tpu.memref_slice %arg6[%dma_wait3A_210, %dma_wait3A_211] : memref<800x32xf32, #tpu.memory_space<vmem>> -> memref<32x32xf32, #tpu.memory_space<vmem>>
      %dma_wait3A_213 = tpu.memref_slice %arg5[%add3A_209] : memref<25600xi32, #tpu.memory_space<vmem>> -> memref<32xi32, #tpu.memory_space<vmem>>
      %dma_wait3A_214 = arith.constant 0 : i32
      %dma_wait3A_215 = arith.constant 0 : i32
      %dma_wait3A_216 = tpu.memref_slice %arg3[%dma_wait3A_214, %dma_wait3A_215] : memref<100000x32xf32, #tpu.memory_space<hbm>> -> memref<100000x32xf32, #tpu.memory_space<hbm>>
      tpu.wait_indirect_dma semaphore(%arg10 : memref<!tpu.dma_semaphore, #tpu.memory_space<semaphore_mem>>) src(%dma_wait3A_216 : memref<100000x32xf32, #tpu.memory_space<hbm>>) dst(%dma_wait3A_212 : memref<32x32xf32, #tpu.memory_space<vmem>>)
      %mul3A_217 = arith.constant 16 : i32
      %mul3A_218 = arith.muli %mul3A_80, %mul3A_217 : i32
      %ge3A = arith.constant 2 : i32
      %ge3A_219 = arith.cmpi sge, %mul3A_80, %ge3A : i32
      %convert_element_type3A = arith.extui %ge3A_219 : i1 to i32
      %cond3A = arith.constant 0 : i32
      %cond3A_220 = arith.cmpi ne, %convert_element_type3A, %cond3A : i32
      scf.if %cond3A_220 {
        %sub3A = arith.constant 2 : i32
        %sub3A_328 = arith.subi %mul3A_80, %sub3A : i32
        %mul3A_329 = arith.constant 16 : i32
        %mul3A_330 = arith.muli %sub3A_328, %mul3A_329 : i32
        %add3A_331 = arith.addi %mul3A_2, %mul3A_330 : i32
        %mul3A_332 = arith.constant 32 : i32
        %mul3A_333 = arith.muli %add3A_331, %mul3A_332 : i32
        %dma_wait3A_334 = tpu.memref_slice %arg4[%mul3A_333] : memref<524288xf32, #tpu.memory_space<hbm>> -> memref<512xf32, #tpu.memory_space<hbm>>
        %dma_wait3A_335 = tpu.memref_slice %arg4[%mul3A_333] : memref<524288xf32, #tpu.memory_space<hbm>> -> memref<512xf32, #tpu.memory_space<hbm>>
        tpu.wait_dma2 semaphore(%arg12 : memref<!tpu.dma_semaphore, #tpu.memory_space<semaphore_mem>>) src(%arg8 : memref<512xf32, #tpu.memory_space<vmem>>) dst(%dma_wait3A_335 : memref<512xf32, #tpu.memory_space<hbm>>)
      } else {
      }
      %scan3A_221 = arith.constant 0 : i32
      %scan3A_222 = arith.constant 0 : i32
      %scan3A_223 = arith.constant 16 : i32
      %scan3A_224 = arith.addi %scan3A_222, %scan3A_223 : i32
      %scan3A_225 = arith.constant 1 : i32
      %scan3A_226 = scf.for %scan3A_328 = %scan3A_222 to %scan3A_224 step %scan3A_225 iter_args(%scan3A_329 = %scan3A_221) -> (i32)  : i32 {
        %mul3A_330 = arith.constant 50 : i32
        %mul3A_331 = arith.muli %scan3A_328, %mul3A_330 : i32
        %add3A_332 = arith.constant 0 : i32
        %add3A_333 = arith.addi %mul3A_331, %add3A_332 : i32
        %get3A = arith.index_cast %add3A_333 : i32 to index
        %get3A_334 = arith.constant 0 : index
        %get3A_335 = tpu.vector_load %arg6[%get3A, %get3A_334] {strides = array<i32>} : memref<800x32xf32, #tpu.memory_space<vmem>>, vector<16xf32>,
        %mul3A_336 = arith.constant 50 : i32
        %mul3A_337 = arith.muli %scan3A_328, %mul3A_336 : i32
        %add3A_338 = arith.constant 1 : i32
        %add3A_339 = arith.addi %mul3A_337, %add3A_338 : i32
        %get3A_340 = arith.index_cast %add3A_339 : i32 to index
        %get3A_341 = arith.constant 0 : index
        %get3A_342 = tpu.vector_load %arg6[%get3A_340, %get3A_341] {strides = array<i32>} : memref<800x32xf32, #tpu.memory_space<vmem>>, vector<16xf32>,
        %mul3A_343 = arith.constant 50 : i32
        %mul3A_344 = arith.muli %scan3A_328, %mul3A_343 : i32
        %add3A_345 = arith.constant 2 : i32
        %add3A_346 = arith.addi %mul3A_344, %add3A_345 : i32
        %get3A_347 = arith.index_cast %add3A_346 : i32 to index
        %get3A_348 = arith.constant 0 : index
        %get3A_349 = tpu.vector_load %arg6[%get3A_347, %get3A_348] {strides = array<i32>} : memref<800x32xf32, #tpu.memory_space<vmem>>, vector<16xf32>,
        %mul3A_350 = arith.constant 50 : i32
        %mul3A_351 = arith.muli %scan3A_328, %mul3A_350 : i32
        %add3A_352 = arith.constant 3 : i32
        %add3A_353 = arith.addi %mul3A_351, %add3A_352 : i32
        %get3A_354 = arith.index_cast %add3A_353 : i32 to index
        %get3A_355 = arith.constant 0 : index
        %get3A_356 = tpu.vector_load %arg6[%get3A_354, %get3A_355] {strides = array<i32>} : memref<800x32xf32, #tpu.memory_space<vmem>>, vector<16xf32>,
        %mul3A_357 = arith.constant 50 : i32
        %mul3A_358 = arith.muli %scan3A_328, %mul3A_357 : i32
        %add3A_359 = arith.constant 4 : i32
        %add3A_360 = arith.addi %mul3A_358, %add3A_359 : i32
        %get3A_361 = arith.index_cast %add3A_360 : i32 to index
        %get3A_362 = arith.constant 0 : index
        %get3A_363 = tpu.vector_load %arg6[%get3A_361, %get3A_362] {strides = array<i32>} : memref<800x32xf32, #tpu.memory_space<vmem>>, vector<16xf32>,
        %add3A_364 = arith.addf %get3A_335, %get3A_363 : vector<16xf32>
        %mul3A_365 = arith.constant 50 : i32
        %mul3A_366 = arith.muli %scan3A_328, %mul3A_365 : i32
        %add3A_367 = arith.constant 5 : i32
        %add3A_368 = arith.addi %mul3A_366, %add3A_367 : i32
        %get3A_369 = arith.index_cast %add3A_368 : i32 to index
        %get3A_370 = arith.constant 0 : index
        %get3A_371 = tpu.vector_load %arg6[%get3A_369, %get3A_370] {strides = array<i32>} : memref<800x32xf32, #tpu.memory_space<vmem>>, vector<16xf32>,
        %add3A_372 = arith.addf %get3A_342, %get3A_371 : vector<16xf32>
        %mul3A_373 = arith.constant 50 : i32
        %mul3A_374 = arith.muli %scan3A_328, %mul3A_373 : i32
        %add3A_375 = arith.constant 6 : i32
        %add3A_376 = arith.addi %mul3A_374, %add3A_375 : i32
        %get3A_377 = arith.index_cast %add3A_376 : i32 to index
        %get3A_378 = arith.constant 0 : index
        %get3A_379 = tpu.vector_load %arg6[%get3A_377, %get3A_378] {strides = array<i32>} : memref<800x32xf32, #tpu.memory_space<vmem>>, vector<16xf32>,
        %add3A_380 = arith.addf %get3A_349, %get3A_379 : vector<16xf32>
        %mul3A_381 = arith.constant 50 : i32
        %mul3A_382 = arith.muli %scan3A_328, %mul3A_381 : i32
        %add3A_383 = arith.constant 7 : i32
        %add3A_384 = arith.addi %mul3A_382, %add3A_383 : i32
        %get3A_385 = arith.index_cast %add3A_384 : i32 to index
        %get3A_386 = arith.constant 0 : index
        %get3A_387 = tpu.vector_load %arg6[%get3A_385, %get3A_386] {strides = array<i32>} : memref<800x32xf32, #tpu.memory_space<vmem>>, vector<16xf32>,
        %add3A_388 = arith.addf %get3A_356, %get3A_387 : vector<16xf32>
        %mul3A_389 = arith.constant 50 : i32
        %mul3A_390 = arith.muli %scan3A_328, %mul3A_389 : i32
        %add3A_391 = arith.constant 8 : i32
        %add3A_392 = arith.addi %mul3A_390, %add3A_391 : i32
        %get3A_393 = arith.index_cast %add3A_392 : i32 to index
        %get3A_394 = arith.constant 0 : index
        %get3A_395 = tpu.vector_load %arg6[%get3A_393, %get3A_394] {strides = array<i32>} : memref<800x32xf32, #tpu.memory_space<vmem>>, vector<16xf32>,
        %add3A_396 = arith.addf %add3A_364, %get3A_395 : vector<16xf32>
        %mul3A_397 = arith.constant 50 : i32
        %mul3A_398 = arith.muli %scan3A_328, %mul3A_397 : i32
        %add3A_399 = arith.constant 9 : i32
        %add3A_400 = arith.addi %mul3A_398, %add3A_399 : i32
        %get3A_401 = arith.index_cast %add3A_400 : i32 to index
        %get3A_402 = arith.constant 0 : index
        %get3A_403 = tpu.vector_load %arg6[%get3A_401, %get3A_402] {strides = array<i32>} : memref<800x32xf32, #tpu.memory_space<vmem>>, vector<16xf32>,
        %add3A_404 = arith.addf %add3A_372, %get3A_403 : vector<16xf32>
        %mul3A_405 = arith.constant 50 : i32
        %mul3A_406 = arith.muli %scan3A_328, %mul3A_405 : i32
        %add3A_407 = arith.constant 10 : i32
        %add3A_408 = arith.addi %mul3A_406, %add3A_407 : i32
        %get3A_409 = arith.index_cast %add3A_408 : i32 to index
        %get3A_410 = arith.constant 0 : index
        %get3A_411 = tpu.vector_load %arg6[%get3A_409, %get3A_410] {strides = array<i32>} : memref<800x32xf32, #tpu.memory_space<vmem>>, vector<16xf32>,
        %add3A_412 = arith.addf %add3A_380, %get3A_411 : vector<16xf32>
        %mul3A_413 = arith.constant 50 : i32
        %mul3A_414 = arith.muli %scan3A_328, %mul3A_413 : i32
        %add3A_415 = arith.constant 11 : i32
        %add3A_416 = arith.addi %mul3A_414, %add3A_415 : i32
        %get3A_417 = arith.index_cast %add3A_416 : i32 to index
        %get3A_418 = arith.constant 0 : index
        %get3A_419 = tpu.vector_load %arg6[%get3A_417, %get3A_418] {strides = array<i32>} : memref<800x32xf32, #tpu.memory_space<vmem>>, vector<16xf32>,
        %add3A_420 = arith.addf %add3A_388, %get3A_419 : vector<16xf32>
        %mul3A_421 = arith.constant 50 : i32
        %mul3A_422 = arith.muli %scan3A_328, %mul3A_421 : i32
        %add3A_423 = arith.constant 12 : i32
        %add3A_424 = arith.addi %mul3A_422, %add3A_423 : i32
        %get3A_425 = arith.index_cast %add3A_424 : i32 to index
        %get3A_426 = arith.constant 0 : index
        %get3A_427 = tpu.vector_load %arg6[%get3A_425, %get3A_426] {strides = array<i32>} : memref<800x32xf32, #tpu.memory_space<vmem>>, vector<16xf32>,
        %add3A_428 = arith.addf %add3A_396, %get3A_427 : vector<16xf32>
        %mul3A_429 = arith.constant 50 : i32
        %mul3A_430 = arith.muli %scan3A_328, %mul3A_429 : i32
        %add3A_431 = arith.constant 13 : i32
        %add3A_432 = arith.addi %mul3A_430, %add3A_431 : i32
        %get3A_433 = arith.index_cast %add3A_432 : i32 to index
        %get3A_434 = arith.constant 0 : index
        %get3A_435 = tpu.vector_load %arg6[%get3A_433, %get3A_434] {strides = array<i32>} : memref<800x32xf32, #tpu.memory_space<vmem>>, vector<16xf32>,
        %add3A_436 = arith.addf %add3A_404, %get3A_435 : vector<16xf32>
        %mul3A_437 = arith.constant 50 : i32
        %mul3A_438 = arith.muli %scan3A_328, %mul3A_437 : i32
        %add3A_439 = arith.constant 14 : i32
        %add3A_440 = arith.addi %mul3A_438, %add3A_439 : i32
        %get3A_441 = arith.index_cast %add3A_440 : i32 to index
        %get3A_442 = arith.constant 0 : index
        %get3A_443 = tpu.vector_load %arg6[%get3A_441, %get3A_442] {strides = array<i32>} : memref<800x32xf32, #tpu.memory_space<vmem>>, vector<16xf32>,
        %add3A_444 = arith.addf %add3A_412, %get3A_443 : vector<16xf32>
        %mul3A_445 = arith.constant 50 : i32
        %mul3A_446 = arith.muli %scan3A_328, %mul3A_445 : i32
        %add3A_447 = arith.constant 15 : i32
        %add3A_448 = arith.addi %mul3A_446, %add3A_447 : i32
        %get3A_449 = arith.index_cast %add3A_448 : i32 to index
        %get3A_450 = arith.constant 0 : index
        %get3A_451 = tpu.vector_load %arg6[%get3A_449, %get3A_450] {strides = array<i32>} : memref<800x32xf32, #tpu.memory_space<vmem>>, vector<16xf32>,
        %add3A_452 = arith.addf %add3A_420, %get3A_451 : vector<16xf32>
        %mul3A_453 = arith.constant 50 : i32
        %mul3A_454 = arith.muli %scan3A_328, %mul3A_453 : i32
        %add3A_455 = arith.constant 16 : i32
        %add3A_456 = arith.addi %mul3A_454, %add3A_455 : i32
        %get3A_457 = arith.index_cast %add3A_456 : i32 to index
        %get3A_458 = arith.constant 0 : index
        %get3A_459 = tpu.vector_load %arg6[%get3A_457, %get3A_458] {strides = array<i32>} : memref<800x32xf32, #tpu.memory_space<vmem>>, vector<16xf32>,
        %add3A_460 = arith.addf %add3A_428, %get3A_459 : vector<16xf32>
        %mul3A_461 = arith.constant 50 : i32
        %mul3A_462 = arith.muli %scan3A_328, %mul3A_461 : i32
        %add3A_463 = arith.constant 17 : i32
        %add3A_464 = arith.addi %mul3A_462, %add3A_463 : i32
        %get3A_465 = arith.index_cast %add3A_464 : i32 to index
        %get3A_466 = arith.constant 0 : index
        %get3A_467 = tpu.vector_load %arg6[%get3A_465, %get3A_466] {strides = array<i32>} : memref<800x32xf32, #tpu.memory_space<vmem>>, vector<16xf32>,
        %add3A_468 = arith.addf %add3A_436, %get3A_467 : vector<16xf32>
        %mul3A_469 = arith.constant 50 : i32
        %mul3A_470 = arith.muli %scan3A_328, %mul3A_469 : i32
        %add3A_471 = arith.constant 18 : i32
        %add3A_472 = arith.addi %mul3A_470, %add3A_471 : i32
        %get3A_473 = arith.index_cast %add3A_472 : i32 to index
        %get3A_474 = arith.constant 0 : index
        %get3A_475 = tpu.vector_load %arg6[%get3A_473, %get3A_474] {strides = array<i32>} : memref<800x32xf32, #tpu.memory_space<vmem>>, vector<16xf32>,
        %add3A_476 = arith.addf %add3A_444, %get3A_475 : vector<16xf32>
        %mul3A_477 = arith.constant 50 : i32
        %mul3A_478 = arith.muli %scan3A_328, %mul3A_477 : i32
        %add3A_479 = arith.constant 19 : i32
        %add3A_480 = arith.addi %mul3A_478, %add3A_479 : i32
        %get3A_481 = arith.index_cast %add3A_480 : i32 to index
        %get3A_482 = arith.constant 0 : index
        %get3A_483 = tpu.vector_load %arg6[%get3A_481, %get3A_482] {strides = array<i32>} : memref<800x32xf32, #tpu.memory_space<vmem>>, vector<16xf32>,
        %add3A_484 = arith.addf %add3A_452, %get3A_483 : vector<16xf32>
        %mul3A_485 = arith.constant 50 : i32
        %mul3A_486 = arith.muli %scan3A_328, %mul3A_485 : i32
        %add3A_487 = arith.constant 20 : i32
        %add3A_488 = arith.addi %mul3A_486, %add3A_487 : i32
        %get3A_489 = arith.index_cast %add3A_488 : i32 to index
        %get3A_490 = arith.constant 0 : index
        %get3A_491 = tpu.vector_load %arg6[%get3A_489, %get3A_490] {strides = array<i32>} : memref<800x32xf32, #tpu.memory_space<vmem>>, vector<16xf32>,
        %add3A_492 = arith.addf %add3A_460, %get3A_491 : vector<16xf32>
        %mul3A_493 = arith.constant 50 : i32
        %mul3A_494 = arith.muli %scan3A_328, %mul3A_493 : i32
        %add3A_495 = arith.constant 21 : i32
        %add3A_496 = arith.addi %mul3A_494, %add3A_495 : i32
        %get3A_497 = arith.index_cast %add3A_496 : i32 to index
        %get3A_498 = arith.constant 0 : index
        %get3A_499 = tpu.vector_load %arg6[%get3A_497, %get3A_498] {strides = array<i32>} : memref<800x32xf32, #tpu.memory_space<vmem>>, vector<16xf32>,
        %add3A_500 = arith.addf %add3A_468, %get3A_499 : vector<16xf32>
        %mul3A_501 = arith.constant 50 : i32
        %mul3A_502 = arith.muli %scan3A_328, %mul3A_501 : i32
        %add3A_503 = arith.constant 22 : i32
        %add3A_504 = arith.addi %mul3A_502, %add3A_503 : i32
        %get3A_505 = arith.index_cast %add3A_504 : i32 to index
        %get3A_506 = arith.constant 0 : index
        %get3A_507 = tpu.vector_load %arg6[%get3A_505, %get3A_506] {strides = array<i32>} : memref<800x32xf32, #tpu.memory_space<vmem>>, vector<16xf32>,
        %add3A_508 = arith.addf %add3A_476, %get3A_507 : vector<16xf32>
        %mul3A_509 = arith.constant 50 : i32
        %mul3A_510 = arith.muli %scan3A_328, %mul3A_509 : i32
        %add3A_511 = arith.constant 23 : i32
        %add3A_512 = arith.addi %mul3A_510, %add3A_511 : i32
        %get3A_513 = arith.index_cast %add3A_512 : i32 to index
        %get3A_514 = arith.constant 0 : index
        %get3A_515 = tpu.vector_load %arg6[%get3A_513, %get3A_514] {strides = array<i32>} : memref<800x32xf32, #tpu.memory_space<vmem>>, vector<16xf32>,
        %add3A_516 = arith.addf %add3A_484, %get3A_515 : vector<16xf32>
        %mul3A_517 = arith.constant 50 : i32
        %mul3A_518 = arith.muli %scan3A_328, %mul3A_517 : i32
        %add3A_519 = arith.constant 24 : i32
        %add3A_520 = arith.addi %mul3A_518, %add3A_519 : i32
        %get3A_521 = arith.index_cast %add3A_520 : i32 to index
        %get3A_522 = arith.constant 0 : index
        %get3A_523 = tpu.vector_load %arg6[%get3A_521, %get3A_522] {strides = array<i32>} : memref<800x32xf32, #tpu.memory_space<vmem>>, vector<16xf32>,
        %add3A_524 = arith.addf %add3A_492, %get3A_523 : vector<16xf32>
        %mul3A_525 = arith.constant 50 : i32
        %mul3A_526 = arith.muli %scan3A_328, %mul3A_525 : i32
        %add3A_527 = arith.constant 25 : i32
        %add3A_528 = arith.addi %mul3A_526, %add3A_527 : i32
        %get3A_529 = arith.index_cast %add3A_528 : i32 to index
        %get3A_530 = arith.constant 0 : index
        %get3A_531 = tpu.vector_load %arg6[%get3A_529, %get3A_530] {strides = array<i32>} : memref<800x32xf32, #tpu.memory_space<vmem>>, vector<16xf32>,
        %add3A_532 = arith.addf %add3A_500, %get3A_531 : vector<16xf32>
        %mul3A_533 = arith.constant 50 : i32
        %mul3A_534 = arith.muli %scan3A_328, %mul3A_533 : i32
        %add3A_535 = arith.constant 26 : i32
        %add3A_536 = arith.addi %mul3A_534, %add3A_535 : i32
        %get3A_537 = arith.index_cast %add3A_536 : i32 to index
        %get3A_538 = arith.constant 0 : index
        %get3A_539 = tpu.vector_load %arg6[%get3A_537, %get3A_538] {strides = array<i32>} : memref<800x32xf32, #tpu.memory_space<vmem>>, vector<16xf32>,
        %add3A_540 = arith.addf %add3A_508, %get3A_539 : vector<16xf32>
        %mul3A_541 = arith.constant 50 : i32
        %mul3A_542 = arith.muli %scan3A_328, %mul3A_541 : i32
        %add3A_543 = arith.constant 27 : i32
        %add3A_544 = arith.addi %mul3A_542, %add3A_543 : i32
        %get3A_545 = arith.index_cast %add3A_544 : i32 to index
        %get3A_546 = arith.constant 0 : index
        %get3A_547 = tpu.vector_load %arg6[%get3A_545, %get3A_546] {strides = array<i32>} : memref<800x32xf32, #tpu.memory_space<vmem>>, vector<16xf32>,
        %add3A_548 = arith.addf %add3A_516, %get3A_547 : vector<16xf32>
        %mul3A_549 = arith.constant 50 : i32
        %mul3A_550 = arith.muli %scan3A_328, %mul3A_549 : i32
        %add3A_551 = arith.constant 28 : i32
        %add3A_552 = arith.addi %mul3A_550, %add3A_551 : i32
        %get3A_553 = arith.index_cast %add3A_552 : i32 to index
        %get3A_554 = arith.constant 0 : index
        %get3A_555 = tpu.vector_load %arg6[%get3A_553, %get3A_554] {strides = array<i32>} : memref<800x32xf32, #tpu.memory_space<vmem>>, vector<16xf32>,
        %add3A_556 = arith.addf %add3A_524, %get3A_555 : vector<16xf32>
        %mul3A_557 = arith.constant 50 : i32
        %mul3A_558 = arith.muli %scan3A_328, %mul3A_557 : i32
        %add3A_559 = arith.constant 29 : i32
        %add3A_560 = arith.addi %mul3A_558, %add3A_559 : i32
        %get3A_561 = arith.index_cast %add3A_560 : i32 to index
        %get3A_562 = arith.constant 0 : index
        %get3A_563 = tpu.vector_load %arg6[%get3A_561, %get3A_562] {strides = array<i32>} : memref<800x32xf32, #tpu.memory_space<vmem>>, vector<16xf32>,
        %add3A_564 = arith.addf %add3A_532, %get3A_563 : vector<16xf32>
        %mul3A_565 = arith.constant 50 : i32
        %mul3A_566 = arith.muli %scan3A_328, %mul3A_565 : i32
        %add3A_567 = arith.constant 30 : i32
        %add3A_568 = arith.addi %mul3A_566, %add3A_567 : i32
        %get3A_569 = arith.index_cast %add3A_568 : i32 to index
        %get3A_570 = arith.constant 0 : index
        %get3A_571 = tpu.vector_load %arg6[%get3A_569, %get3A_570] {strides = array<i32>} : memref<800x32xf32, #tpu.memory_space<vmem>>, vector<16xf32>,
        %add3A_572 = arith.addf %add3A_540, %get3A_571 : vector<16xf32>
        %mul3A_573 = arith.constant 50 : i32
        %mul3A_574 = arith.muli %scan3A_328, %mul3A_573 : i32
        %add3A_575 = arith.constant 31 : i32
        %add3A_576 = arith.addi %mul3A_574, %add3A_575 : i32
        %get3A_577 = arith.index_cast %add3A_576 : i32 to index
        %get3A_578 = arith.constant 0 : index
        %get3A_579 = tpu.vector_load %arg6[%get3A_577, %get3A_578] {strides = array<i32>} : memref<800x32xf32, #tpu.memory_space<vmem>>, vector<16xf32>,
        %add3A_580 = arith.addf %add3A_548, %get3A_579 : vector<16xf32>
        %mul3A_581 = arith.constant 50 : i32
        %mul3A_582 = arith.muli %scan3A_328, %mul3A_581 : i32
        %add3A_583 = arith.constant 32 : i32
        %add3A_584 = arith.addi %mul3A_582, %add3A_583 : i32
        %get3A_585 = arith.index_cast %add3A_584 : i32 to index
        %get3A_586 = arith.constant 0 : index
        %get3A_587 = tpu.vector_load %arg6[%get3A_585, %get3A_586] {strides = array<i32>} : memref<800x32xf32, #tpu.memory_space<vmem>>, vector<16xf32>,
        %add3A_588 = arith.addf %add3A_556, %get3A_587 : vector<16xf32>
        %mul3A_589 = arith.constant 50 : i32
        %mul3A_590 = arith.muli %scan3A_328, %mul3A_589 : i32
        %add3A_591 = arith.constant 33 : i32
        %add3A_592 = arith.addi %mul3A_590, %add3A_591 : i32
        %get3A_593 = arith.index_cast %add3A_592 : i32 to index
        %get3A_594 = arith.constant 0 : index
        %get3A_595 = tpu.vector_load %arg6[%get3A_593, %get3A_594] {strides = array<i32>} : memref<800x32xf32, #tpu.memory_space<vmem>>, vector<16xf32>,
        %add3A_596 = arith.addf %add3A_564, %get3A_595 : vector<16xf32>
        %mul3A_597 = arith.constant 50 : i32
        %mul3A_598 = arith.muli %scan3A_328, %mul3A_597 : i32
        %add3A_599 = arith.constant 34 : i32
        %add3A_600 = arith.addi %mul3A_598, %add3A_599 : i32
        %get3A_601 = arith.index_cast %add3A_600 : i32 to index
        %get3A_602 = arith.constant 0 : index
        %get3A_603 = tpu.vector_load %arg6[%get3A_601, %get3A_602] {strides = array<i32>} : memref<800x32xf32, #tpu.memory_space<vmem>>, vector<16xf32>,
        %add3A_604 = arith.addf %add3A_572, %get3A_603 : vector<16xf32>
        %mul3A_605 = arith.constant 50 : i32
        %mul3A_606 = arith.muli %scan3A_328, %mul3A_605 : i32
        %add3A_607 = arith.constant 35 : i32
        %add3A_608 = arith.addi %mul3A_606, %add3A_607 : i32
        %get3A_609 = arith.index_cast %add3A_608 : i32 to index
        %get3A_610 = arith.constant 0 : index
        %get3A_611 = tpu.vector_load %arg6[%get3A_609, %get3A_610] {strides = array<i32>} : memref<800x32xf32, #tpu.memory_space<vmem>>, vector<16xf32>,
        %add3A_612 = arith.addf %add3A_580, %get3A_611 : vector<16xf32>
        %mul3A_613 = arith.constant 50 : i32
        %mul3A_614 = arith.muli %scan3A_328, %mul3A_613 : i32
        %add3A_615 = arith.constant 36 : i32
        %add3A_616 = arith.addi %mul3A_614, %add3A_615 : i32
        %get3A_617 = arith.index_cast %add3A_616 : i32 to index
        %get3A_618 = arith.constant 0 : index
        %get3A_619 = tpu.vector_load %arg6[%get3A_617, %get3A_618] {strides = array<i32>} : memref<800x32xf32, #tpu.memory_space<vmem>>, vector<16xf32>,
        %add3A_620 = arith.addf %add3A_588, %get3A_619 : vector<16xf32>
        %mul3A_621 = arith.constant 50 : i32
        %mul3A_622 = arith.muli %scan3A_328, %mul3A_621 : i32
        %add3A_623 = arith.constant 37 : i32
        %add3A_624 = arith.addi %mul3A_622, %add3A_623 : i32
        %get3A_625 = arith.index_cast %add3A_624 : i32 to index
        %get3A_626 = arith.constant 0 : index
        %get3A_627 = tpu.vector_load %arg6[%get3A_625, %get3A_626] {strides = array<i32>} : memref<800x32xf32, #tpu.memory_space<vmem>>, vector<16xf32>,
        %add3A_628 = arith.addf %add3A_596, %get3A_627 : vector<16xf32>
        %mul3A_629 = arith.constant 50 : i32
        %mul3A_630 = arith.muli %scan3A_328, %mul3A_629 : i32
        %add3A_631 = arith.constant 38 : i32
        %add3A_632 = arith.addi %mul3A_630, %add3A_631 : i32
        %get3A_633 = arith.index_cast %add3A_632 : i32 to index
        %get3A_634 = arith.constant 0 : index
        %get3A_635 = tpu.vector_load %arg6[%get3A_633, %get3A_634] {strides = array<i32>} : memref<800x32xf32, #tpu.memory_space<vmem>>, vector<16xf32>,
        %add3A_636 = arith.addf %add3A_604, %get3A_635 : vector<16xf32>
        %mul3A_637 = arith.constant 50 : i32
        %mul3A_638 = arith.muli %scan3A_328, %mul3A_637 : i32
        %add3A_639 = arith.constant 39 : i32
        %add3A_640 = arith.addi %mul3A_638, %add3A_639 : i32
        %get3A_641 = arith.index_cast %add3A_640 : i32 to index
        %get3A_642 = arith.constant 0 : index
        %get3A_643 = tpu.vector_load %arg6[%get3A_641, %get3A_642] {strides = array<i32>} : memref<800x32xf32, #tpu.memory_space<vmem>>, vector<16xf32>,
        %add3A_644 = arith.addf %add3A_612, %get3A_643 : vector<16xf32>
        %mul3A_645 = arith.constant 50 : i32
        %mul3A_646 = arith.muli %scan3A_328, %mul3A_645 : i32
        %add3A_647 = arith.constant 40 : i32
        %add3A_648 = arith.addi %mul3A_646, %add3A_647 : i32
        %get3A_649 = arith.index_cast %add3A_648 : i32 to index
        %get3A_650 = arith.constant 0 : index
        %get3A_651 = tpu.vector_load %arg6[%get3A_649, %get3A_650] {strides = array<i32>} : memref<800x32xf32, #tpu.memory_space<vmem>>, vector<16xf32>,
        %add3A_652 = arith.addf %add3A_620, %get3A_651 : vector<16xf32>
        %mul3A_653 = arith.constant 50 : i32
        %mul3A_654 = arith.muli %scan3A_328, %mul3A_653 : i32
        %add3A_655 = arith.constant 41 : i32
        %add3A_656 = arith.addi %mul3A_654, %add3A_655 : i32
        %get3A_657 = arith.index_cast %add3A_656 : i32 to index
        %get3A_658 = arith.constant 0 : index
        %get3A_659 = tpu.vector_load %arg6[%get3A_657, %get3A_658] {strides = array<i32>} : memref<800x32xf32, #tpu.memory_space<vmem>>, vector<16xf32>,
        %add3A_660 = arith.addf %add3A_628, %get3A_659 : vector<16xf32>
        %mul3A_661 = arith.constant 50 : i32
        %mul3A_662 = arith.muli %scan3A_328, %mul3A_661 : i32
        %add3A_663 = arith.constant 42 : i32
        %add3A_664 = arith.addi %mul3A_662, %add3A_663 : i32
        %get3A_665 = arith.index_cast %add3A_664 : i32 to index
        %get3A_666 = arith.constant 0 : index
        %get3A_667 = tpu.vector_load %arg6[%get3A_665, %get3A_666] {strides = array<i32>} : memref<800x32xf32, #tpu.memory_space<vmem>>, vector<16xf32>,
        %add3A_668 = arith.addf %add3A_636, %get3A_667 : vector<16xf32>
        %mul3A_669 = arith.constant 50 : i32
        %mul3A_670 = arith.muli %scan3A_328, %mul3A_669 : i32
        %add3A_671 = arith.constant 43 : i32
        %add3A_672 = arith.addi %mul3A_670, %add3A_671 : i32
        %get3A_673 = arith.index_cast %add3A_672 : i32 to index
        %get3A_674 = arith.constant 0 : index
        %get3A_675 = tpu.vector_load %arg6[%get3A_673, %get3A_674] {strides = array<i32>} : memref<800x32xf32, #tpu.memory_space<vmem>>, vector<16xf32>,
        %add3A_676 = arith.addf %add3A_644, %get3A_675 : vector<16xf32>
        %mul3A_677 = arith.constant 50 : i32
        %mul3A_678 = arith.muli %scan3A_328, %mul3A_677 : i32
        %add3A_679 = arith.constant 44 : i32
        %add3A_680 = arith.addi %mul3A_678, %add3A_679 : i32
        %get3A_681 = arith.index_cast %add3A_680 : i32 to index
        %get3A_682 = arith.constant 0 : index
        %get3A_683 = tpu.vector_load %arg6[%get3A_681, %get3A_682] {strides = array<i32>} : memref<800x32xf32, #tpu.memory_space<vmem>>, vector<16xf32>,
        %add3A_684 = arith.addf %add3A_652, %get3A_683 : vector<16xf32>
        %mul3A_685 = arith.constant 50 : i32
        %mul3A_686 = arith.muli %scan3A_328, %mul3A_685 : i32
        %add3A_687 = arith.constant 45 : i32
        %add3A_688 = arith.addi %mul3A_686, %add3A_687 : i32
        %get3A_689 = arith.index_cast %add3A_688 : i32 to index
        %get3A_690 = arith.constant 0 : index
        %get3A_691 = tpu.vector_load %arg6[%get3A_689, %get3A_690] {strides = array<i32>} : memref<800x32xf32, #tpu.memory_space<vmem>>, vector<16xf32>,
        %add3A_692 = arith.addf %add3A_660, %get3A_691 : vector<16xf32>
        %mul3A_693 = arith.constant 50 : i32
        %mul3A_694 = arith.muli %scan3A_328, %mul3A_693 : i32
        %add3A_695 = arith.constant 46 : i32
        %add3A_696 = arith.addi %mul3A_694, %add3A_695 : i32
        %get3A_697 = arith.index_cast %add3A_696 : i32 to index
        %get3A_698 = arith.constant 0 : index
        %get3A_699 = tpu.vector_load %arg6[%get3A_697, %get3A_698] {strides = array<i32>} : memref<800x32xf32, #tpu.memory_space<vmem>>, vector<16xf32>,
        %add3A_700 = arith.addf %add3A_668, %get3A_699 : vector<16xf32>
        %mul3A_701 = arith.constant 50 : i32
        %mul3A_702 = arith.muli %scan3A_328, %mul3A_701 : i32
        %add3A_703 = arith.constant 47 : i32
        %add3A_704 = arith.addi %mul3A_702, %add3A_703 : i32
        %get3A_705 = arith.index_cast %add3A_704 : i32 to index
        %get3A_706 = arith.constant 0 : index
        %get3A_707 = tpu.vector_load %arg6[%get3A_705, %get3A_706] {strides = array<i32>} : memref<800x32xf32, #tpu.memory_space<vmem>>, vector<16xf32>,
        %add3A_708 = arith.addf %add3A_676, %get3A_707 : vector<16xf32>
        %mul3A_709 = arith.constant 50 : i32
        %mul3A_710 = arith.muli %scan3A_328, %mul3A_709 : i32
        %add3A_711 = arith.constant 48 : i32
        %add3A_712 = arith.addi %mul3A_710, %add3A_711 : i32
        %get3A_713 = arith.index_cast %add3A_712 : i32 to index
        %get3A_714 = arith.constant 0 : index
        %get3A_715 = tpu.vector_load %arg6[%get3A_713, %get3A_714] {strides = array<i32>} : memref<800x32xf32, #tpu.memory_space<vmem>>, vector<16xf32>,
        %add3A_716 = arith.addf %add3A_684, %get3A_715 : vector<16xf32>
        %mul3A_717 = arith.constant 50 : i32
        %mul3A_718 = arith.muli %scan3A_328, %mul3A_717 : i32
        %add3A_719 = arith.constant 49 : i32
        %add3A_720 = arith.addi %mul3A_718, %add3A_719 : i32
        %get3A_721 = arith.index_cast %add3A_720 : i32 to index
        %get3A_722 = arith.constant 0 : index
        %get3A_723 = tpu.vector_load %arg6[%get3A_721, %get3A_722] {strides = array<i32>} : memref<800x32xf32, #tpu.memory_space<vmem>>, vector<16xf32>,
        %add3A_724 = arith.addf %add3A_692, %get3A_723 : vector<16xf32>
        %add3A_725 = arith.addf %add3A_716, %add3A_724 : vector<16xf32>
        %add3A_726 = arith.addf %add3A_700, %add3A_708 : vector<16xf32>
        %add3A_727 = arith.addf %add3A_725, %add3A_726 : vector<16xf32>
        %mul3A_728 = arith.constant 32 : i32
        %mul3A_729 = arith.muli %scan3A_328, %mul3A_728 : i32
        %add3A_730 = arith.constant 0 : i32
        %add3A_731 = arith.addi %mul3A_729, %add3A_730 : i32
        %swap3A = arith.index_cast %add3A_731 : i32 to index
        %swap3A_732 = tpu.vector_load %arg8[%swap3A] {strides = array<i32>} : memref<512xf32, #tpu.memory_space<vmem>>, vector<16xf32>,
        tpu.vector_store %arg8[%swap3A], %add3A_727 {strides = array<i32>} : memref<512xf32, #tpu.memory_space<vmem>>, vector<16xf32>,
        %mul3A_733 = arith.constant 50 : i32
        %mul3A_734 = arith.muli %scan3A_328, %mul3A_733 : i32
        %add3A_735 = arith.constant 0 : i32
        %add3A_736 = arith.addi %mul3A_734, %add3A_735 : i32
        %get3A_737 = arith.index_cast %add3A_736 : i32 to index
        %get3A_738 = arith.constant 16 : index
        %get3A_739 = tpu.vector_load %arg6[%get3A_737, %get3A_738] {strides = array<i32>} : memref<800x32xf32, #tpu.memory_space<vmem>>, vector<16xf32>,
        %mul3A_740 = arith.constant 50 : i32
        %mul3A_741 = arith.muli %scan3A_328, %mul3A_740 : i32
        %add3A_742 = arith.constant 1 : i32
        %add3A_743 = arith.addi %mul3A_741, %add3A_742 : i32
        %get3A_744 = arith.index_cast %add3A_743 : i32 to index
        %get3A_745 = arith.constant 16 : index
        %get3A_746 = tpu.vector_load %arg6[%get3A_744, %get3A_745] {strides = array<i32>} : memref<800x32xf32, #tpu.memory_space<vmem>>, vector<16xf32>,
        %mul3A_747 = arith.constant 50 : i32
        %mul3A_748 = arith.muli %scan3A_328, %mul3A_747 : i32
        %add3A_749 = arith.constant 2 : i32
        %add3A_750 = arith.addi %mul3A_748, %add3A_749 : i32
        %get3A_751 = arith.index_cast %add3A_750 : i32 to index
        %get3A_752 = arith.constant 16 : index
        %get3A_753 = tpu.vector_load %arg6[%get3A_751, %get3A_752] {strides = array<i32>} : memref<800x32xf32, #tpu.memory_space<vmem>>, vector<16xf32>,
        %mul3A_754 = arith.constant 50 : i32
        %mul3A_755 = arith.muli %scan3A_328, %mul3A_754 : i32
        %add3A_756 = arith.constant 3 : i32
        %add3A_757 = arith.addi %mul3A_755, %add3A_756 : i32
        %get3A_758 = arith.index_cast %add3A_757 : i32 to index
        %get3A_759 = arith.constant 16 : index
        %get3A_760 = tpu.vector_load %arg6[%get3A_758, %get3A_759] {strides = array<i32>} : memref<800x32xf32, #tpu.memory_space<vmem>>, vector<16xf32>,
        %mul3A_761 = arith.constant 50 : i32
        %mul3A_762 = arith.muli %scan3A_328, %mul3A_761 : i32
        %add3A_763 = arith.constant 4 : i32
        %add3A_764 = arith.addi %mul3A_762, %add3A_763 : i32
        %get3A_765 = arith.index_cast %add3A_764 : i32 to index
        %get3A_766 = arith.constant 16 : index
        %get3A_767 = tpu.vector_load %arg6[%get3A_765, %get3A_766] {strides = array<i32>} : memref<800x32xf32, #tpu.memory_space<vmem>>, vector<16xf32>,
        %add3A_768 = arith.addf %get3A_739, %get3A_767 : vector<16xf32>
        %mul3A_769 = arith.constant 50 : i32
        %mul3A_770 = arith.muli %scan3A_328, %mul3A_769 : i32
        %add3A_771 = arith.constant 5 : i32
        %add3A_772 = arith.addi %mul3A_770, %add3A_771 : i32
        %get3A_773 = arith.index_cast %add3A_772 : i32 to index
        %get3A_774 = arith.constant 16 : index
        %get3A_775 = tpu.vector_load %arg6[%get3A_773, %get3A_774] {strides = array<i32>} : memref<800x32xf32, #tpu.memory_space<vmem>>, vector<16xf32>,
        %add3A_776 = arith.addf %get3A_746, %get3A_775 : vector<16xf32>
        %mul3A_777 = arith.constant 50 : i32
        %mul3A_778 = arith.muli %scan3A_328, %mul3A_777 : i32
        %add3A_779 = arith.constant 6 : i32
        %add3A_780 = arith.addi %mul3A_778, %add3A_779 : i32
        %get3A_781 = arith.index_cast %add3A_780 : i32 to index
        %get3A_782 = arith.constant 16 : index
        %get3A_783 = tpu.vector_load %arg6[%get3A_781, %get3A_782] {strides = array<i32>} : memref<800x32xf32, #tpu.memory_space<vmem>>, vector<16xf32>,
        %add3A_784 = arith.addf %get3A_753, %get3A_783 : vector<16xf32>
        %mul3A_785 = arith.constant 50 : i32
        %mul3A_786 = arith.muli %scan3A_328, %mul3A_785 : i32
        %add3A_787 = arith.constant 7 : i32
        %add3A_788 = arith.addi %mul3A_786, %add3A_787 : i32
        %get3A_789 = arith.index_cast %add3A_788 : i32 to index
        %get3A_790 = arith.constant 16 : index
        %get3A_791 = tpu.vector_load %arg6[%get3A_789, %get3A_790] {strides = array<i32>} : memref<800x32xf32, #tpu.memory_space<vmem>>, vector<16xf32>,
        %add3A_792 = arith.addf %get3A_760, %get3A_791 : vector<16xf32>
        %mul3A_793 = arith.constant 50 : i32
        %mul3A_794 = arith.muli %scan3A_328, %mul3A_793 : i32
        %add3A_795 = arith.constant 8 : i32
        %add3A_796 = arith.addi %mul3A_794, %add3A_795 : i32
        %get3A_797 = arith.index_cast %add3A_796 : i32 to index
        %get3A_798 = arith.constant 16 : index
        %get3A_799 = tpu.vector_load %arg6[%get3A_797, %get3A_798] {strides = array<i32>} : memref<800x32xf32, #tpu.memory_space<vmem>>, vector<16xf32>,
        %add3A_800 = arith.addf %add3A_768, %get3A_799 : vector<16xf32>
        %mul3A_801 = arith.constant 50 : i32
        %mul3A_802 = arith.muli %scan3A_328, %mul3A_801 : i32
        %add3A_803 = arith.constant 9 : i32
        %add3A_804 = arith.addi %mul3A_802, %add3A_803 : i32
        %get3A_805 = arith.index_cast %add3A_804 : i32 to index
        %get3A_806 = arith.constant 16 : index
        %get3A_807 = tpu.vector_load %arg6[%get3A_805, %get3A_806] {strides = array<i32>} : memref<800x32xf32, #tpu.memory_space<vmem>>, vector<16xf32>,
        %add3A_808 = arith.addf %add3A_776, %get3A_807 : vector<16xf32>
        %mul3A_809 = arith.constant 50 : i32
        %mul3A_810 = arith.muli %scan3A_328, %mul3A_809 : i32
        %add3A_811 = arith.constant 10 : i32
        %add3A_812 = arith.addi %mul3A_810, %add3A_811 : i32
        %get3A_813 = arith.index_cast %add3A_812 : i32 to index
        %get3A_814 = arith.constant 16 : index
        %get3A_815 = tpu.vector_load %arg6[%get3A_813, %get3A_814] {strides = array<i32>} : memref<800x32xf32, #tpu.memory_space<vmem>>, vector<16xf32>,
        %add3A_816 = arith.addf %add3A_784, %get3A_815 : vector<16xf32>
        %mul3A_817 = arith.constant 50 : i32
        %mul3A_818 = arith.muli %scan3A_328, %mul3A_817 : i32
        %add3A_819 = arith.constant 11 : i32
        %add3A_820 = arith.addi %mul3A_818, %add3A_819 : i32
        %get3A_821 = arith.index_cast %add3A_820 : i32 to index
        %get3A_822 = arith.constant 16 : index
        %get3A_823 = tpu.vector_load %arg6[%get3A_821, %get3A_822] {strides = array<i32>} : memref<800x32xf32, #tpu.memory_space<vmem>>, vector<16xf32>,
        %add3A_824 = arith.addf %add3A_792, %get3A_823 : vector<16xf32>
        %mul3A_825 = arith.constant 50 : i32
        %mul3A_826 = arith.muli %scan3A_328, %mul3A_825 : i32
        %add3A_827 = arith.constant 12 : i32
        %add3A_828 = arith.addi %mul3A_826, %add3A_827 : i32
        %get3A_829 = arith.index_cast %add3A_828 : i32 to index
        %get3A_830 = arith.constant 16 : index
        %get3A_831 = tpu.vector_load %arg6[%get3A_829, %get3A_830] {strides = array<i32>} : memref<800x32xf32, #tpu.memory_space<vmem>>, vector<16xf32>,
        %add3A_832 = arith.addf %add3A_800, %get3A_831 : vector<16xf32>
        %mul3A_833 = arith.constant 50 : i32
        %mul3A_834 = arith.muli %scan3A_328, %mul3A_833 : i32
        %add3A_835 = arith.constant 13 : i32
        %add3A_836 = arith.addi %mul3A_834, %add3A_835 : i32
        %get3A_837 = arith.index_cast %add3A_836 : i32 to index
        %get3A_838 = arith.constant 16 : index
        %get3A_839 = tpu.vector_load %arg6[%get3A_837, %get3A_838] {strides = array<i32>} : memref<800x32xf32, #tpu.memory_space<vmem>>, vector<16xf32>,
        %add3A_840 = arith.addf %add3A_808, %get3A_839 : vector<16xf32>
        %mul3A_841 = arith.constant 50 : i32
        %mul3A_842 = arith.muli %scan3A_328, %mul3A_841 : i32
        %add3A_843 = arith.constant 14 : i32
        %add3A_844 = arith.addi %mul3A_842, %add3A_843 : i32
        %get3A_845 = arith.index_cast %add3A_844 : i32 to index
        %get3A_846 = arith.constant 16 : index
        %get3A_847 = tpu.vector_load %arg6[%get3A_845, %get3A_846] {strides = array<i32>} : memref<800x32xf32, #tpu.memory_space<vmem>>, vector<16xf32>,
        %add3A_848 = arith.addf %add3A_816, %get3A_847 : vector<16xf32>
        %mul3A_849 = arith.constant 50 : i32
        %mul3A_850 = arith.muli %scan3A_328, %mul3A_849 : i32
        %add3A_851 = arith.constant 15 : i32
        %add3A_852 = arith.addi %mul3A_850, %add3A_851 : i32
        %get3A_853 = arith.index_cast %add3A_852 : i32 to index
        %get3A_854 = arith.constant 16 : index
        %get3A_855 = tpu.vector_load %arg6[%get3A_853, %get3A_854] {strides = array<i32>} : memref<800x32xf32, #tpu.memory_space<vmem>>, vector<16xf32>,
        %add3A_856 = arith.addf %add3A_824, %get3A_855 : vector<16xf32>
        %mul3A_857 = arith.constant 50 : i32
        %mul3A_858 = arith.muli %scan3A_328, %mul3A_857 : i32
        %add3A_859 = arith.constant 16 : i32
        %add3A_860 = arith.addi %mul3A_858, %add3A_859 : i32
        %get3A_861 = arith.index_cast %add3A_860 : i32 to index
        %get3A_862 = arith.constant 16 : index
        %get3A_863 = tpu.vector_load %arg6[%get3A_861, %get3A_862] {strides = array<i32>} : memref<800x32xf32, #tpu.memory_space<vmem>>, vector<16xf32>,
        %add3A_864 = arith.addf %add3A_832, %get3A_863 : vector<16xf32>
        %mul3A_865 = arith.constant 50 : i32
        %mul3A_866 = arith.muli %scan3A_328, %mul3A_865 : i32
        %add3A_867 = arith.constant 17 : i32
        %add3A_868 = arith.addi %mul3A_866, %add3A_867 : i32
        %get3A_869 = arith.index_cast %add3A_868 : i32 to index
        %get3A_870 = arith.constant 16 : index
        %get3A_871 = tpu.vector_load %arg6[%get3A_869, %get3A_870] {strides = array<i32>} : memref<800x32xf32, #tpu.memory_space<vmem>>, vector<16xf32>,
        %add3A_872 = arith.addf %add3A_840, %get3A_871 : vector<16xf32>
        %mul3A_873 = arith.constant 50 : i32
        %mul3A_874 = arith.muli %scan3A_328, %mul3A_873 : i32
        %add3A_875 = arith.constant 18 : i32
        %add3A_876 = arith.addi %mul3A_874, %add3A_875 : i32
        %get3A_877 = arith.index_cast %add3A_876 : i32 to index
        %get3A_878 = arith.constant 16 : index
        %get3A_879 = tpu.vector_load %arg6[%get3A_877, %get3A_878] {strides = array<i32>} : memref<800x32xf32, #tpu.memory_space<vmem>>, vector<16xf32>,
        %add3A_880 = arith.addf %add3A_848, %get3A_879 : vector<16xf32>
        %mul3A_881 = arith.constant 50 : i32
        %mul3A_882 = arith.muli %scan3A_328, %mul3A_881 : i32
        %add3A_883 = arith.constant 19 : i32
        %add3A_884 = arith.addi %mul3A_882, %add3A_883 : i32
        %get3A_885 = arith.index_cast %add3A_884 : i32 to index
        %get3A_886 = arith.constant 16 : index
        %get3A_887 = tpu.vector_load %arg6[%get3A_885, %get3A_886] {strides = array<i32>} : memref<800x32xf32, #tpu.memory_space<vmem>>, vector<16xf32>,
        %add3A_888 = arith.addf %add3A_856, %get3A_887 : vector<16xf32>
        %mul3A_889 = arith.constant 50 : i32
        %mul3A_890 = arith.muli %scan3A_328, %mul3A_889 : i32
        %add3A_891 = arith.constant 20 : i32
        %add3A_892 = arith.addi %mul3A_890, %add3A_891 : i32
        %get3A_893 = arith.index_cast %add3A_892 : i32 to index
        %get3A_894 = arith.constant 16 : index
        %get3A_895 = tpu.vector_load %arg6[%get3A_893, %get3A_894] {strides = array<i32>} : memref<800x32xf32, #tpu.memory_space<vmem>>, vector<16xf32>,
        %add3A_896 = arith.addf %add3A_864, %get3A_895 : vector<16xf32>
        %mul3A_897 = arith.constant 50 : i32
        %mul3A_898 = arith.muli %scan3A_328, %mul3A_897 : i32
        %add3A_899 = arith.constant 21 : i32
        %add3A_900 = arith.addi %mul3A_898, %add3A_899 : i32
        %get3A_901 = arith.index_cast %add3A_900 : i32 to index
        %get3A_902 = arith.constant 16 : index
        %get3A_903 = tpu.vector_load %arg6[%get3A_901, %get3A_902] {strides = array<i32>} : memref<800x32xf32, #tpu.memory_space<vmem>>, vector<16xf32>,
        %add3A_904 = arith.addf %add3A_872, %get3A_903 : vector<16xf32>
        %mul3A_905 = arith.constant 50 : i32
        %mul3A_906 = arith.muli %scan3A_328, %mul3A_905 : i32
        %add3A_907 = arith.constant 22 : i32
        %add3A_908 = arith.addi %mul3A_906, %add3A_907 : i32
        %get3A_909 = arith.index_cast %add3A_908 : i32 to index
        %get3A_910 = arith.constant 16 : index
        %get3A_911 = tpu.vector_load %arg6[%get3A_909, %get3A_910] {strides = array<i32>} : memref<800x32xf32, #tpu.memory_space<vmem>>, vector<16xf32>,
        %add3A_912 = arith.addf %add3A_880, %get3A_911 : vector<16xf32>
        %mul3A_913 = arith.constant 50 : i32
        %mul3A_914 = arith.muli %scan3A_328, %mul3A_913 : i32
        %add3A_915 = arith.constant 23 : i32
        %add3A_916 = arith.addi %mul3A_914, %add3A_915 : i32
        %get3A_917 = arith.index_cast %add3A_916 : i32 to index
        %get3A_918 = arith.constant 16 : index
        %get3A_919 = tpu.vector_load %arg6[%get3A_917, %get3A_918] {strides = array<i32>} : memref<800x32xf32, #tpu.memory_space<vmem>>, vector<16xf32>,
        %add3A_920 = arith.addf %add3A_888, %get3A_919 : vector<16xf32>
        %mul3A_921 = arith.constant 50 : i32
        %mul3A_922 = arith.muli %scan3A_328, %mul3A_921 : i32
        %add3A_923 = arith.constant 24 : i32
        %add3A_924 = arith.addi %mul3A_922, %add3A_923 : i32
        %get3A_925 = arith.index_cast %add3A_924 : i32 to index
        %get3A_926 = arith.constant 16 : index
        %get3A_927 = tpu.vector_load %arg6[%get3A_925, %get3A_926] {strides = array<i32>} : memref<800x32xf32, #tpu.memory_space<vmem>>, vector<16xf32>,
        %add3A_928 = arith.addf %add3A_896, %get3A_927 : vector<16xf32>
        %mul3A_929 = arith.constant 50 : i32
        %mul3A_930 = arith.muli %scan3A_328, %mul3A_929 : i32
        %add3A_931 = arith.constant 25 : i32
        %add3A_932 = arith.addi %mul3A_930, %add3A_931 : i32
        %get3A_933 = arith.index_cast %add3A_932 : i32 to index
        %get3A_934 = arith.constant 16 : index
        %get3A_935 = tpu.vector_load %arg6[%get3A_933, %get3A_934] {strides = array<i32>} : memref<800x32xf32, #tpu.memory_space<vmem>>, vector<16xf32>,
        %add3A_936 = arith.addf %add3A_904, %get3A_935 : vector<16xf32>
        %mul3A_937 = arith.constant 50 : i32
        %mul3A_938 = arith.muli %scan3A_328, %mul3A_937 : i32
        %add3A_939 = arith.constant 26 : i32
        %add3A_940 = arith.addi %mul3A_938, %add3A_939 : i32
        %get3A_941 = arith.index_cast %add3A_940 : i32 to index
        %get3A_942 = arith.constant 16 : index
        %get3A_943 = tpu.vector_load %arg6[%get3A_941, %get3A_942] {strides = array<i32>} : memref<800x32xf32, #tpu.memory_space<vmem>>, vector<16xf32>,
        %add3A_944 = arith.addf %add3A_912, %get3A_943 : vector<16xf32>
        %mul3A_945 = arith.constant 50 : i32
        %mul3A_946 = arith.muli %scan3A_328, %mul3A_945 : i32
        %add3A_947 = arith.constant 27 : i32
        %add3A_948 = arith.addi %mul3A_946, %add3A_947 : i32
        %get3A_949 = arith.index_cast %add3A_948 : i32 to index
        %get3A_950 = arith.constant 16 : index
        %get3A_951 = tpu.vector_load %arg6[%get3A_949, %get3A_950] {strides = array<i32>} : memref<800x32xf32, #tpu.memory_space<vmem>>, vector<16xf32>,
        %add3A_952 = arith.addf %add3A_920, %get3A_951 : vector<16xf32>
        %mul3A_953 = arith.constant 50 : i32
        %mul3A_954 = arith.muli %scan3A_328, %mul3A_953 : i32
        %add3A_955 = arith.constant 28 : i32
        %add3A_956 = arith.addi %mul3A_954, %add3A_955 : i32
        %get3A_957 = arith.index_cast %add3A_956 : i32 to index
        %get3A_958 = arith.constant 16 : index
        %get3A_959 = tpu.vector_load %arg6[%get3A_957, %get3A_958] {strides = array<i32>} : memref<800x32xf32, #tpu.memory_space<vmem>>, vector<16xf32>,
        %add3A_960 = arith.addf %add3A_928, %get3A_959 : vector<16xf32>
        %mul3A_961 = arith.constant 50 : i32
        %mul3A_962 = arith.muli %scan3A_328, %mul3A_961 : i32
        %add3A_963 = arith.constant 29 : i32
        %add3A_964 = arith.addi %mul3A_962, %add3A_963 : i32
        %get3A_965 = arith.index_cast %add3A_964 : i32 to index
        %get3A_966 = arith.constant 16 : index
        %get3A_967 = tpu.vector_load %arg6[%get3A_965, %get3A_966] {strides = array<i32>} : memref<800x32xf32, #tpu.memory_space<vmem>>, vector<16xf32>,
        %add3A_968 = arith.addf %add3A_936, %get3A_967 : vector<16xf32>
        %mul3A_969 = arith.constant 50 : i32
        %mul3A_970 = arith.muli %scan3A_328, %mul3A_969 : i32
        %add3A_971 = arith.constant 30 : i32
        %add3A_972 = arith.addi %mul3A_970, %add3A_971 : i32
        %get3A_973 = arith.index_cast %add3A_972 : i32 to index
        %get3A_974 = arith.constant 16 : index
        %get3A_975 = tpu.vector_load %arg6[%get3A_973, %get3A_974] {strides = array<i32>} : memref<800x32xf32, #tpu.memory_space<vmem>>, vector<16xf32>,
        %add3A_976 = arith.addf %add3A_944, %get3A_975 : vector<16xf32>
        %mul3A_977 = arith.constant 50 : i32
        %mul3A_978 = arith.muli %scan3A_328, %mul3A_977 : i32
        %add3A_979 = arith.constant 31 : i32
        %add3A_980 = arith.addi %mul3A_978, %add3A_979 : i32
        %get3A_981 = arith.index_cast %add3A_980 : i32 to index
        %get3A_982 = arith.constant 16 : index
        %get3A_983 = tpu.vector_load %arg6[%get3A_981, %get3A_982] {strides = array<i32>} : memref<800x32xf32, #tpu.memory_space<vmem>>, vector<16xf32>,
        %add3A_984 = arith.addf %add3A_952, %get3A_983 : vector<16xf32>
        %mul3A_985 = arith.constant 50 : i32
        %mul3A_986 = arith.muli %scan3A_328, %mul3A_985 : i32
        %add3A_987 = arith.constant 32 : i32
        %add3A_988 = arith.addi %mul3A_986, %add3A_987 : i32
        %get3A_989 = arith.index_cast %add3A_988 : i32 to index
        %get3A_990 = arith.constant 16 : index
        %get3A_991 = tpu.vector_load %arg6[%get3A_989, %get3A_990] {strides = array<i32>} : memref<800x32xf32, #tpu.memory_space<vmem>>, vector<16xf32>,
        %add3A_992 = arith.addf %add3A_960, %get3A_991 : vector<16xf32>
        %mul3A_993 = arith.constant 50 : i32
        %mul3A_994 = arith.muli %scan3A_328, %mul3A_993 : i32
        %add3A_995 = arith.constant 33 : i32
        %add3A_996 = arith.addi %mul3A_994, %add3A_995 : i32
        %get3A_997 = arith.index_cast %add3A_996 : i32 to index
        %get3A_998 = arith.constant 16 : index
        %get3A_999 = tpu.vector_load %arg6[%get3A_997, %get3A_998] {strides = array<i32>} : memref<800x32xf32, #tpu.memory_space<vmem>>, vector<16xf32>,
        %add3A_1000 = arith.addf %add3A_968, %get3A_999 : vector<16xf32>
        %mul3A_1001 = arith.constant 50 : i32
        %mul3A_1002 = arith.muli %scan3A_328, %mul3A_1001 : i32
        %add3A_1003 = arith.constant 34 : i32
        %add3A_1004 = arith.addi %mul3A_1002, %add3A_1003 : i32
        %get3A_1005 = arith.index_cast %add3A_1004 : i32 to index
        %get3A_1006 = arith.constant 16 : index
        %get3A_1007 = tpu.vector_load %arg6[%get3A_1005, %get3A_1006] {strides = array<i32>} : memref<800x32xf32, #tpu.memory_space<vmem>>, vector<16xf32>,
        %add3A_1008 = arith.addf %add3A_976, %get3A_1007 : vector<16xf32>
        %mul3A_1009 = arith.constant 50 : i32
        %mul3A_1010 = arith.muli %scan3A_328, %mul3A_1009 : i32
        %add3A_1011 = arith.constant 35 : i32
        %add3A_1012 = arith.addi %mul3A_1010, %add3A_1011 : i32
        %get3A_1013 = arith.index_cast %add3A_1012 : i32 to index
        %get3A_1014 = arith.constant 16 : index
        %get3A_1015 = tpu.vector_load %arg6[%get3A_1013, %get3A_1014] {strides = array<i32>} : memref<800x32xf32, #tpu.memory_space<vmem>>, vector<16xf32>,
        %add3A_1016 = arith.addf %add3A_984, %get3A_1015 : vector<16xf32>
        %mul3A_1017 = arith.constant 50 : i32
        %mul3A_1018 = arith.muli %scan3A_328, %mul3A_1017 : i32
        %add3A_1019 = arith.constant 36 : i32
        %add3A_1020 = arith.addi %mul3A_1018, %add3A_1019 : i32
        %get3A_1021 = arith.index_cast %add3A_1020 : i32 to index
        %get3A_1022 = arith.constant 16 : index
        %get3A_1023 = tpu.vector_load %arg6[%get3A_1021, %get3A_1022] {strides = array<i32>} : memref<800x32xf32, #tpu.memory_space<vmem>>, vector<16xf32>,
        %add3A_1024 = arith.addf %add3A_992, %get3A_1023 : vector<16xf32>
        %mul3A_1025 = arith.constant 50 : i32
        %mul3A_1026 = arith.muli %scan3A_328, %mul3A_1025 : i32
        %add3A_1027 = arith.constant 37 : i32
        %add3A_1028 = arith.addi %mul3A_1026, %add3A_1027 : i32
        %get3A_1029 = arith.index_cast %add3A_1028 : i32 to index
        %get3A_1030 = arith.constant 16 : index
        %get3A_1031 = tpu.vector_load %arg6[%get3A_1029, %get3A_1030] {strides = array<i32>} : memref<800x32xf32, #tpu.memory_space<vmem>>, vector<16xf32>,
        %add3A_1032 = arith.addf %add3A_1000, %get3A_1031 : vector<16xf32>
        %mul3A_1033 = arith.constant 50 : i32
        %mul3A_1034 = arith.muli %scan3A_328, %mul3A_1033 : i32
        %add3A_1035 = arith.constant 38 : i32
        %add3A_1036 = arith.addi %mul3A_1034, %add3A_1035 : i32
        %get3A_1037 = arith.index_cast %add3A_1036 : i32 to index
        %get3A_1038 = arith.constant 16 : index
        %get3A_1039 = tpu.vector_load %arg6[%get3A_1037, %get3A_1038] {strides = array<i32>} : memref<800x32xf32, #tpu.memory_space<vmem>>, vector<16xf32>,
        %add3A_1040 = arith.addf %add3A_1008, %get3A_1039 : vector<16xf32>
        %mul3A_1041 = arith.constant 50 : i32
        %mul3A_1042 = arith.muli %scan3A_328, %mul3A_1041 : i32
        %add3A_1043 = arith.constant 39 : i32
        %add3A_1044 = arith.addi %mul3A_1042, %add3A_1043 : i32
        %get3A_1045 = arith.index_cast %add3A_1044 : i32 to index
        %get3A_1046 = arith.constant 16 : index
        %get3A_1047 = tpu.vector_load %arg6[%get3A_1045, %get3A_1046] {strides = array<i32>} : memref<800x32xf32, #tpu.memory_space<vmem>>, vector<16xf32>,
        %add3A_1048 = arith.addf %add3A_1016, %get3A_1047 : vector<16xf32>
        %mul3A_1049 = arith.constant 50 : i32
        %mul3A_1050 = arith.muli %scan3A_328, %mul3A_1049 : i32
        %add3A_1051 = arith.constant 40 : i32
        %add3A_1052 = arith.addi %mul3A_1050, %add3A_1051 : i32
        %get3A_1053 = arith.index_cast %add3A_1052 : i32 to index
        %get3A_1054 = arith.constant 16 : index
        %get3A_1055 = tpu.vector_load %arg6[%get3A_1053, %get3A_1054] {strides = array<i32>} : memref<800x32xf32, #tpu.memory_space<vmem>>, vector<16xf32>,
        %add3A_1056 = arith.addf %add3A_1024, %get3A_1055 : vector<16xf32>
        %mul3A_1057 = arith.constant 50 : i32
        %mul3A_1058 = arith.muli %scan3A_328, %mul3A_1057 : i32
        %add3A_1059 = arith.constant 41 : i32
        %add3A_1060 = arith.addi %mul3A_1058, %add3A_1059 : i32
        %get3A_1061 = arith.index_cast %add3A_1060 : i32 to index
        %get3A_1062 = arith.constant 16 : index
        %get3A_1063 = tpu.vector_load %arg6[%get3A_1061, %get3A_1062] {strides = array<i32>} : memref<800x32xf32, #tpu.memory_space<vmem>>, vector<16xf32>,
        %add3A_1064 = arith.addf %add3A_1032, %get3A_1063 : vector<16xf32>
        %mul3A_1065 = arith.constant 50 : i32
        %mul3A_1066 = arith.muli %scan3A_328, %mul3A_1065 : i32
        %add3A_1067 = arith.constant 42 : i32
        %add3A_1068 = arith.addi %mul3A_1066, %add3A_1067 : i32
        %get3A_1069 = arith.index_cast %add3A_1068 : i32 to index
        %get3A_1070 = arith.constant 16 : index
        %get3A_1071 = tpu.vector_load %arg6[%get3A_1069, %get3A_1070] {strides = array<i32>} : memref<800x32xf32, #tpu.memory_space<vmem>>, vector<16xf32>,
        %add3A_1072 = arith.addf %add3A_1040, %get3A_1071 : vector<16xf32>
        %mul3A_1073 = arith.constant 50 : i32
        %mul3A_1074 = arith.muli %scan3A_328, %mul3A_1073 : i32
        %add3A_1075 = arith.constant 43 : i32
        %add3A_1076 = arith.addi %mul3A_1074, %add3A_1075 : i32
        %get3A_1077 = arith.index_cast %add3A_1076 : i32 to index
        %get3A_1078 = arith.constant 16 : index
        %get3A_1079 = tpu.vector_load %arg6[%get3A_1077, %get3A_1078] {strides = array<i32>} : memref<800x32xf32, #tpu.memory_space<vmem>>, vector<16xf32>,
        %add3A_1080 = arith.addf %add3A_1048, %get3A_1079 : vector<16xf32>
        %mul3A_1081 = arith.constant 50 : i32
        %mul3A_1082 = arith.muli %scan3A_328, %mul3A_1081 : i32
        %add3A_1083 = arith.constant 44 : i32
        %add3A_1084 = arith.addi %mul3A_1082, %add3A_1083 : i32
        %get3A_1085 = arith.index_cast %add3A_1084 : i32 to index
        %get3A_1086 = arith.constant 16 : index
        %get3A_1087 = tpu.vector_load %arg6[%get3A_1085, %get3A_1086] {strides = array<i32>} : memref<800x32xf32, #tpu.memory_space<vmem>>, vector<16xf32>,
        %add3A_1088 = arith.addf %add3A_1056, %get3A_1087 : vector<16xf32>
        %mul3A_1089 = arith.constant 50 : i32
        %mul3A_1090 = arith.muli %scan3A_328, %mul3A_1089 : i32
        %add3A_1091 = arith.constant 45 : i32
        %add3A_1092 = arith.addi %mul3A_1090, %add3A_1091 : i32
        %get3A_1093 = arith.index_cast %add3A_1092 : i32 to index
        %get3A_1094 = arith.constant 16 : index
        %get3A_1095 = tpu.vector_load %arg6[%get3A_1093, %get3A_1094] {strides = array<i32>} : memref<800x32xf32, #tpu.memory_space<vmem>>, vector<16xf32>,
        %add3A_1096 = arith.addf %add3A_1064, %get3A_1095 : vector<16xf32>
        %mul3A_1097 = arith.constant 50 : i32
        %mul3A_1098 = arith.muli %scan3A_328, %mul3A_1097 : i32
        %add3A_1099 = arith.constant 46 : i32
        %add3A_1100 = arith.addi %mul3A_1098, %add3A_1099 : i32
        %get3A_1101 = arith.index_cast %add3A_1100 : i32 to index
        %get3A_1102 = arith.constant 16 : index
        %get3A_1103 = tpu.vector_load %arg6[%get3A_1101, %get3A_1102] {strides = array<i32>} : memref<800x32xf32, #tpu.memory_space<vmem>>, vector<16xf32>,
        %add3A_1104 = arith.addf %add3A_1072, %get3A_1103 : vector<16xf32>
        %mul3A_1105 = arith.constant 50 : i32
        %mul3A_1106 = arith.muli %scan3A_328, %mul3A_1105 : i32
        %add3A_1107 = arith.constant 47 : i32
        %add3A_1108 = arith.addi %mul3A_1106, %add3A_1107 : i32
        %get3A_1109 = arith.index_cast %add3A_1108 : i32 to index
        %get3A_1110 = arith.constant 16 : index
        %get3A_1111 = tpu.vector_load %arg6[%get3A_1109, %get3A_1110] {strides = array<i32>} : memref<800x32xf32, #tpu.memory_space<vmem>>, vector<16xf32>,
        %add3A_1112 = arith.addf %add3A_1080, %get3A_1111 : vector<16xf32>
        %mul3A_1113 = arith.constant 50 : i32
        %mul3A_1114 = arith.muli %scan3A_328, %mul3A_1113 : i32
        %add3A_1115 = arith.constant 48 : i32
        %add3A_1116 = arith.addi %mul3A_1114, %add3A_1115 : i32
        %get3A_1117 = arith.index_cast %add3A_1116 : i32 to index
        %get3A_1118 = arith.constant 16 : index
        %get3A_1119 = tpu.vector_load %arg6[%get3A_1117, %get3A_1118] {strides = array<i32>} : memref<800x32xf32, #tpu.memory_space<vmem>>, vector<16xf32>,
        %add3A_1120 = arith.addf %add3A_1088, %get3A_1119 : vector<16xf32>
        %mul3A_1121 = arith.constant 50 : i32
        %mul3A_1122 = arith.muli %scan3A_328, %mul3A_1121 : i32
        %add3A_1123 = arith.constant 49 : i32
        %add3A_1124 = arith.addi %mul3A_1122, %add3A_1123 : i32
        %get3A_1125 = arith.index_cast %add3A_1124 : i32 to index
        %get3A_1126 = arith.constant 16 : index
        %get3A_1127 = tpu.vector_load %arg6[%get3A_1125, %get3A_1126] {strides = array<i32>} : memref<800x32xf32, #tpu.memory_space<vmem>>, vector<16xf32>,
        %add3A_1128 = arith.addf %add3A_1096, %get3A_1127 : vector<16xf32>
        %add3A_1129 = arith.addf %add3A_1120, %add3A_1128 : vector<16xf32>
        %add3A_1130 = arith.addf %add3A_1104, %add3A_1112 : vector<16xf32>
        %add3A_1131 = arith.addf %add3A_1129, %add3A_1130 : vector<16xf32>
        %mul3A_1132 = arith.constant 32 : i32
        %mul3A_1133 = arith.muli %scan3A_328, %mul3A_1132 : i32
        %add3A_1134 = arith.constant 16 : i32
        %add3A_1135 = arith.addi %mul3A_1133, %add3A_1134 : i32
        %swap3A_1136 = arith.index_cast %add3A_1135 : i32 to index
        %swap3A_1137 = tpu.vector_load %arg8[%swap3A_1136] {strides = array<i32>} : memref<512xf32, #tpu.memory_space<vmem>>, vector<16xf32>,
        tpu.vector_store %arg8[%swap3A_1136], %add3A_1131 {strides = array<i32>} : memref<512xf32, #tpu.memory_space<vmem>>, vector<16xf32>,
        %scan3A_1138 = arith.constant 0 : i32
        scf.yield %scan3A_1138 : i32
      }
      %scan3A_227 = arith.constant 16 : i32
      %add3A_228 = arith.addi %mul3A_2, %mul3A_218 : i32
      %mul3A_229 = arith.constant 32 : i32
      %mul3A_230 = arith.muli %add3A_228, %mul3A_229 : i32
      %dma_start3A_231 = tpu.memref_slice %arg4[%mul3A_230] : memref<524288xf32, #tpu.memory_space<hbm>> -> memref<512xf32, #tpu.memory_space<hbm>>
      %dma_start3A_232 = tpu.memref_slice %arg4[%mul3A_230] : memref<524288xf32, #tpu.memory_space<hbm>> -> memref<512xf32, #tpu.memory_space<hbm>>
      tpu.enqueue_dma source(%arg8 : memref<512xf32, #tpu.memory_space<vmem>>) target(%dma_start3A_232 : memref<512xf32, #tpu.memory_space<hbm>>) target_semaphore(%arg12 : memref<!tpu.dma_semaphore, #tpu.memory_space<semaphore_mem>>)
      %lt3A = arith.constant 15 : i32
      %lt3A_233 = arith.cmpi slt, %scan3A_77, %lt3A : i32
      %convert_element_type3A_234 = arith.extui %lt3A_233 : i1 to i32
      %cond3A_235 = arith.constant 0 : i32
      %cond3A_236 = arith.cmpi ne, %convert_element_type3A_234, %cond3A_235 : i32
      scf.if %cond3A_236 {
        %add3A_328 = arith.constant 2 : i32
        %add3A_329 = arith.addi %mul3A_80, %add3A_328 : i32
        %mul3A_330 = arith.constant 16 : i32
        %mul3A_331 = arith.muli %add3A_329, %mul3A_330 : i32
        %mul3A_332 = arith.constant 50 : i32
        %mul3A_333 = arith.muli %mul3A_331, %mul3A_332 : i32
        %add3A_334 = arith.constant 0 : i32
        %add3A_335 = arith.addi %mul3A_333, %add3A_334 : i32
        %dma_start3A_336 = arith.constant 0 : i32
        %dma_start3A_337 = arith.constant 0 : i32
        %dma_start3A_338 = tpu.memref_slice %arg6[%dma_start3A_336, %dma_start3A_337] : memref<800x32xf32, #tpu.memory_space<vmem>> -> memref<128x32xf32, #tpu.memory_space<vmem>>
        %dma_start3A_339 = tpu.memref_slice %arg5[%add3A_335] : memref<25600xi32, #tpu.memory_space<vmem>> -> memref<128xi32, #tpu.memory_space<vmem>>
        %dma_start3A_340 = arith.constant 0 : i32
        %dma_start3A_341 = arith.constant 0 : i32
        %dma_start3A_342 = tpu.memref_slice %arg3[%dma_start3A_340, %dma_start3A_341] : memref<100000x32xf32, #tpu.memory_space<hbm>> -> memref<100000x32xf32, #tpu.memory_space<hbm>>
        tpu.enqueue_indirect_dma source(%dma_start3A_342 : memref<100000x32xf32, #tpu.memory_space<hbm>>) target(%dma_start3A_338 : memref<128x32xf32, #tpu.memory_space<vmem>>) offsets(%dma_start3A_339 : memref<128xi32, #tpu.memory_space<vmem>>) semaphore(%arg10 : memref<!tpu.dma_semaphore, #tpu.memory_space<semaphore_mem>>)
        %add3A_343 = arith.constant 128 : i32
        %add3A_344 = arith.addi %mul3A_333, %add3A_343 : i32
        %dma_start3A_345 = arith.constant 128 : i32
        %dma_start3A_346 = arith.constant 0 : i32
        %dma_start3A_347 = tpu.memref_slice %arg6[%dma_start3A_345, %dma_start3A_346] : memref<800x32xf32, #tpu.memory_space<vmem>> -> memref<128x32xf32, #tpu.memory_space<vmem>>
        %dma_start3A_348 = tpu.memref_slice %arg5[%add3A_344] : memref<25600xi32, #tpu.memory_space<vmem>> -> memref<128xi32, #tpu.memory_space<vmem>>
        %dma_start3A_349 = arith.constant 0 : i32
        %dma_start3A_350 = arith.constant 0 : i32
        %dma_start3A_351 = tpu.memref_slice %arg3[%dma_start3A_349, %dma_start3A_350] : memref<100000x32xf32, #tpu.memory_space<hbm>> -> memref<100000x32xf32, #tpu.memory_space<hbm>>
        tpu.enqueue_indirect_dma source(%dma_start3A_351 : memref<100000x32xf32, #tpu.memory_space<hbm>>) target(%dma_start3A_347 : memref<128x32xf32, #tpu.memory_space<vmem>>) offsets(%dma_start3A_348 : memref<128xi32, #tpu.memory_space<vmem>>) semaphore(%arg10 : memref<!tpu.dma_semaphore, #tpu.memory_space<semaphore_mem>>)
        %add3A_352 = arith.constant 256 : i32
        %add3A_353 = arith.addi %mul3A_333, %add3A_352 : i32
        %dma_start3A_354 = arith.constant 256 : i32
        %dma_start3A_355 = arith.constant 0 : i32
        %dma_start3A_356 = tpu.memref_slice %arg6[%dma_start3A_354, %dma_start3A_355] : memref<800x32xf32, #tpu.memory_space<vmem>> -> memref<128x32xf32, #tpu.memory_space<vmem>>
        %dma_start3A_357 = tpu.memref_slice %arg5[%add3A_353] : memref<25600xi32, #tpu.memory_space<vmem>> -> memref<128xi32, #tpu.memory_space<vmem>>
        %dma_start3A_358 = arith.constant 0 : i32
        %dma_start3A_359 = arith.constant 0 : i32
        %dma_start3A_360 = tpu.memref_slice %arg3[%dma_start3A_358, %dma_start3A_359] : memref<100000x32xf32, #tpu.memory_space<hbm>> -> memref<100000x32xf32, #tpu.memory_space<hbm>>
        tpu.enqueue_indirect_dma source(%dma_start3A_360 : memref<100000x32xf32, #tpu.memory_space<hbm>>) target(%dma_start3A_356 : memref<128x32xf32, #tpu.memory_space<vmem>>) offsets(%dma_start3A_357 : memref<128xi32, #tpu.memory_space<vmem>>) semaphore(%arg10 : memref<!tpu.dma_semaphore, #tpu.memory_space<semaphore_mem>>)
        %add3A_361 = arith.constant 384 : i32
        %add3A_362 = arith.addi %mul3A_333, %add3A_361 : i32
        %dma_start3A_363 = arith.constant 384 : i32
        %dma_start3A_364 = arith.constant 0 : i32
        %dma_start3A_365 = tpu.memref_slice %arg6[%dma_start3A_363, %dma_start3A_364] : memref<800x32xf32, #tpu.memory_space<vmem>> -> memref<128x32xf32, #tpu.memory_space<vmem>>
        %dma_start3A_366 = tpu.memref_slice %arg5[%add3A_362] : memref<25600xi32, #tpu.memory_space<vmem>> -> memref<128xi32, #tpu.memory_space<vmem>>
        %dma_start3A_367 = arith.constant 0 : i32
        %dma_start3A_368 = arith.constant 0 : i32
        %dma_start3A_369 = tpu.memref_slice %arg3[%dma_start3A_367, %dma_start3A_368] : memref<100000x32xf32, #tpu.memory_space<hbm>> -> memref<100000x32xf32, #tpu.memory_space<hbm>>
        tpu.enqueue_indirect_dma source(%dma_start3A_369 : memref<100000x32xf32, #tpu.memory_space<hbm>>) target(%dma_start3A_365 : memref<128x32xf32, #tpu.memory_space<vmem>>) offsets(%dma_start3A_366 : memref<128xi32, #tpu.memory_space<vmem>>) semaphore(%arg10 : memref<!tpu.dma_semaphore, #tpu.memory_space<semaphore_mem>>)
        %add3A_370 = arith.constant 512 : i32
        %add3A_371 = arith.addi %mul3A_333, %add3A_370 : i32
        %dma_start3A_372 = arith.constant 512 : i32
        %dma_start3A_373 = arith.constant 0 : i32
        %dma_start3A_374 = tpu.memref_slice %arg6[%dma_start3A_372, %dma_start3A_373] : memref<800x32xf32, #tpu.memory_space<vmem>> -> memref<128x32xf32, #tpu.memory_space<vmem>>
        %dma_start3A_375 = tpu.memref_slice %arg5[%add3A_371] : memref<25600xi32, #tpu.memory_space<vmem>> -> memref<128xi32, #tpu.memory_space<vmem>>
        %dma_start3A_376 = arith.constant 0 : i32
        %dma_start3A_377 = arith.constant 0 : i32
        %dma_start3A_378 = tpu.memref_slice %arg3[%dma_start3A_376, %dma_start3A_377] : memref<100000x32xf32, #tpu.memory_space<hbm>> -> memref<100000x32xf32, #tpu.memory_space<hbm>>
        tpu.enqueue_indirect_dma source(%dma_start3A_378 : memref<100000x32xf32, #tpu.memory_space<hbm>>) target(%dma_start3A_374 : memref<128x32xf32, #tpu.memory_space<vmem>>) offsets(%dma_start3A_375 : memref<128xi32, #tpu.memory_space<vmem>>) semaphore(%arg10 : memref<!tpu.dma_semaphore, #tpu.memory_space<semaphore_mem>>)
        %add3A_379 = arith.constant 640 : i32
        %add3A_380 = arith.addi %mul3A_333, %add3A_379 : i32
        %dma_start3A_381 = arith.constant 640 : i32
        %dma_start3A_382 = arith.constant 0 : i32
        %dma_start3A_383 = tpu.memref_slice %arg6[%dma_start3A_381, %dma_start3A_382] : memref<800x32xf32, #tpu.memory_space<vmem>> -> memref<128x32xf32, #tpu.memory_space<vmem>>
        %dma_start3A_384 = tpu.memref_slice %arg5[%add3A_380] : memref<25600xi32, #tpu.memory_space<vmem>> -> memref<128xi32, #tpu.memory_space<vmem>>
        %dma_start3A_385 = arith.constant 0 : i32
        %dma_start3A_386 = arith.constant 0 : i32
        %dma_start3A_387 = tpu.memref_slice %arg3[%dma_start3A_385, %dma_start3A_386] : memref<100000x32xf32, #tpu.memory_space<hbm>> -> memref<100000x32xf32, #tpu.memory_space<hbm>>
        tpu.enqueue_indirect_dma source(%dma_start3A_387 : memref<100000x32xf32, #tpu.memory_space<hbm>>) target(%dma_start3A_383 : memref<128x32xf32, #tpu.memory_space<vmem>>) offsets(%dma_start3A_384 : memref<128xi32, #tpu.memory_space<vmem>>) semaphore(%arg10 : memref<!tpu.dma_semaphore, #tpu.memory_space<semaphore_mem>>)
        %add3A_388 = arith.constant 768 : i32
        %add3A_389 = arith.addi %mul3A_333, %add3A_388 : i32
        %dma_start3A_390 = arith.constant 768 : i32
        %dma_start3A_391 = arith.constant 0 : i32
        %dma_start3A_392 = tpu.memref_slice %arg6[%dma_start3A_390, %dma_start3A_391] : memref<800x32xf32, #tpu.memory_space<vmem>> -> memref<32x32xf32, #tpu.memory_space<vmem>>
        %dma_start3A_393 = tpu.memref_slice %arg5[%add3A_389] : memref<25600xi32, #tpu.memory_space<vmem>> -> memref<32xi32, #tpu.memory_space<vmem>>
        %dma_start3A_394 = arith.constant 0 : i32
        %dma_start3A_395 = arith.constant 0 : i32
        %dma_start3A_396 = tpu.memref_slice %arg3[%dma_start3A_394, %dma_start3A_395] : memref<100000x32xf32, #tpu.memory_space<hbm>> -> memref<100000x32xf32, #tpu.memory_space<hbm>>
        tpu.enqueue_indirect_dma source(%dma_start3A_396 : memref<100000x32xf32, #tpu.memory_space<hbm>>) target(%dma_start3A_392 : memref<32x32xf32, #tpu.memory_space<vmem>>) offsets(%dma_start3A_393 : memref<32xi32, #tpu.memory_space<vmem>>) semaphore(%arg10 : memref<!tpu.dma_semaphore, #tpu.memory_space<semaphore_mem>>)
      } else {
      }
      %add3A_237 = arith.constant 1 : i32
      %add3A_238 = arith.addi %mul3A_80, %add3A_237 : i32
      %mul3A_239 = arith.constant 16 : i32
      %mul3A_240 = arith.muli %add3A_238, %mul3A_239 : i32
      %mul3A_241 = arith.constant 50 : i32
      %mul3A_242 = arith.muli %mul3A_240, %mul3A_241 : i32
      %add3A_243 = arith.constant 0 : i32
      %add3A_244 = arith.addi %mul3A_242, %add3A_243 : i32
      %dma_wait3A_245 = arith.constant 0 : i32
      %dma_wait3A_246 = arith.constant 0 : i32
      %dma_wait3A_247 = tpu.memref_slice %arg7[%dma_wait3A_245, %dma_wait3A_246] : memref<800x32xf32, #tpu.memory_space<vmem>> -> memref<128x32xf32, #tpu.memory_space<vmem>>
      %dma_wait3A_248 = tpu.memref_slice %arg5[%add3A_244] : memref<25600xi32, #tpu.memory_space<vmem>> -> memref<128xi32, #tpu.memory_space<vmem>>
      %dma_wait3A_249 = arith.constant 0 : i32
      %dma_wait3A_250 = arith.constant 0 : i32
      %dma_wait3A_251 = tpu.memref_slice %arg3[%dma_wait3A_249, %dma_wait3A_250] : memref<100000x32xf32, #tpu.memory_space<hbm>> -> memref<100000x32xf32, #tpu.memory_space<hbm>>
      tpu.wait_indirect_dma semaphore(%arg11 : memref<!tpu.dma_semaphore, #tpu.memory_space<semaphore_mem>>) src(%dma_wait3A_251 : memref<100000x32xf32, #tpu.memory_space<hbm>>) dst(%dma_wait3A_247 : memref<128x32xf32, #tpu.memory_space<vmem>>)
      %add3A_252 = arith.constant 128 : i32
      %add3A_253 = arith.addi %mul3A_242, %add3A_252 : i32
      %dma_wait3A_254 = arith.constant 128 : i32
      %dma_wait3A_255 = arith.constant 0 : i32
      %dma_wait3A_256 = tpu.memref_slice %arg7[%dma_wait3A_254, %dma_wait3A_255] : memref<800x32xf32, #tpu.memory_space<vmem>> -> memref<128x32xf32, #tpu.memory_space<vmem>>
      %dma_wait3A_257 = tpu.memref_slice %arg5[%add3A_253] : memref<25600xi32, #tpu.memory_space<vmem>> -> memref<128xi32, #tpu.memory_space<vmem>>
      %dma_wait3A_258 = arith.constant 0 : i32
      %dma_wait3A_259 = arith.constant 0 : i32
      %dma_wait3A_260 = tpu.memref_slice %arg3[%dma_wait3A_258, %dma_wait3A_259] : memref<100000x32xf32, #tpu.memory_space<hbm>> -> memref<100000x32xf32, #tpu.memory_space<hbm>>
      tpu.wait_indirect_dma semaphore(%arg11 : memref<!tpu.dma_semaphore, #tpu.memory_space<semaphore_mem>>) src(%dma_wait3A_260 : memref<100000x32xf32, #tpu.memory_space<hbm>>) dst(%dma_wait3A_256 : memref<128x32xf32, #tpu.memory_space<vmem>>)
      %add3A_261 = arith.constant 256 : i32
      %add3A_262 = arith.addi %mul3A_242, %add3A_261 : i32
      %dma_wait3A_263 = arith.constant 256 : i32
      %dma_wait3A_264 = arith.constant 0 : i32
      %dma_wait3A_265 = tpu.memref_slice %arg7[%dma_wait3A_263, %dma_wait3A_264] : memref<800x32xf32, #tpu.memory_space<vmem>> -> memref<128x32xf32, #tpu.memory_space<vmem>>
      %dma_wait3A_266 = tpu.memref_slice %arg5[%add3A_262] : memref<25600xi32, #tpu.memory_space<vmem>> -> memref<128xi32, #tpu.memory_space<vmem>>
      %dma_wait3A_267 = arith.constant 0 : i32
      %dma_wait3A_268 = arith.constant 0 : i32
      %dma_wait3A_269 = tpu.memref_slice %arg3[%dma_wait3A_267, %dma_wait3A_268] : memref<100000x32xf32, #tpu.memory_space<hbm>> -> memref<100000x32xf32, #tpu.memory_space<hbm>>
      tpu.wait_indirect_dma semaphore(%arg11 : memref<!tpu.dma_semaphore, #tpu.memory_space<semaphore_mem>>) src(%dma_wait3A_269 : memref<100000x32xf32, #tpu.memory_space<hbm>>) dst(%dma_wait3A_265 : memref<128x32xf32, #tpu.memory_space<vmem>>)
      %add3A_270 = arith.constant 384 : i32
      %add3A_271 = arith.addi %mul3A_242, %add3A_270 : i32
      %dma_wait3A_272 = arith.constant 384 : i32
      %dma_wait3A_273 = arith.constant 0 : i32
      %dma_wait3A_274 = tpu.memref_slice %arg7[%dma_wait3A_272, %dma_wait3A_273] : memref<800x32xf32, #tpu.memory_space<vmem>> -> memref<128x32xf32, #tpu.memory_space<vmem>>
      %dma_wait3A_275 = tpu.memref_slice %arg5[%add3A_271] : memref<25600xi32, #tpu.memory_space<vmem>> -> memref<128xi32, #tpu.memory_space<vmem>>
      %dma_wait3A_276 = arith.constant 0 : i32
      %dma_wait3A_277 = arith.constant 0 : i32
      %dma_wait3A_278 = tpu.memref_slice %arg3[%dma_wait3A_276, %dma_wait3A_277] : memref<100000x32xf32, #tpu.memory_space<hbm>> -> memref<100000x32xf32, #tpu.memory_space<hbm>>
      tpu.wait_indirect_dma semaphore(%arg11 : memref<!tpu.dma_semaphore, #tpu.memory_space<semaphore_mem>>) src(%dma_wait3A_278 : memref<100000x32xf32, #tpu.memory_space<hbm>>) dst(%dma_wait3A_274 : memref<128x32xf32, #tpu.memory_space<vmem>>)
      %add3A_279 = arith.constant 512 : i32
      %add3A_280 = arith.addi %mul3A_242, %add3A_279 : i32
      %dma_wait3A_281 = arith.constant 512 : i32
      %dma_wait3A_282 = arith.constant 0 : i32
      %dma_wait3A_283 = tpu.memref_slice %arg7[%dma_wait3A_281, %dma_wait3A_282] : memref<800x32xf32, #tpu.memory_space<vmem>> -> memref<128x32xf32, #tpu.memory_space<vmem>>
      %dma_wait3A_284 = tpu.memref_slice %arg5[%add3A_280] : memref<25600xi32, #tpu.memory_space<vmem>> -> memref<128xi32, #tpu.memory_space<vmem>>
      %dma_wait3A_285 = arith.constant 0 : i32
      %dma_wait3A_286 = arith.constant 0 : i32
      %dma_wait3A_287 = tpu.memref_slice %arg3[%dma_wait3A_285, %dma_wait3A_286] : memref<100000x32xf32, #tpu.memory_space<hbm>> -> memref<100000x32xf32, #tpu.memory_space<hbm>>
      tpu.wait_indirect_dma semaphore(%arg11 : memref<!tpu.dma_semaphore, #tpu.memory_space<semaphore_mem>>) src(%dma_wait3A_287 : memref<100000x32xf32, #tpu.memory_space<hbm>>) dst(%dma_wait3A_283 : memref<128x32xf32, #tpu.memory_space<vmem>>)
      %add3A_288 = arith.constant 640 : i32
      %add3A_289 = arith.addi %mul3A_242, %add3A_288 : i32
      %dma_wait3A_290 = arith.constant 640 : i32
      %dma_wait3A_291 = arith.constant 0 : i32
      %dma_wait3A_292 = tpu.memref_slice %arg7[%dma_wait3A_290, %dma_wait3A_291] : memref<800x32xf32, #tpu.memory_space<vmem>> -> memref<128x32xf32, #tpu.memory_space<vmem>>
      %dma_wait3A_293 = tpu.memref_slice %arg5[%add3A_289] : memref<25600xi32, #tpu.memory_space<vmem>> -> memref<128xi32, #tpu.memory_space<vmem>>
      %dma_wait3A_294 = arith.constant 0 : i32
      %dma_wait3A_295 = arith.constant 0 : i32
      %dma_wait3A_296 = tpu.memref_slice %arg3[%dma_wait3A_294, %dma_wait3A_295] : memref<100000x32xf32, #tpu.memory_space<hbm>> -> memref<100000x32xf32, #tpu.memory_space<hbm>>
      tpu.wait_indirect_dma semaphore(%arg11 : memref<!tpu.dma_semaphore, #tpu.memory_space<semaphore_mem>>) src(%dma_wait3A_296 : memref<100000x32xf32, #tpu.memory_space<hbm>>) dst(%dma_wait3A_292 : memref<128x32xf32, #tpu.memory_space<vmem>>)
      %add3A_297 = arith.constant 768 : i32
      %add3A_298 = arith.addi %mul3A_242, %add3A_297 : i32
      %dma_wait3A_299 = arith.constant 768 : i32
      %dma_wait3A_300 = arith.constant 0 : i32
      %dma_wait3A_301 = tpu.memref_slice %arg7[%dma_wait3A_299, %dma_wait3A_300] : memref<800x32xf32, #tpu.memory_space<vmem>> -> memref<32x32xf32, #tpu.memory_space<vmem>>
      %dma_wait3A_302 = tpu.memref_slice %arg5[%add3A_298] : memref<25600xi32, #tpu.memory_space<vmem>> -> memref<32xi32, #tpu.memory_space<vmem>>
      %dma_wait3A_303 = arith.constant 0 : i32
      %dma_wait3A_304 = arith.constant 0 : i32
      %dma_wait3A_305 = tpu.memref_slice %arg3[%dma_wait3A_303, %dma_wait3A_304] : memref<100000x32xf32, #tpu.memory_space<hbm>> -> memref<100000x32xf32, #tpu.memory_space<hbm>>
      tpu.wait_indirect_dma semaphore(%arg11 : memref<!tpu.dma_semaphore, #tpu.memory_space<semaphore_mem>>) src(%dma_wait3A_305 : memref<100000x32xf32, #tpu.memory_space<hbm>>) dst(%dma_wait3A_301 : memref<32x32xf32, #tpu.memory_space<vmem>>)
      %add3A_306 = arith.constant 1 : i32
      %add3A_307 = arith.addi %mul3A_80, %add3A_306 : i32
      %mul3A_308 = arith.constant 16 : i32
      %mul3A_309 = arith.muli %add3A_307, %mul3A_308 : i32
      %ge3A_310 = arith.constant 2 : i32
      %ge3A_311 = arith.cmpi sge, %add3A_307, %ge3A_310 : i32
      %convert_element_type3A_312 = arith.extui %ge3A_311 : i1 to i32
      %cond3A_313 = arith.constant 0 : i32
      %cond3A_314 = arith.cmpi ne, %convert_element_type3A_312, %cond3A_313 : i32
      scf.if %cond3A_314 {
        %sub3A = arith.constant 2 : i32
        %sub3A_328 = arith.subi %add3A_307, %sub3A : i32
        %mul3A_329 = arith.constant 16 : i32
        %mul3A_330 = arith.muli %sub3A_328, %mul3A_329 : i32
        %add3A_331 = arith.addi %mul3A_2, %mul3A_330 : i32
        %mul3A_332 = arith.constant 32 : i32
        %mul3A_333 = arith.muli %add3A_331, %mul3A_332 : i32
        %dma_wait3A_334 = tpu.memref_slice %arg4[%mul3A_333] : memref<524288xf32, #tpu.memory_space<hbm>> -> memref<512xf32, #tpu.memory_space<hbm>>
        %dma_wait3A_335 = tpu.memref_slice %arg4[%mul3A_333] : memref<524288xf32, #tpu.memory_space<hbm>> -> memref<512xf32, #tpu.memory_space<hbm>>
        tpu.wait_dma2 semaphore(%arg13 : memref<!tpu.dma_semaphore, #tpu.memory_space<semaphore_mem>>) src(%arg9 : memref<512xf32, #tpu.memory_space<vmem>>) dst(%dma_wait3A_335 : memref<512xf32, #tpu.memory_space<hbm>>)
      } else {
      }
      %scan3A_315 = arith.constant 0 : i32
      %scan3A_316 = arith.constant 0 : i32
      %scan3A_317 = arith.constant 16 : i32
      %scan3A_318 = arith.addi %scan3A_316, %scan3A_317 : i32
      %scan3A_319 = arith.constant 1 : i32
      %scan3A_320 = scf.for %scan3A_328 = %scan3A_316 to %scan3A_318 step %scan3A_319 iter_args(%scan3A_329 = %scan3A_315) -> (i32)  : i32 {
        %mul3A_330 = arith.constant 50 : i32
        %mul3A_331 = arith.muli %scan3A_328, %mul3A_330 : i32
        %add3A_332 = arith.constant 0 : i32
        %add3A_333 = arith.addi %mul3A_331, %add3A_332 : i32
        %get3A = arith.index_cast %add3A_333 : i32 to index
        %get3A_334 = arith.constant 0 : index
        %get3A_335 = tpu.vector_load %arg7[%get3A, %get3A_334] {strides = array<i32>} : memref<800x32xf32, #tpu.memory_space<vmem>>, vector<16xf32>,
        %mul3A_336 = arith.constant 50 : i32
        %mul3A_337 = arith.muli %scan3A_328, %mul3A_336 : i32
        %add3A_338 = arith.constant 1 : i32
        %add3A_339 = arith.addi %mul3A_337, %add3A_338 : i32
        %get3A_340 = arith.index_cast %add3A_339 : i32 to index
        %get3A_341 = arith.constant 0 : index
        %get3A_342 = tpu.vector_load %arg7[%get3A_340, %get3A_341] {strides = array<i32>} : memref<800x32xf32, #tpu.memory_space<vmem>>, vector<16xf32>,
        %mul3A_343 = arith.constant 50 : i32
        %mul3A_344 = arith.muli %scan3A_328, %mul3A_343 : i32
        %add3A_345 = arith.constant 2 : i32
        %add3A_346 = arith.addi %mul3A_344, %add3A_345 : i32
        %get3A_347 = arith.index_cast %add3A_346 : i32 to index
        %get3A_348 = arith.constant 0 : index
        %get3A_349 = tpu.vector_load %arg7[%get3A_347, %get3A_348] {strides = array<i32>} : memref<800x32xf32, #tpu.memory_space<vmem>>, vector<16xf32>,
        %mul3A_350 = arith.constant 50 : i32
        %mul3A_351 = arith.muli %scan3A_328, %mul3A_350 : i32
        %add3A_352 = arith.constant 3 : i32
        %add3A_353 = arith.addi %mul3A_351, %add3A_352 : i32
        %get3A_354 = arith.index_cast %add3A_353 : i32 to index
        %get3A_355 = arith.constant 0 : index
        %get3A_356 = tpu.vector_load %arg7[%get3A_354, %get3A_355] {strides = array<i32>} : memref<800x32xf32, #tpu.memory_space<vmem>>, vector<16xf32>,
        %mul3A_357 = arith.constant 50 : i32
        %mul3A_358 = arith.muli %scan3A_328, %mul3A_357 : i32
        %add3A_359 = arith.constant 4 : i32
        %add3A_360 = arith.addi %mul3A_358, %add3A_359 : i32
        %get3A_361 = arith.index_cast %add3A_360 : i32 to index
        %get3A_362 = arith.constant 0 : index
        %get3A_363 = tpu.vector_load %arg7[%get3A_361, %get3A_362] {strides = array<i32>} : memref<800x32xf32, #tpu.memory_space<vmem>>, vector<16xf32>,
        %add3A_364 = arith.addf %get3A_335, %get3A_363 : vector<16xf32>
        %mul3A_365 = arith.constant 50 : i32
        %mul3A_366 = arith.muli %scan3A_328, %mul3A_365 : i32
        %add3A_367 = arith.constant 5 : i32
        %add3A_368 = arith.addi %mul3A_366, %add3A_367 : i32
        %get3A_369 = arith.index_cast %add3A_368 : i32 to index
        %get3A_370 = arith.constant 0 : index
        %get3A_371 = tpu.vector_load %arg7[%get3A_369, %get3A_370] {strides = array<i32>} : memref<800x32xf32, #tpu.memory_space<vmem>>, vector<16xf32>,
        %add3A_372 = arith.addf %get3A_342, %get3A_371 : vector<16xf32>
        %mul3A_373 = arith.constant 50 : i32
        %mul3A_374 = arith.muli %scan3A_328, %mul3A_373 : i32
        %add3A_375 = arith.constant 6 : i32
        %add3A_376 = arith.addi %mul3A_374, %add3A_375 : i32
        %get3A_377 = arith.index_cast %add3A_376 : i32 to index
        %get3A_378 = arith.constant 0 : index
        %get3A_379 = tpu.vector_load %arg7[%get3A_377, %get3A_378] {strides = array<i32>} : memref<800x32xf32, #tpu.memory_space<vmem>>, vector<16xf32>,
        %add3A_380 = arith.addf %get3A_349, %get3A_379 : vector<16xf32>
        %mul3A_381 = arith.constant 50 : i32
        %mul3A_382 = arith.muli %scan3A_328, %mul3A_381 : i32
        %add3A_383 = arith.constant 7 : i32
        %add3A_384 = arith.addi %mul3A_382, %add3A_383 : i32
        %get3A_385 = arith.index_cast %add3A_384 : i32 to index
        %get3A_386 = arith.constant 0 : index
        %get3A_387 = tpu.vector_load %arg7[%get3A_385, %get3A_386] {strides = array<i32>} : memref<800x32xf32, #tpu.memory_space<vmem>>, vector<16xf32>,
        %add3A_388 = arith.addf %get3A_356, %get3A_387 : vector<16xf32>
        %mul3A_389 = arith.constant 50 : i32
        %mul3A_390 = arith.muli %scan3A_328, %mul3A_389 : i32
        %add3A_391 = arith.constant 8 : i32
        %add3A_392 = arith.addi %mul3A_390, %add3A_391 : i32
        %get3A_393 = arith.index_cast %add3A_392 : i32 to index
        %get3A_394 = arith.constant 0 : index
        %get3A_395 = tpu.vector_load %arg7[%get3A_393, %get3A_394] {strides = array<i32>} : memref<800x32xf32, #tpu.memory_space<vmem>>, vector<16xf32>,
        %add3A_396 = arith.addf %add3A_364, %get3A_395 : vector<16xf32>
        %mul3A_397 = arith.constant 50 : i32
        %mul3A_398 = arith.muli %scan3A_328, %mul3A_397 : i32
        %add3A_399 = arith.constant 9 : i32
        %add3A_400 = arith.addi %mul3A_398, %add3A_399 : i32
        %get3A_401 = arith.index_cast %add3A_400 : i32 to index
        %get3A_402 = arith.constant 0 : index
        %get3A_403 = tpu.vector_load %arg7[%get3A_401, %get3A_402] {strides = array<i32>} : memref<800x32xf32, #tpu.memory_space<vmem>>, vector<16xf32>,
        %add3A_404 = arith.addf %add3A_372, %get3A_403 : vector<16xf32>
        %mul3A_405 = arith.constant 50 : i32
        %mul3A_406 = arith.muli %scan3A_328, %mul3A_405 : i32
        %add3A_407 = arith.constant 10 : i32
        %add3A_408 = arith.addi %mul3A_406, %add3A_407 : i32
        %get3A_409 = arith.index_cast %add3A_408 : i32 to index
        %get3A_410 = arith.constant 0 : index
        %get3A_411 = tpu.vector_load %arg7[%get3A_409, %get3A_410] {strides = array<i32>} : memref<800x32xf32, #tpu.memory_space<vmem>>, vector<16xf32>,
        %add3A_412 = arith.addf %add3A_380, %get3A_411 : vector<16xf32>
        %mul3A_413 = arith.constant 50 : i32
        %mul3A_414 = arith.muli %scan3A_328, %mul3A_413 : i32
        %add3A_415 = arith.constant 11 : i32
        %add3A_416 = arith.addi %mul3A_414, %add3A_415 : i32
        %get3A_417 = arith.index_cast %add3A_416 : i32 to index
        %get3A_418 = arith.constant 0 : index
        %get3A_419 = tpu.vector_load %arg7[%get3A_417, %get3A_418] {strides = array<i32>} : memref<800x32xf32, #tpu.memory_space<vmem>>, vector<16xf32>,
        %add3A_420 = arith.addf %add3A_388, %get3A_419 : vector<16xf32>
        %mul3A_421 = arith.constant 50 : i32
        %mul3A_422 = arith.muli %scan3A_328, %mul3A_421 : i32
        %add3A_423 = arith.constant 12 : i32
        %add3A_424 = arith.addi %mul3A_422, %add3A_423 : i32
        %get3A_425 = arith.index_cast %add3A_424 : i32 to index
        %get3A_426 = arith.constant 0 : index
        %get3A_427 = tpu.vector_load %arg7[%get3A_425, %get3A_426] {strides = array<i32>} : memref<800x32xf32, #tpu.memory_space<vmem>>, vector<16xf32>,
        %add3A_428 = arith.addf %add3A_396, %get3A_427 : vector<16xf32>
        %mul3A_429 = arith.constant 50 : i32
        %mul3A_430 = arith.muli %scan3A_328, %mul3A_429 : i32
        %add3A_431 = arith.constant 13 : i32
        %add3A_432 = arith.addi %mul3A_430, %add3A_431 : i32
        %get3A_433 = arith.index_cast %add3A_432 : i32 to index
        %get3A_434 = arith.constant 0 : index
        %get3A_435 = tpu.vector_load %arg7[%get3A_433, %get3A_434] {strides = array<i32>} : memref<800x32xf32, #tpu.memory_space<vmem>>, vector<16xf32>,
        %add3A_436 = arith.addf %add3A_404, %get3A_435 : vector<16xf32>
        %mul3A_437 = arith.constant 50 : i32
        %mul3A_438 = arith.muli %scan3A_328, %mul3A_437 : i32
        %add3A_439 = arith.constant 14 : i32
        %add3A_440 = arith.addi %mul3A_438, %add3A_439 : i32
        %get3A_441 = arith.index_cast %add3A_440 : i32 to index
        %get3A_442 = arith.constant 0 : index
        %get3A_443 = tpu.vector_load %arg7[%get3A_441, %get3A_442] {strides = array<i32>} : memref<800x32xf32, #tpu.memory_space<vmem>>, vector<16xf32>,
        %add3A_444 = arith.addf %add3A_412, %get3A_443 : vector<16xf32>
        %mul3A_445 = arith.constant 50 : i32
        %mul3A_446 = arith.muli %scan3A_328, %mul3A_445 : i32
        %add3A_447 = arith.constant 15 : i32
        %add3A_448 = arith.addi %mul3A_446, %add3A_447 : i32
        %get3A_449 = arith.index_cast %add3A_448 : i32 to index
        %get3A_450 = arith.constant 0 : index
        %get3A_451 = tpu.vector_load %arg7[%get3A_449, %get3A_450] {strides = array<i32>} : memref<800x32xf32, #tpu.memory_space<vmem>>, vector<16xf32>,
        %add3A_452 = arith.addf %add3A_420, %get3A_451 : vector<16xf32>
        %mul3A_453 = arith.constant 50 : i32
        %mul3A_454 = arith.muli %scan3A_328, %mul3A_453 : i32
        %add3A_455 = arith.constant 16 : i32
        %add3A_456 = arith.addi %mul3A_454, %add3A_455 : i32
        %get3A_457 = arith.index_cast %add3A_456 : i32 to index
        %get3A_458 = arith.constant 0 : index
        %get3A_459 = tpu.vector_load %arg7[%get3A_457, %get3A_458] {strides = array<i32>} : memref<800x32xf32, #tpu.memory_space<vmem>>, vector<16xf32>,
        %add3A_460 = arith.addf %add3A_428, %get3A_459 : vector<16xf32>
        %mul3A_461 = arith.constant 50 : i32
        %mul3A_462 = arith.muli %scan3A_328, %mul3A_461 : i32
        %add3A_463 = arith.constant 17 : i32
        %add3A_464 = arith.addi %mul3A_462, %add3A_463 : i32
        %get3A_465 = arith.index_cast %add3A_464 : i32 to index
        %get3A_466 = arith.constant 0 : index
        %get3A_467 = tpu.vector_load %arg7[%get3A_465, %get3A_466] {strides = array<i32>} : memref<800x32xf32, #tpu.memory_space<vmem>>, vector<16xf32>,
        %add3A_468 = arith.addf %add3A_436, %get3A_467 : vector<16xf32>
        %mul3A_469 = arith.constant 50 : i32
        %mul3A_470 = arith.muli %scan3A_328, %mul3A_469 : i32
        %add3A_471 = arith.constant 18 : i32
        %add3A_472 = arith.addi %mul3A_470, %add3A_471 : i32
        %get3A_473 = arith.index_cast %add3A_472 : i32 to index
        %get3A_474 = arith.constant 0 : index
        %get3A_475 = tpu.vector_load %arg7[%get3A_473, %get3A_474] {strides = array<i32>} : memref<800x32xf32, #tpu.memory_space<vmem>>, vector<16xf32>,
        %add3A_476 = arith.addf %add3A_444, %get3A_475 : vector<16xf32>
        %mul3A_477 = arith.constant 50 : i32
        %mul3A_478 = arith.muli %scan3A_328, %mul3A_477 : i32
        %add3A_479 = arith.constant 19 : i32
        %add3A_480 = arith.addi %mul3A_478, %add3A_479 : i32
        %get3A_481 = arith.index_cast %add3A_480 : i32 to index
        %get3A_482 = arith.constant 0 : index
        %get3A_483 = tpu.vector_load %arg7[%get3A_481, %get3A_482] {strides = array<i32>} : memref<800x32xf32, #tpu.memory_space<vmem>>, vector<16xf32>,
        %add3A_484 = arith.addf %add3A_452, %get3A_483 : vector<16xf32>
        %mul3A_485 = arith.constant 50 : i32
        %mul3A_486 = arith.muli %scan3A_328, %mul3A_485 : i32
        %add3A_487 = arith.constant 20 : i32
        %add3A_488 = arith.addi %mul3A_486, %add3A_487 : i32
        %get3A_489 = arith.index_cast %add3A_488 : i32 to index
        %get3A_490 = arith.constant 0 : index
        %get3A_491 = tpu.vector_load %arg7[%get3A_489, %get3A_490] {strides = array<i32>} : memref<800x32xf32, #tpu.memory_space<vmem>>, vector<16xf32>,
        %add3A_492 = arith.addf %add3A_460, %get3A_491 : vector<16xf32>
        %mul3A_493 = arith.constant 50 : i32
        %mul3A_494 = arith.muli %scan3A_328, %mul3A_493 : i32
        %add3A_495 = arith.constant 21 : i32
        %add3A_496 = arith.addi %mul3A_494, %add3A_495 : i32
        %get3A_497 = arith.index_cast %add3A_496 : i32 to index
        %get3A_498 = arith.constant 0 : index
        %get3A_499 = tpu.vector_load %arg7[%get3A_497, %get3A_498] {strides = array<i32>} : memref<800x32xf32, #tpu.memory_space<vmem>>, vector<16xf32>,
        %add3A_500 = arith.addf %add3A_468, %get3A_499 : vector<16xf32>
        %mul3A_501 = arith.constant 50 : i32
        %mul3A_502 = arith.muli %scan3A_328, %mul3A_501 : i32
        %add3A_503 = arith.constant 22 : i32
        %add3A_504 = arith.addi %mul3A_502, %add3A_503 : i32
        %get3A_505 = arith.index_cast %add3A_504 : i32 to index
        %get3A_506 = arith.constant 0 : index
        %get3A_507 = tpu.vector_load %arg7[%get3A_505, %get3A_506] {strides = array<i32>} : memref<800x32xf32, #tpu.memory_space<vmem>>, vector<16xf32>,
        %add3A_508 = arith.addf %add3A_476, %get3A_507 : vector<16xf32>
        %mul3A_509 = arith.constant 50 : i32
        %mul3A_510 = arith.muli %scan3A_328, %mul3A_509 : i32
        %add3A_511 = arith.constant 23 : i32
        %add3A_512 = arith.addi %mul3A_510, %add3A_511 : i32
        %get3A_513 = arith.index_cast %add3A_512 : i32 to index
        %get3A_514 = arith.constant 0 : index
        %get3A_515 = tpu.vector_load %arg7[%get3A_513, %get3A_514] {strides = array<i32>} : memref<800x32xf32, #tpu.memory_space<vmem>>, vector<16xf32>,
        %add3A_516 = arith.addf %add3A_484, %get3A_515 : vector<16xf32>
        %mul3A_517 = arith.constant 50 : i32
        %mul3A_518 = arith.muli %scan3A_328, %mul3A_517 : i32
        %add3A_519 = arith.constant 24 : i32
        %add3A_520 = arith.addi %mul3A_518, %add3A_519 : i32
        %get3A_521 = arith.index_cast %add3A_520 : i32 to index
        %get3A_522 = arith.constant 0 : index
        %get3A_523 = tpu.vector_load %arg7[%get3A_521, %get3A_522] {strides = array<i32>} : memref<800x32xf32, #tpu.memory_space<vmem>>, vector<16xf32>,
        %add3A_524 = arith.addf %add3A_492, %get3A_523 : vector<16xf32>
        %mul3A_525 = arith.constant 50 : i32
        %mul3A_526 = arith.muli %scan3A_328, %mul3A_525 : i32
        %add3A_527 = arith.constant 25 : i32
        %add3A_528 = arith.addi %mul3A_526, %add3A_527 : i32
        %get3A_529 = arith.index_cast %add3A_528 : i32 to index
        %get3A_530 = arith.constant 0 : index
        %get3A_531 = tpu.vector_load %arg7[%get3A_529, %get3A_530] {strides = array<i32>} : memref<800x32xf32, #tpu.memory_space<vmem>>, vector<16xf32>,
        %add3A_532 = arith.addf %add3A_500, %get3A_531 : vector<16xf32>
        %mul3A_533 = arith.constant 50 : i32
        %mul3A_534 = arith.muli %scan3A_328, %mul3A_533 : i32
        %add3A_535 = arith.constant 26 : i32
        %add3A_536 = arith.addi %mul3A_534, %add3A_535 : i32
        %get3A_537 = arith.index_cast %add3A_536 : i32 to index
        %get3A_538 = arith.constant 0 : index
        %get3A_539 = tpu.vector_load %arg7[%get3A_537, %get3A_538] {strides = array<i32>} : memref<800x32xf32, #tpu.memory_space<vmem>>, vector<16xf32>,
        %add3A_540 = arith.addf %add3A_508, %get3A_539 : vector<16xf32>
        %mul3A_541 = arith.constant 50 : i32
        %mul3A_542 = arith.muli %scan3A_328, %mul3A_541 : i32
        %add3A_543 = arith.constant 27 : i32
        %add3A_544 = arith.addi %mul3A_542, %add3A_543 : i32
        %get3A_545 = arith.index_cast %add3A_544 : i32 to index
        %get3A_546 = arith.constant 0 : index
        %get3A_547 = tpu.vector_load %arg7[%get3A_545, %get3A_546] {strides = array<i32>} : memref<800x32xf32, #tpu.memory_space<vmem>>, vector<16xf32>,
        %add3A_548 = arith.addf %add3A_516, %get3A_547 : vector<16xf32>
        %mul3A_549 = arith.constant 50 : i32
        %mul3A_550 = arith.muli %scan3A_328, %mul3A_549 : i32
        %add3A_551 = arith.constant 28 : i32
        %add3A_552 = arith.addi %mul3A_550, %add3A_551 : i32
        %get3A_553 = arith.index_cast %add3A_552 : i32 to index
        %get3A_554 = arith.constant 0 : index
        %get3A_555 = tpu.vector_load %arg7[%get3A_553, %get3A_554] {strides = array<i32>} : memref<800x32xf32, #tpu.memory_space<vmem>>, vector<16xf32>,
        %add3A_556 = arith.addf %add3A_524, %get3A_555 : vector<16xf32>
        %mul3A_557 = arith.constant 50 : i32
        %mul3A_558 = arith.muli %scan3A_328, %mul3A_557 : i32
        %add3A_559 = arith.constant 29 : i32
        %add3A_560 = arith.addi %mul3A_558, %add3A_559 : i32
        %get3A_561 = arith.index_cast %add3A_560 : i32 to index
        %get3A_562 = arith.constant 0 : index
        %get3A_563 = tpu.vector_load %arg7[%get3A_561, %get3A_562] {strides = array<i32>} : memref<800x32xf32, #tpu.memory_space<vmem>>, vector<16xf32>,
        %add3A_564 = arith.addf %add3A_532, %get3A_563 : vector<16xf32>
        %mul3A_565 = arith.constant 50 : i32
        %mul3A_566 = arith.muli %scan3A_328, %mul3A_565 : i32
        %add3A_567 = arith.constant 30 : i32
        %add3A_568 = arith.addi %mul3A_566, %add3A_567 : i32
        %get3A_569 = arith.index_cast %add3A_568 : i32 to index
        %get3A_570 = arith.constant 0 : index
        %get3A_571 = tpu.vector_load %arg7[%get3A_569, %get3A_570] {strides = array<i32>} : memref<800x32xf32, #tpu.memory_space<vmem>>, vector<16xf32>,
        %add3A_572 = arith.addf %add3A_540, %get3A_571 : vector<16xf32>
        %mul3A_573 = arith.constant 50 : i32
        %mul3A_574 = arith.muli %scan3A_328, %mul3A_573 : i32
        %add3A_575 = arith.constant 31 : i32
        %add3A_576 = arith.addi %mul3A_574, %add3A_575 : i32
        %get3A_577 = arith.index_cast %add3A_576 : i32 to index
        %get3A_578 = arith.constant 0 : index
        %get3A_579 = tpu.vector_load %arg7[%get3A_577, %get3A_578] {strides = array<i32>} : memref<800x32xf32, #tpu.memory_space<vmem>>, vector<16xf32>,
        %add3A_580 = arith.addf %add3A_548, %get3A_579 : vector<16xf32>
        %mul3A_581 = arith.constant 50 : i32
        %mul3A_582 = arith.muli %scan3A_328, %mul3A_581 : i32
        %add3A_583 = arith.constant 32 : i32
        %add3A_584 = arith.addi %mul3A_582, %add3A_583 : i32
        %get3A_585 = arith.index_cast %add3A_584 : i32 to index
        %get3A_586 = arith.constant 0 : index
        %get3A_587 = tpu.vector_load %arg7[%get3A_585, %get3A_586] {strides = array<i32>} : memref<800x32xf32, #tpu.memory_space<vmem>>, vector<16xf32>,
        %add3A_588 = arith.addf %add3A_556, %get3A_587 : vector<16xf32>
        %mul3A_589 = arith.constant 50 : i32
        %mul3A_590 = arith.muli %scan3A_328, %mul3A_589 : i32
        %add3A_591 = arith.constant 33 : i32
        %add3A_592 = arith.addi %mul3A_590, %add3A_591 : i32
        %get3A_593 = arith.index_cast %add3A_592 : i32 to index
        %get3A_594 = arith.constant 0 : index
        %get3A_595 = tpu.vector_load %arg7[%get3A_593, %get3A_594] {strides = array<i32>} : memref<800x32xf32, #tpu.memory_space<vmem>>, vector<16xf32>,
        %add3A_596 = arith.addf %add3A_564, %get3A_595 : vector<16xf32>
        %mul3A_597 = arith.constant 50 : i32
        %mul3A_598 = arith.muli %scan3A_328, %mul3A_597 : i32
        %add3A_599 = arith.constant 34 : i32
        %add3A_600 = arith.addi %mul3A_598, %add3A_599 : i32
        %get3A_601 = arith.index_cast %add3A_600 : i32 to index
        %get3A_602 = arith.constant 0 : index
        %get3A_603 = tpu.vector_load %arg7[%get3A_601, %get3A_602] {strides = array<i32>} : memref<800x32xf32, #tpu.memory_space<vmem>>, vector<16xf32>,
        %add3A_604 = arith.addf %add3A_572, %get3A_603 : vector<16xf32>
        %mul3A_605 = arith.constant 50 : i32
        %mul3A_606 = arith.muli %scan3A_328, %mul3A_605 : i32
        %add3A_607 = arith.constant 35 : i32
        %add3A_608 = arith.addi %mul3A_606, %add3A_607 : i32
        %get3A_609 = arith.index_cast %add3A_608 : i32 to index
        %get3A_610 = arith.constant 0 : index
        %get3A_611 = tpu.vector_load %arg7[%get3A_609, %get3A_610] {strides = array<i32>} : memref<800x32xf32, #tpu.memory_space<vmem>>, vector<16xf32>,
        %add3A_612 = arith.addf %add3A_580, %get3A_611 : vector<16xf32>
        %mul3A_613 = arith.constant 50 : i32
        %mul3A_614 = arith.muli %scan3A_328, %mul3A_613 : i32
        %add3A_615 = arith.constant 36 : i32
        %add3A_616 = arith.addi %mul3A_614, %add3A_615 : i32
        %get3A_617 = arith.index_cast %add3A_616 : i32 to index
        %get3A_618 = arith.constant 0 : index
        %get3A_619 = tpu.vector_load %arg7[%get3A_617, %get3A_618] {strides = array<i32>} : memref<800x32xf32, #tpu.memory_space<vmem>>, vector<16xf32>,
        %add3A_620 = arith.addf %add3A_588, %get3A_619 : vector<16xf32>
        %mul3A_621 = arith.constant 50 : i32
        %mul3A_622 = arith.muli %scan3A_328, %mul3A_621 : i32
        %add3A_623 = arith.constant 37 : i32
        %add3A_624 = arith.addi %mul3A_622, %add3A_623 : i32
        %get3A_625 = arith.index_cast %add3A_624 : i32 to index
        %get3A_626 = arith.constant 0 : index
        %get3A_627 = tpu.vector_load %arg7[%get3A_625, %get3A_626] {strides = array<i32>} : memref<800x32xf32, #tpu.memory_space<vmem>>, vector<16xf32>,
        %add3A_628 = arith.addf %add3A_596, %get3A_627 : vector<16xf32>
        %mul3A_629 = arith.constant 50 : i32
        %mul3A_630 = arith.muli %scan3A_328, %mul3A_629 : i32
        %add3A_631 = arith.constant 38 : i32
        %add3A_632 = arith.addi %mul3A_630, %add3A_631 : i32
        %get3A_633 = arith.index_cast %add3A_632 : i32 to index
        %get3A_634 = arith.constant 0 : index
        %get3A_635 = tpu.vector_load %arg7[%get3A_633, %get3A_634] {strides = array<i32>} : memref<800x32xf32, #tpu.memory_space<vmem>>, vector<16xf32>,
        %add3A_636 = arith.addf %add3A_604, %get3A_635 : vector<16xf32>
        %mul3A_637 = arith.constant 50 : i32
        %mul3A_638 = arith.muli %scan3A_328, %mul3A_637 : i32
        %add3A_639 = arith.constant 39 : i32
        %add3A_640 = arith.addi %mul3A_638, %add3A_639 : i32
        %get3A_641 = arith.index_cast %add3A_640 : i32 to index
        %get3A_642 = arith.constant 0 : index
        %get3A_643 = tpu.vector_load %arg7[%get3A_641, %get3A_642] {strides = array<i32>} : memref<800x32xf32, #tpu.memory_space<vmem>>, vector<16xf32>,
        %add3A_644 = arith.addf %add3A_612, %get3A_643 : vector<16xf32>
        %mul3A_645 = arith.constant 50 : i32
        %mul3A_646 = arith.muli %scan3A_328, %mul3A_645 : i32
        %add3A_647 = arith.constant 40 : i32
        %add3A_648 = arith.addi %mul3A_646, %add3A_647 : i32
        %get3A_649 = arith.index_cast %add3A_648 : i32 to index
        %get3A_650 = arith.constant 0 : index
        %get3A_651 = tpu.vector_load %arg7[%get3A_649, %get3A_650] {strides = array<i32>} : memref<800x32xf32, #tpu.memory_space<vmem>>, vector<16xf32>,
        %add3A_652 = arith.addf %add3A_620, %get3A_651 : vector<16xf32>
        %mul3A_653 = arith.constant 50 : i32
        %mul3A_654 = arith.muli %scan3A_328, %mul3A_653 : i32
        %add3A_655 = arith.constant 41 : i32
        %add3A_656 = arith.addi %mul3A_654, %add3A_655 : i32
        %get3A_657 = arith.index_cast %add3A_656 : i32 to index
        %get3A_658 = arith.constant 0 : index
        %get3A_659 = tpu.vector_load %arg7[%get3A_657, %get3A_658] {strides = array<i32>} : memref<800x32xf32, #tpu.memory_space<vmem>>, vector<16xf32>,
        %add3A_660 = arith.addf %add3A_628, %get3A_659 : vector<16xf32>
        %mul3A_661 = arith.constant 50 : i32
        %mul3A_662 = arith.muli %scan3A_328, %mul3A_661 : i32
        %add3A_663 = arith.constant 42 : i32
        %add3A_664 = arith.addi %mul3A_662, %add3A_663 : i32
        %get3A_665 = arith.index_cast %add3A_664 : i32 to index
        %get3A_666 = arith.constant 0 : index
        %get3A_667 = tpu.vector_load %arg7[%get3A_665, %get3A_666] {strides = array<i32>} : memref<800x32xf32, #tpu.memory_space<vmem>>, vector<16xf32>,
        %add3A_668 = arith.addf %add3A_636, %get3A_667 : vector<16xf32>
        %mul3A_669 = arith.constant 50 : i32
        %mul3A_670 = arith.muli %scan3A_328, %mul3A_669 : i32
        %add3A_671 = arith.constant 43 : i32
        %add3A_672 = arith.addi %mul3A_670, %add3A_671 : i32
        %get3A_673 = arith.index_cast %add3A_672 : i32 to index
        %get3A_674 = arith.constant 0 : index
        %get3A_675 = tpu.vector_load %arg7[%get3A_673, %get3A_674] {strides = array<i32>} : memref<800x32xf32, #tpu.memory_space<vmem>>, vector<16xf32>,
        %add3A_676 = arith.addf %add3A_644, %get3A_675 : vector<16xf32>
        %mul3A_677 = arith.constant 50 : i32
        %mul3A_678 = arith.muli %scan3A_328, %mul3A_677 : i32
        %add3A_679 = arith.constant 44 : i32
        %add3A_680 = arith.addi %mul3A_678, %add3A_679 : i32
        %get3A_681 = arith.index_cast %add3A_680 : i32 to index
        %get3A_682 = arith.constant 0 : index
        %get3A_683 = tpu.vector_load %arg7[%get3A_681, %get3A_682] {strides = array<i32>} : memref<800x32xf32, #tpu.memory_space<vmem>>, vector<16xf32>,
        %add3A_684 = arith.addf %add3A_652, %get3A_683 : vector<16xf32>
        %mul3A_685 = arith.constant 50 : i32
        %mul3A_686 = arith.muli %scan3A_328, %mul3A_685 : i32
        %add3A_687 = arith.constant 45 : i32
        %add3A_688 = arith.addi %mul3A_686, %add3A_687 : i32
        %get3A_689 = arith.index_cast %add3A_688 : i32 to index
        %get3A_690 = arith.constant 0 : index
        %get3A_691 = tpu.vector_load %arg7[%get3A_689, %get3A_690] {strides = array<i32>} : memref<800x32xf32, #tpu.memory_space<vmem>>, vector<16xf32>,
        %add3A_692 = arith.addf %add3A_660, %get3A_691 : vector<16xf32>
        %mul3A_693 = arith.constant 50 : i32
        %mul3A_694 = arith.muli %scan3A_328, %mul3A_693 : i32
        %add3A_695 = arith.constant 46 : i32
        %add3A_696 = arith.addi %mul3A_694, %add3A_695 : i32
        %get3A_697 = arith.index_cast %add3A_696 : i32 to index
        %get3A_698 = arith.constant 0 : index
        %get3A_699 = tpu.vector_load %arg7[%get3A_697, %get3A_698] {strides = array<i32>} : memref<800x32xf32, #tpu.memory_space<vmem>>, vector<16xf32>,
        %add3A_700 = arith.addf %add3A_668, %get3A_699 : vector<16xf32>
        %mul3A_701 = arith.constant 50 : i32
        %mul3A_702 = arith.muli %scan3A_328, %mul3A_701 : i32
        %add3A_703 = arith.constant 47 : i32
        %add3A_704 = arith.addi %mul3A_702, %add3A_703 : i32
        %get3A_705 = arith.index_cast %add3A_704 : i32 to index
        %get3A_706 = arith.constant 0 : index
        %get3A_707 = tpu.vector_load %arg7[%get3A_705, %get3A_706] {strides = array<i32>} : memref<800x32xf32, #tpu.memory_space<vmem>>, vector<16xf32>,
        %add3A_708 = arith.addf %add3A_676, %get3A_707 : vector<16xf32>
        %mul3A_709 = arith.constant 50 : i32
        %mul3A_710 = arith.muli %scan3A_328, %mul3A_709 : i32
        %add3A_711 = arith.constant 48 : i32
        %add3A_712 = arith.addi %mul3A_710, %add3A_711 : i32
        %get3A_713 = arith.index_cast %add3A_712 : i32 to index
        %get3A_714 = arith.constant 0 : index
        %get3A_715 = tpu.vector_load %arg7[%get3A_713, %get3A_714] {strides = array<i32>} : memref<800x32xf32, #tpu.memory_space<vmem>>, vector<16xf32>,
        %add3A_716 = arith.addf %add3A_684, %get3A_715 : vector<16xf32>
        %mul3A_717 = arith.constant 50 : i32
        %mul3A_718 = arith.muli %scan3A_328, %mul3A_717 : i32
        %add3A_719 = arith.constant 49 : i32
        %add3A_720 = arith.addi %mul3A_718, %add3A_719 : i32
        %get3A_721 = arith.index_cast %add3A_720 : i32 to index
        %get3A_722 = arith.constant 0 : index
        %get3A_723 = tpu.vector_load %arg7[%get3A_721, %get3A_722] {strides = array<i32>} : memref<800x32xf32, #tpu.memory_space<vmem>>, vector<16xf32>,
        %add3A_724 = arith.addf %add3A_692, %get3A_723 : vector<16xf32>
        %add3A_725 = arith.addf %add3A_716, %add3A_724 : vector<16xf32>
        %add3A_726 = arith.addf %add3A_700, %add3A_708 : vector<16xf32>
        %add3A_727 = arith.addf %add3A_725, %add3A_726 : vector<16xf32>
        %mul3A_728 = arith.constant 32 : i32
        %mul3A_729 = arith.muli %scan3A_328, %mul3A_728 : i32
        %add3A_730 = arith.constant 0 : i32
        %add3A_731 = arith.addi %mul3A_729, %add3A_730 : i32
        %swap3A = arith.index_cast %add3A_731 : i32 to index
        %swap3A_732 = tpu.vector_load %arg9[%swap3A] {strides = array<i32>} : memref<512xf32, #tpu.memory_space<vmem>>, vector<16xf32>,
        tpu.vector_store %arg9[%swap3A], %add3A_727 {strides = array<i32>} : memref<512xf32, #tpu.memory_space<vmem>>, vector<16xf32>,
        %mul3A_733 = arith.constant 50 : i32
        %mul3A_734 = arith.muli %scan3A_328, %mul3A_733 : i32
        %add3A_735 = arith.constant 0 : i32
        %add3A_736 = arith.addi %mul3A_734, %add3A_735 : i32
        %get3A_737 = arith.index_cast %add3A_736 : i32 to index
        %get3A_738 = arith.constant 16 : index
        %get3A_739 = tpu.vector_load %arg7[%get3A_737, %get3A_738] {strides = array<i32>} : memref<800x32xf32, #tpu.memory_space<vmem>>, vector<16xf32>,
        %mul3A_740 = arith.constant 50 : i32
        %mul3A_741 = arith.muli %scan3A_328, %mul3A_740 : i32
        %add3A_742 = arith.constant 1 : i32
        %add3A_743 = arith.addi %mul3A_741, %add3A_742 : i32
        %get3A_744 = arith.index_cast %add3A_743 : i32 to index
        %get3A_745 = arith.constant 16 : index
        %get3A_746 = tpu.vector_load %arg7[%get3A_744, %get3A_745] {strides = array<i32>} : memref<800x32xf32, #tpu.memory_space<vmem>>, vector<16xf32>,
        %mul3A_747 = arith.constant 50 : i32
        %mul3A_748 = arith.muli %scan3A_328, %mul3A_747 : i32
        %add3A_749 = arith.constant 2 : i32
        %add3A_750 = arith.addi %mul3A_748, %add3A_749 : i32
        %get3A_751 = arith.index_cast %add3A_750 : i32 to index
        %get3A_752 = arith.constant 16 : index
        %get3A_753 = tpu.vector_load %arg7[%get3A_751, %get3A_752] {strides = array<i32>} : memref<800x32xf32, #tpu.memory_space<vmem>>, vector<16xf32>,
        %mul3A_754 = arith.constant 50 : i32
        %mul3A_755 = arith.muli %scan3A_328, %mul3A_754 : i32
        %add3A_756 = arith.constant 3 : i32
        %add3A_757 = arith.addi %mul3A_755, %add3A_756 : i32
        %get3A_758 = arith.index_cast %add3A_757 : i32 to index
        %get3A_759 = arith.constant 16 : index
        %get3A_760 = tpu.vector_load %arg7[%get3A_758, %get3A_759] {strides = array<i32>} : memref<800x32xf32, #tpu.memory_space<vmem>>, vector<16xf32>,
        %mul3A_761 = arith.constant 50 : i32
        %mul3A_762 = arith.muli %scan3A_328, %mul3A_761 : i32
        %add3A_763 = arith.constant 4 : i32
        %add3A_764 = arith.addi %mul3A_762, %add3A_763 : i32
        %get3A_765 = arith.index_cast %add3A_764 : i32 to index
        %get3A_766 = arith.constant 16 : index
        %get3A_767 = tpu.vector_load %arg7[%get3A_765, %get3A_766] {strides = array<i32>} : memref<800x32xf32, #tpu.memory_space<vmem>>, vector<16xf32>,
        %add3A_768 = arith.addf %get3A_739, %get3A_767 : vector<16xf32>
        %mul3A_769 = arith.constant 50 : i32
        %mul3A_770 = arith.muli %scan3A_328, %mul3A_769 : i32
        %add3A_771 = arith.constant 5 : i32
        %add3A_772 = arith.addi %mul3A_770, %add3A_771 : i32
        %get3A_773 = arith.index_cast %add3A_772 : i32 to index
        %get3A_774 = arith.constant 16 : index
        %get3A_775 = tpu.vector_load %arg7[%get3A_773, %get3A_774] {strides = array<i32>} : memref<800x32xf32, #tpu.memory_space<vmem>>, vector<16xf32>,
        %add3A_776 = arith.addf %get3A_746, %get3A_775 : vector<16xf32>
        %mul3A_777 = arith.constant 50 : i32
        %mul3A_778 = arith.muli %scan3A_328, %mul3A_777 : i32
        %add3A_779 = arith.constant 6 : i32
        %add3A_780 = arith.addi %mul3A_778, %add3A_779 : i32
        %get3A_781 = arith.index_cast %add3A_780 : i32 to index
        %get3A_782 = arith.constant 16 : index
        %get3A_783 = tpu.vector_load %arg7[%get3A_781, %get3A_782] {strides = array<i32>} : memref<800x32xf32, #tpu.memory_space<vmem>>, vector<16xf32>,
        %add3A_784 = arith.addf %get3A_753, %get3A_783 : vector<16xf32>
        %mul3A_785 = arith.constant 50 : i32
        %mul3A_786 = arith.muli %scan3A_328, %mul3A_785 : i32
        %add3A_787 = arith.constant 7 : i32
        %add3A_788 = arith.addi %mul3A_786, %add3A_787 : i32
        %get3A_789 = arith.index_cast %add3A_788 : i32 to index
        %get3A_790 = arith.constant 16 : index
        %get3A_791 = tpu.vector_load %arg7[%get3A_789, %get3A_790] {strides = array<i32>} : memref<800x32xf32, #tpu.memory_space<vmem>>, vector<16xf32>,
        %add3A_792 = arith.addf %get3A_760, %get3A_791 : vector<16xf32>
        %mul3A_793 = arith.constant 50 : i32
        %mul3A_794 = arith.muli %scan3A_328, %mul3A_793 : i32
        %add3A_795 = arith.constant 8 : i32
        %add3A_796 = arith.addi %mul3A_794, %add3A_795 : i32
        %get3A_797 = arith.index_cast %add3A_796 : i32 to index
        %get3A_798 = arith.constant 16 : index
        %get3A_799 = tpu.vector_load %arg7[%get3A_797, %get3A_798] {strides = array<i32>} : memref<800x32xf32, #tpu.memory_space<vmem>>, vector<16xf32>,
        %add3A_800 = arith.addf %add3A_768, %get3A_799 : vector<16xf32>
        %mul3A_801 = arith.constant 50 : i32
        %mul3A_802 = arith.muli %scan3A_328, %mul3A_801 : i32
        %add3A_803 = arith.constant 9 : i32
        %add3A_804 = arith.addi %mul3A_802, %add3A_803 : i32
        %get3A_805 = arith.index_cast %add3A_804 : i32 to index
        %get3A_806 = arith.constant 16 : index
        %get3A_807 = tpu.vector_load %arg7[%get3A_805, %get3A_806] {strides = array<i32>} : memref<800x32xf32, #tpu.memory_space<vmem>>, vector<16xf32>,
        %add3A_808 = arith.addf %add3A_776, %get3A_807 : vector<16xf32>
        %mul3A_809 = arith.constant 50 : i32
        %mul3A_810 = arith.muli %scan3A_328, %mul3A_809 : i32
        %add3A_811 = arith.constant 10 : i32
        %add3A_812 = arith.addi %mul3A_810, %add3A_811 : i32
        %get3A_813 = arith.index_cast %add3A_812 : i32 to index
        %get3A_814 = arith.constant 16 : index
        %get3A_815 = tpu.vector_load %arg7[%get3A_813, %get3A_814] {strides = array<i32>} : memref<800x32xf32, #tpu.memory_space<vmem>>, vector<16xf32>,
        %add3A_816 = arith.addf %add3A_784, %get3A_815 : vector<16xf32>
        %mul3A_817 = arith.constant 50 : i32
        %mul3A_818 = arith.muli %scan3A_328, %mul3A_817 : i32
        %add3A_819 = arith.constant 11 : i32
        %add3A_820 = arith.addi %mul3A_818, %add3A_819 : i32
        %get3A_821 = arith.index_cast %add3A_820 : i32 to index
        %get3A_822 = arith.constant 16 : index
        %get3A_823 = tpu.vector_load %arg7[%get3A_821, %get3A_822] {strides = array<i32>} : memref<800x32xf32, #tpu.memory_space<vmem>>, vector<16xf32>,
        %add3A_824 = arith.addf %add3A_792, %get3A_823 : vector<16xf32>
        %mul3A_825 = arith.constant 50 : i32
        %mul3A_826 = arith.muli %scan3A_328, %mul3A_825 : i32
        %add3A_827 = arith.constant 12 : i32
        %add3A_828 = arith.addi %mul3A_826, %add3A_827 : i32
        %get3A_829 = arith.index_cast %add3A_828 : i32 to index
        %get3A_830 = arith.constant 16 : index
        %get3A_831 = tpu.vector_load %arg7[%get3A_829, %get3A_830] {strides = array<i32>} : memref<800x32xf32, #tpu.memory_space<vmem>>, vector<16xf32>,
        %add3A_832 = arith.addf %add3A_800, %get3A_831 : vector<16xf32>
        %mul3A_833 = arith.constant 50 : i32
        %mul3A_834 = arith.muli %scan3A_328, %mul3A_833 : i32
        %add3A_835 = arith.constant 13 : i32
        %add3A_836 = arith.addi %mul3A_834, %add3A_835 : i32
        %get3A_837 = arith.index_cast %add3A_836 : i32 to index
        %get3A_838 = arith.constant 16 : index
        %get3A_839 = tpu.vector_load %arg7[%get3A_837, %get3A_838] {strides = array<i32>} : memref<800x32xf32, #tpu.memory_space<vmem>>, vector<16xf32>,
        %add3A_840 = arith.addf %add3A_808, %get3A_839 : vector<16xf32>
        %mul3A_841 = arith.constant 50 : i32
        %mul3A_842 = arith.muli %scan3A_328, %mul3A_841 : i32
        %add3A_843 = arith.constant 14 : i32
        %add3A_844 = arith.addi %mul3A_842, %add3A_843 : i32
        %get3A_845 = arith.index_cast %add3A_844 : i32 to index
        %get3A_846 = arith.constant 16 : index
        %get3A_847 = tpu.vector_load %arg7[%get3A_845, %get3A_846] {strides = array<i32>} : memref<800x32xf32, #tpu.memory_space<vmem>>, vector<16xf32>,
        %add3A_848 = arith.addf %add3A_816, %get3A_847 : vector<16xf32>
        %mul3A_849 = arith.constant 50 : i32
        %mul3A_850 = arith.muli %scan3A_328, %mul3A_849 : i32
        %add3A_851 = arith.constant 15 : i32
        %add3A_852 = arith.addi %mul3A_850, %add3A_851 : i32
        %get3A_853 = arith.index_cast %add3A_852 : i32 to index
        %get3A_854 = arith.constant 16 : index
        %get3A_855 = tpu.vector_load %arg7[%get3A_853, %get3A_854] {strides = array<i32>} : memref<800x32xf32, #tpu.memory_space<vmem>>, vector<16xf32>,
        %add3A_856 = arith.addf %add3A_824, %get3A_855 : vector<16xf32>
        %mul3A_857 = arith.constant 50 : i32
        %mul3A_858 = arith.muli %scan3A_328, %mul3A_857 : i32
        %add3A_859 = arith.constant 16 : i32
        %add3A_860 = arith.addi %mul3A_858, %add3A_859 : i32
        %get3A_861 = arith.index_cast %add3A_860 : i32 to index
        %get3A_862 = arith.constant 16 : index
        %get3A_863 = tpu.vector_load %arg7[%get3A_861, %get3A_862] {strides = array<i32>} : memref<800x32xf32, #tpu.memory_space<vmem>>, vector<16xf32>,
        %add3A_864 = arith.addf %add3A_832, %get3A_863 : vector<16xf32>
        %mul3A_865 = arith.constant 50 : i32
        %mul3A_866 = arith.muli %scan3A_328, %mul3A_865 : i32
        %add3A_867 = arith.constant 17 : i32
        %add3A_868 = arith.addi %mul3A_866, %add3A_867 : i32
        %get3A_869 = arith.index_cast %add3A_868 : i32 to index
        %get3A_870 = arith.constant 16 : index
        %get3A_871 = tpu.vector_load %arg7[%get3A_869, %get3A_870] {strides = array<i32>} : memref<800x32xf32, #tpu.memory_space<vmem>>, vector<16xf32>,
        %add3A_872 = arith.addf %add3A_840, %get3A_871 : vector<16xf32>
        %mul3A_873 = arith.constant 50 : i32
        %mul3A_874 = arith.muli %scan3A_328, %mul3A_873 : i32
        %add3A_875 = arith.constant 18 : i32
        %add3A_876 = arith.addi %mul3A_874, %add3A_875 : i32
        %get3A_877 = arith.index_cast %add3A_876 : i32 to index
        %get3A_878 = arith.constant 16 : index
        %get3A_879 = tpu.vector_load %arg7[%get3A_877, %get3A_878] {strides = array<i32>} : memref<800x32xf32, #tpu.memory_space<vmem>>, vector<16xf32>,
        %add3A_880 = arith.addf %add3A_848, %get3A_879 : vector<16xf32>
        %mul3A_881 = arith.constant 50 : i32
        %mul3A_882 = arith.muli %scan3A_328, %mul3A_881 : i32
        %add3A_883 = arith.constant 19 : i32
        %add3A_884 = arith.addi %mul3A_882, %add3A_883 : i32
        %get3A_885 = arith.index_cast %add3A_884 : i32 to index
        %get3A_886 = arith.constant 16 : index
        %get3A_887 = tpu.vector_load %arg7[%get3A_885, %get3A_886] {strides = array<i32>} : memref<800x32xf32, #tpu.memory_space<vmem>>, vector<16xf32>,
        %add3A_888 = arith.addf %add3A_856, %get3A_887 : vector<16xf32>
        %mul3A_889 = arith.constant 50 : i32
        %mul3A_890 = arith.muli %scan3A_328, %mul3A_889 : i32
        %add3A_891 = arith.constant 20 : i32
        %add3A_892 = arith.addi %mul3A_890, %add3A_891 : i32
        %get3A_893 = arith.index_cast %add3A_892 : i32 to index
        %get3A_894 = arith.constant 16 : index
        %get3A_895 = tpu.vector_load %arg7[%get3A_893, %get3A_894] {strides = array<i32>} : memref<800x32xf32, #tpu.memory_space<vmem>>, vector<16xf32>,
        %add3A_896 = arith.addf %add3A_864, %get3A_895 : vector<16xf32>
        %mul3A_897 = arith.constant 50 : i32
        %mul3A_898 = arith.muli %scan3A_328, %mul3A_897 : i32
        %add3A_899 = arith.constant 21 : i32
        %add3A_900 = arith.addi %mul3A_898, %add3A_899 : i32
        %get3A_901 = arith.index_cast %add3A_900 : i32 to index
        %get3A_902 = arith.constant 16 : index
        %get3A_903 = tpu.vector_load %arg7[%get3A_901, %get3A_902] {strides = array<i32>} : memref<800x32xf32, #tpu.memory_space<vmem>>, vector<16xf32>,
        %add3A_904 = arith.addf %add3A_872, %get3A_903 : vector<16xf32>
        %mul3A_905 = arith.constant 50 : i32
        %mul3A_906 = arith.muli %scan3A_328, %mul3A_905 : i32
        %add3A_907 = arith.constant 22 : i32
        %add3A_908 = arith.addi %mul3A_906, %add3A_907 : i32
        %get3A_909 = arith.index_cast %add3A_908 : i32 to index
        %get3A_910 = arith.constant 16 : index
        %get3A_911 = tpu.vector_load %arg7[%get3A_909, %get3A_910] {strides = array<i32>} : memref<800x32xf32, #tpu.memory_space<vmem>>, vector<16xf32>,
        %add3A_912 = arith.addf %add3A_880, %get3A_911 : vector<16xf32>
        %mul3A_913 = arith.constant 50 : i32
        %mul3A_914 = arith.muli %scan3A_328, %mul3A_913 : i32
        %add3A_915 = arith.constant 23 : i32
        %add3A_916 = arith.addi %mul3A_914, %add3A_915 : i32
        %get3A_917 = arith.index_cast %add3A_916 : i32 to index
        %get3A_918 = arith.constant 16 : index
        %get3A_919 = tpu.vector_load %arg7[%get3A_917, %get3A_918] {strides = array<i32>} : memref<800x32xf32, #tpu.memory_space<vmem>>, vector<16xf32>,
        %add3A_920 = arith.addf %add3A_888, %get3A_919 : vector<16xf32>
        %mul3A_921 = arith.constant 50 : i32
        %mul3A_922 = arith.muli %scan3A_328, %mul3A_921 : i32
        %add3A_923 = arith.constant 24 : i32
        %add3A_924 = arith.addi %mul3A_922, %add3A_923 : i32
        %get3A_925 = arith.index_cast %add3A_924 : i32 to index
        %get3A_926 = arith.constant 16 : index
        %get3A_927 = tpu.vector_load %arg7[%get3A_925, %get3A_926] {strides = array<i32>} : memref<800x32xf32, #tpu.memory_space<vmem>>, vector<16xf32>,
        %add3A_928 = arith.addf %add3A_896, %get3A_927 : vector<16xf32>
        %mul3A_929 = arith.constant 50 : i32
        %mul3A_930 = arith.muli %scan3A_328, %mul3A_929 : i32
        %add3A_931 = arith.constant 25 : i32
        %add3A_932 = arith.addi %mul3A_930, %add3A_931 : i32
        %get3A_933 = arith.index_cast %add3A_932 : i32 to index
        %get3A_934 = arith.constant 16 : index
        %get3A_935 = tpu.vector_load %arg7[%get3A_933, %get3A_934] {strides = array<i32>} : memref<800x32xf32, #tpu.memory_space<vmem>>, vector<16xf32>,
        %add3A_936 = arith.addf %add3A_904, %get3A_935 : vector<16xf32>
        %mul3A_937 = arith.constant 50 : i32
        %mul3A_938 = arith.muli %scan3A_328, %mul3A_937 : i32
        %add3A_939 = arith.constant 26 : i32
        %add3A_940 = arith.addi %mul3A_938, %add3A_939 : i32
        %get3A_941 = arith.index_cast %add3A_940 : i32 to index
        %get3A_942 = arith.constant 16 : index
        %get3A_943 = tpu.vector_load %arg7[%get3A_941, %get3A_942] {strides = array<i32>} : memref<800x32xf32, #tpu.memory_space<vmem>>, vector<16xf32>,
        %add3A_944 = arith.addf %add3A_912, %get3A_943 : vector<16xf32>
        %mul3A_945 = arith.constant 50 : i32
        %mul3A_946 = arith.muli %scan3A_328, %mul3A_945 : i32
        %add3A_947 = arith.constant 27 : i32
        %add3A_948 = arith.addi %mul3A_946, %add3A_947 : i32
        %get3A_949 = arith.index_cast %add3A_948 : i32 to index
        %get3A_950 = arith.constant 16 : index
        %get3A_951 = tpu.vector_load %arg7[%get3A_949, %get3A_950] {strides = array<i32>} : memref<800x32xf32, #tpu.memory_space<vmem>>, vector<16xf32>,
        %add3A_952 = arith.addf %add3A_920, %get3A_951 : vector<16xf32>
        %mul3A_953 = arith.constant 50 : i32
        %mul3A_954 = arith.muli %scan3A_328, %mul3A_953 : i32
        %add3A_955 = arith.constant 28 : i32
        %add3A_956 = arith.addi %mul3A_954, %add3A_955 : i32
        %get3A_957 = arith.index_cast %add3A_956 : i32 to index
        %get3A_958 = arith.constant 16 : index
        %get3A_959 = tpu.vector_load %arg7[%get3A_957, %get3A_958] {strides = array<i32>} : memref<800x32xf32, #tpu.memory_space<vmem>>, vector<16xf32>,
        %add3A_960 = arith.addf %add3A_928, %get3A_959 : vector<16xf32>
        %mul3A_961 = arith.constant 50 : i32
        %mul3A_962 = arith.muli %scan3A_328, %mul3A_961 : i32
        %add3A_963 = arith.constant 29 : i32
        %add3A_964 = arith.addi %mul3A_962, %add3A_963 : i32
        %get3A_965 = arith.index_cast %add3A_964 : i32 to index
        %get3A_966 = arith.constant 16 : index
        %get3A_967 = tpu.vector_load %arg7[%get3A_965, %get3A_966] {strides = array<i32>} : memref<800x32xf32, #tpu.memory_space<vmem>>, vector<16xf32>,
        %add3A_968 = arith.addf %add3A_936, %get3A_967 : vector<16xf32>
        %mul3A_969 = arith.constant 50 : i32
        %mul3A_970 = arith.muli %scan3A_328, %mul3A_969 : i32
        %add3A_971 = arith.constant 30 : i32
        %add3A_972 = arith.addi %mul3A_970, %add3A_971 : i32
        %get3A_973 = arith.index_cast %add3A_972 : i32 to index
        %get3A_974 = arith.constant 16 : index
        %get3A_975 = tpu.vector_load %arg7[%get3A_973, %get3A_974] {strides = array<i32>} : memref<800x32xf32, #tpu.memory_space<vmem>>, vector<16xf32>,
        %add3A_976 = arith.addf %add3A_944, %get3A_975 : vector<16xf32>
        %mul3A_977 = arith.constant 50 : i32
        %mul3A_978 = arith.muli %scan3A_328, %mul3A_977 : i32
        %add3A_979 = arith.constant 31 : i32
        %add3A_980 = arith.addi %mul3A_978, %add3A_979 : i32
        %get3A_981 = arith.index_cast %add3A_980 : i32 to index
        %get3A_982 = arith.constant 16 : index
        %get3A_983 = tpu.vector_load %arg7[%get3A_981, %get3A_982] {strides = array<i32>} : memref<800x32xf32, #tpu.memory_space<vmem>>, vector<16xf32>,
        %add3A_984 = arith.addf %add3A_952, %get3A_983 : vector<16xf32>
        %mul3A_985 = arith.constant 50 : i32
        %mul3A_986 = arith.muli %scan3A_328, %mul3A_985 : i32
        %add3A_987 = arith.constant 32 : i32
        %add3A_988 = arith.addi %mul3A_986, %add3A_987 : i32
        %get3A_989 = arith.index_cast %add3A_988 : i32 to index
        %get3A_990 = arith.constant 16 : index
        %get3A_991 = tpu.vector_load %arg7[%get3A_989, %get3A_990] {strides = array<i32>} : memref<800x32xf32, #tpu.memory_space<vmem>>, vector<16xf32>,
        %add3A_992 = arith.addf %add3A_960, %get3A_991 : vector<16xf32>
        %mul3A_993 = arith.constant 50 : i32
        %mul3A_994 = arith.muli %scan3A_328, %mul3A_993 : i32
        %add3A_995 = arith.constant 33 : i32
        %add3A_996 = arith.addi %mul3A_994, %add3A_995 : i32
        %get3A_997 = arith.index_cast %add3A_996 : i32 to index
        %get3A_998 = arith.constant 16 : index
        %get3A_999 = tpu.vector_load %arg7[%get3A_997, %get3A_998] {strides = array<i32>} : memref<800x32xf32, #tpu.memory_space<vmem>>, vector<16xf32>,
        %add3A_1000 = arith.addf %add3A_968, %get3A_999 : vector<16xf32>
        %mul3A_1001 = arith.constant 50 : i32
        %mul3A_1002 = arith.muli %scan3A_328, %mul3A_1001 : i32
        %add3A_1003 = arith.constant 34 : i32
        %add3A_1004 = arith.addi %mul3A_1002, %add3A_1003 : i32
        %get3A_1005 = arith.index_cast %add3A_1004 : i32 to index
        %get3A_1006 = arith.constant 16 : index
        %get3A_1007 = tpu.vector_load %arg7[%get3A_1005, %get3A_1006] {strides = array<i32>} : memref<800x32xf32, #tpu.memory_space<vmem>>, vector<16xf32>,
        %add3A_1008 = arith.addf %add3A_976, %get3A_1007 : vector<16xf32>
        %mul3A_1009 = arith.constant 50 : i32
        %mul3A_1010 = arith.muli %scan3A_328, %mul3A_1009 : i32
        %add3A_1011 = arith.constant 35 : i32
        %add3A_1012 = arith.addi %mul3A_1010, %add3A_1011 : i32
        %get3A_1013 = arith.index_cast %add3A_1012 : i32 to index
        %get3A_1014 = arith.constant 16 : index
        %get3A_1015 = tpu.vector_load %arg7[%get3A_1013, %get3A_1014] {strides = array<i32>} : memref<800x32xf32, #tpu.memory_space<vmem>>, vector<16xf32>,
        %add3A_1016 = arith.addf %add3A_984, %get3A_1015 : vector<16xf32>
        %mul3A_1017 = arith.constant 50 : i32
        %mul3A_1018 = arith.muli %scan3A_328, %mul3A_1017 : i32
        %add3A_1019 = arith.constant 36 : i32
        %add3A_1020 = arith.addi %mul3A_1018, %add3A_1019 : i32
        %get3A_1021 = arith.index_cast %add3A_1020 : i32 to index
        %get3A_1022 = arith.constant 16 : index
        %get3A_1023 = tpu.vector_load %arg7[%get3A_1021, %get3A_1022] {strides = array<i32>} : memref<800x32xf32, #tpu.memory_space<vmem>>, vector<16xf32>,
        %add3A_1024 = arith.addf %add3A_992, %get3A_1023 : vector<16xf32>
        %mul3A_1025 = arith.constant 50 : i32
        %mul3A_1026 = arith.muli %scan3A_328, %mul3A_1025 : i32
        %add3A_1027 = arith.constant 37 : i32
        %add3A_1028 = arith.addi %mul3A_1026, %add3A_1027 : i32
        %get3A_1029 = arith.index_cast %add3A_1028 : i32 to index
        %get3A_1030 = arith.constant 16 : index
        %get3A_1031 = tpu.vector_load %arg7[%get3A_1029, %get3A_1030] {strides = array<i32>} : memref<800x32xf32, #tpu.memory_space<vmem>>, vector<16xf32>,
        %add3A_1032 = arith.addf %add3A_1000, %get3A_1031 : vector<16xf32>
        %mul3A_1033 = arith.constant 50 : i32
        %mul3A_1034 = arith.muli %scan3A_328, %mul3A_1033 : i32
        %add3A_1035 = arith.constant 38 : i32
        %add3A_1036 = arith.addi %mul3A_1034, %add3A_1035 : i32
        %get3A_1037 = arith.index_cast %add3A_1036 : i32 to index
        %get3A_1038 = arith.constant 16 : index
        %get3A_1039 = tpu.vector_load %arg7[%get3A_1037, %get3A_1038] {strides = array<i32>} : memref<800x32xf32, #tpu.memory_space<vmem>>, vector<16xf32>,
        %add3A_1040 = arith.addf %add3A_1008, %get3A_1039 : vector<16xf32>
        %mul3A_1041 = arith.constant 50 : i32
        %mul3A_1042 = arith.muli %scan3A_328, %mul3A_1041 : i32
        %add3A_1043 = arith.constant 39 : i32
        %add3A_1044 = arith.addi %mul3A_1042, %add3A_1043 : i32
        %get3A_1045 = arith.index_cast %add3A_1044 : i32 to index
        %get3A_1046 = arith.constant 16 : index
        %get3A_1047 = tpu.vector_load %arg7[%get3A_1045, %get3A_1046] {strides = array<i32>} : memref<800x32xf32, #tpu.memory_space<vmem>>, vector<16xf32>,
        %add3A_1048 = arith.addf %add3A_1016, %get3A_1047 : vector<16xf32>
        %mul3A_1049 = arith.constant 50 : i32
        %mul3A_1050 = arith.muli %scan3A_328, %mul3A_1049 : i32
        %add3A_1051 = arith.constant 40 : i32
        %add3A_1052 = arith.addi %mul3A_1050, %add3A_1051 : i32
        %get3A_1053 = arith.index_cast %add3A_1052 : i32 to index
        %get3A_1054 = arith.constant 16 : index
        %get3A_1055 = tpu.vector_load %arg7[%get3A_1053, %get3A_1054] {strides = array<i32>} : memref<800x32xf32, #tpu.memory_space<vmem>>, vector<16xf32>,
        %add3A_1056 = arith.addf %add3A_1024, %get3A_1055 : vector<16xf32>
        %mul3A_1057 = arith.constant 50 : i32
        %mul3A_1058 = arith.muli %scan3A_328, %mul3A_1057 : i32
        %add3A_1059 = arith.constant 41 : i32
        %add3A_1060 = arith.addi %mul3A_1058, %add3A_1059 : i32
        %get3A_1061 = arith.index_cast %add3A_1060 : i32 to index
        %get3A_1062 = arith.constant 16 : index
        %get3A_1063 = tpu.vector_load %arg7[%get3A_1061, %get3A_1062] {strides = array<i32>} : memref<800x32xf32, #tpu.memory_space<vmem>>, vector<16xf32>,
        %add3A_1064 = arith.addf %add3A_1032, %get3A_1063 : vector<16xf32>
        %mul3A_1065 = arith.constant 50 : i32
        %mul3A_1066 = arith.muli %scan3A_328, %mul3A_1065 : i32
        %add3A_1067 = arith.constant 42 : i32
        %add3A_1068 = arith.addi %mul3A_1066, %add3A_1067 : i32
        %get3A_1069 = arith.index_cast %add3A_1068 : i32 to index
        %get3A_1070 = arith.constant 16 : index
        %get3A_1071 = tpu.vector_load %arg7[%get3A_1069, %get3A_1070] {strides = array<i32>} : memref<800x32xf32, #tpu.memory_space<vmem>>, vector<16xf32>,
        %add3A_1072 = arith.addf %add3A_1040, %get3A_1071 : vector<16xf32>
        %mul3A_1073 = arith.constant 50 : i32
        %mul3A_1074 = arith.muli %scan3A_328, %mul3A_1073 : i32
        %add3A_1075 = arith.constant 43 : i32
        %add3A_1076 = arith.addi %mul3A_1074, %add3A_1075 : i32
        %get3A_1077 = arith.index_cast %add3A_1076 : i32 to index
        %get3A_1078 = arith.constant 16 : index
        %get3A_1079 = tpu.vector_load %arg7[%get3A_1077, %get3A_1078] {strides = array<i32>} : memref<800x32xf32, #tpu.memory_space<vmem>>, vector<16xf32>,
        %add3A_1080 = arith.addf %add3A_1048, %get3A_1079 : vector<16xf32>
        %mul3A_1081 = arith.constant 50 : i32
        %mul3A_1082 = arith.muli %scan3A_328, %mul3A_1081 : i32
        %add3A_1083 = arith.constant 44 : i32
        %add3A_1084 = arith.addi %mul3A_1082, %add3A_1083 : i32
        %get3A_1085 = arith.index_cast %add3A_1084 : i32 to index
        %get3A_1086 = arith.constant 16 : index
        %get3A_1087 = tpu.vector_load %arg7[%get3A_1085, %get3A_1086] {strides = array<i32>} : memref<800x32xf32, #tpu.memory_space<vmem>>, vector<16xf32>,
        %add3A_1088 = arith.addf %add3A_1056, %get3A_1087 : vector<16xf32>
        %mul3A_1089 = arith.constant 50 : i32
        %mul3A_1090 = arith.muli %scan3A_328, %mul3A_1089 : i32
        %add3A_1091 = arith.constant 45 : i32
        %add3A_1092 = arith.addi %mul3A_1090, %add3A_1091 : i32
        %get3A_1093 = arith.index_cast %add3A_1092 : i32 to index
        %get3A_1094 = arith.constant 16 : index
        %get3A_1095 = tpu.vector_load %arg7[%get3A_1093, %get3A_1094] {strides = array<i32>} : memref<800x32xf32, #tpu.memory_space<vmem>>, vector<16xf32>,
        %add3A_1096 = arith.addf %add3A_1064, %get3A_1095 : vector<16xf32>
        %mul3A_1097 = arith.constant 50 : i32
        %mul3A_1098 = arith.muli %scan3A_328, %mul3A_1097 : i32
        %add3A_1099 = arith.constant 46 : i32
        %add3A_1100 = arith.addi %mul3A_1098, %add3A_1099 : i32
        %get3A_1101 = arith.index_cast %add3A_1100 : i32 to index
        %get3A_1102 = arith.constant 16 : index
        %get3A_1103 = tpu.vector_load %arg7[%get3A_1101, %get3A_1102] {strides = array<i32>} : memref<800x32xf32, #tpu.memory_space<vmem>>, vector<16xf32>,
        %add3A_1104 = arith.addf %add3A_1072, %get3A_1103 : vector<16xf32>
        %mul3A_1105 = arith.constant 50 : i32
        %mul3A_1106 = arith.muli %scan3A_328, %mul3A_1105 : i32
        %add3A_1107 = arith.constant 47 : i32
        %add3A_1108 = arith.addi %mul3A_1106, %add3A_1107 : i32
        %get3A_1109 = arith.index_cast %add3A_1108 : i32 to index
        %get3A_1110 = arith.constant 16 : index
        %get3A_1111 = tpu.vector_load %arg7[%get3A_1109, %get3A_1110] {strides = array<i32>} : memref<800x32xf32, #tpu.memory_space<vmem>>, vector<16xf32>,
        %add3A_1112 = arith.addf %add3A_1080, %get3A_1111 : vector<16xf32>
        %mul3A_1113 = arith.constant 50 : i32
        %mul3A_1114 = arith.muli %scan3A_328, %mul3A_1113 : i32
        %add3A_1115 = arith.constant 48 : i32
        %add3A_1116 = arith.addi %mul3A_1114, %add3A_1115 : i32
        %get3A_1117 = arith.index_cast %add3A_1116 : i32 to index
        %get3A_1118 = arith.constant 16 : index
        %get3A_1119 = tpu.vector_load %arg7[%get3A_1117, %get3A_1118] {strides = array<i32>} : memref<800x32xf32, #tpu.memory_space<vmem>>, vector<16xf32>,
        %add3A_1120 = arith.addf %add3A_1088, %get3A_1119 : vector<16xf32>
        %mul3A_1121 = arith.constant 50 : i32
        %mul3A_1122 = arith.muli %scan3A_328, %mul3A_1121 : i32
        %add3A_1123 = arith.constant 49 : i32
        %add3A_1124 = arith.addi %mul3A_1122, %add3A_1123 : i32
        %get3A_1125 = arith.index_cast %add3A_1124 : i32 to index
        %get3A_1126 = arith.constant 16 : index
        %get3A_1127 = tpu.vector_load %arg7[%get3A_1125, %get3A_1126] {strides = array<i32>} : memref<800x32xf32, #tpu.memory_space<vmem>>, vector<16xf32>,
        %add3A_1128 = arith.addf %add3A_1096, %get3A_1127 : vector<16xf32>
        %add3A_1129 = arith.addf %add3A_1120, %add3A_1128 : vector<16xf32>
        %add3A_1130 = arith.addf %add3A_1104, %add3A_1112 : vector<16xf32>
        %add3A_1131 = arith.addf %add3A_1129, %add3A_1130 : vector<16xf32>
        %mul3A_1132 = arith.constant 32 : i32
        %mul3A_1133 = arith.muli %scan3A_328, %mul3A_1132 : i32
        %add3A_1134 = arith.constant 16 : i32
        %add3A_1135 = arith.addi %mul3A_1133, %add3A_1134 : i32
        %swap3A_1136 = arith.index_cast %add3A_1135 : i32 to index
        %swap3A_1137 = tpu.vector_load %arg9[%swap3A_1136] {strides = array<i32>} : memref<512xf32, #tpu.memory_space<vmem>>, vector<16xf32>,
        tpu.vector_store %arg9[%swap3A_1136], %add3A_1131 {strides = array<i32>} : memref<512xf32, #tpu.memory_space<vmem>>, vector<16xf32>,
        %scan3A_1138 = arith.constant 0 : i32
        scf.yield %scan3A_1138 : i32
      }
      %scan3A_321 = arith.constant 16 : i32
      %add3A_322 = arith.addi %mul3A_2, %mul3A_309 : i32
      %mul3A_323 = arith.constant 32 : i32
      %mul3A_324 = arith.muli %add3A_322, %mul3A_323 : i32
      %dma_start3A_325 = tpu.memref_slice %arg4[%mul3A_324] : memref<524288xf32, #tpu.memory_space<hbm>> -> memref<512xf32, #tpu.memory_space<hbm>>
      %dma_start3A_326 = tpu.memref_slice %arg4[%mul3A_324] : memref<524288xf32, #tpu.memory_space<hbm>> -> memref<512xf32, #tpu.memory_space<hbm>>
      tpu.enqueue_dma source(%arg9 : memref<512xf32, #tpu.memory_space<vmem>>) target(%dma_start3A_326 : memref<512xf32, #tpu.memory_space<hbm>>) target_semaphore(%arg13 : memref<!tpu.dma_semaphore, #tpu.memory_space<semaphore_mem>>)
      %scan3A_327 = arith.constant 0 : i32
      scf.yield %scan3A_327 : i32
    }
    %scan3A_65 = arith.constant 16 : i32
    %add3A_66 = arith.constant 480 : i32
    %add3A_67 = arith.addi %mul3A_2, %add3A_66 : i32
    %mul3A_68 = arith.constant 32 : i32
    %mul3A_69 = arith.muli %add3A_67, %mul3A_68 : i32
    %dma_wait3A = tpu.memref_slice %arg4[%mul3A_69] : memref<524288xf32, #tpu.memory_space<hbm>> -> memref<512xf32, #tpu.memory_space<hbm>>
    %dma_wait3A_70 = tpu.memref_slice %arg4[%mul3A_69] : memref<524288xf32, #tpu.memory_space<hbm>> -> memref<512xf32, #tpu.memory_space<hbm>>
    tpu.wait_dma2 semaphore(%arg12 : memref<!tpu.dma_semaphore, #tpu.memory_space<semaphore_mem>>) src(%arg8 : memref<512xf32, #tpu.memory_space<vmem>>) dst(%dma_wait3A_70 : memref<512xf32, #tpu.memory_space<hbm>>)
    %add3A_71 = arith.constant 496 : i32
    %add3A_72 = arith.addi %mul3A_2, %add3A_71 : i32
    %mul3A_73 = arith.constant 32 : i32
    %mul3A_74 = arith.muli %add3A_72, %mul3A_73 : i32
    %dma_wait3A_75 = tpu.memref_slice %arg4[%mul3A_74] : memref<524288xf32, #tpu.memory_space<hbm>> -> memref<512xf32, #tpu.memory_space<hbm>>
    %dma_wait3A_76 = tpu.memref_slice %arg4[%mul3A_74] : memref<524288xf32, #tpu.memory_space<hbm>> -> memref<512xf32, #tpu.memory_space<hbm>>
    tpu.wait_dma2 semaphore(%arg13 : memref<!tpu.dma_semaphore, #tpu.memory_space<semaphore_mem>>) src(%arg9 : memref<512xf32, #tpu.memory_space<vmem>>) dst(%dma_wait3A_76 : memref<512xf32, #tpu.memory_space<hbm>>)
    return
  }
}

</mosaic_0001>

<sc_bundles>
// kernel: kernel.4.cloned.1.call-start
scs
__scs_entry_jumppad:
0x0: {  	(pc) =	sbr.rel $0x88, $3  }
0x1: {  	(tag) =	ssettag $0x0;
	lr =	simm.s32 $0x1  }
0x2: {  	[smem:$0x3F9A] =	sst lr;
	_ =	strace $0xD0000000  }
0x3: {  	_ = 	snop  }
0x4: {  	_ = 	snop  }
0x5: {  	_ = 	snop  }
0x6: {  	_ = 	snop  }
0x7: {  	_ = 	snop  }
__scs_overlays_trampoline_lowered:
0x8: {  	[smem:$0x3FA9] =	sst s0  }
0x9: {  	[smem:$0x3FAA] =	sst s1  }
0xa: {  	[smem:$0x3FAB] =	sst s2  }
0xb: {  	[smem:$0x3FAC] =	sst s3  }
0xc: {  	[smem:$0x3FAD] =	sst s4  }
0xd: {  	[smem:$0x3FAE] =	sst s5  }
0xe: {  	[smem:$0x3FAF] =	sst s6  }
0xf: {  	[smem:$0x3FB0] =	sst s7  }
0x10: {  	[smem:$0x3FB1] =	sst s8  }
0x11: {  	[smem:$0x3FB2] =	sst s9;
	s0 =	simm.s32 @!p0 $0x0  }
0x12: {  	s1 =	sld [smem:$0x3F98];
	s0 =	simm.s32 @p0 $0x1  }
0x13: {  	[smem:$0x3FB3] =	sst s0;
	s0 =	simm.s32 @!p1 $0x0  }
0x14: {  	s2 =	sld [smem:$0x3F97];
	s0 =	simm.s32 @p1 $0x1  }
0x15: {  	[smem:$0x3FB4] =	sst s0;
	s0 =	simm.s32 @!p2 $0x0  }
0x16: {  	s3 =	sld [smem:$0x3FDB];
	s0 =	simm.s32 @p2 $0x1  }
0x17: {  	s4 =	simm.s32 $0x1BF5;
	[smem:$0x3FB6] =	sst s0  }
0x18: {  	s0 =	sld [smem:$0x3F99];
	_ =	swait.ge [sflag:s4], $0x0  }
0x19: {  	s7 =	sld [smem:$0x3F9A]  }
0x1a: {  	s8 =	sadd.s32 $0xFFFFE003, lr  }
0x1b: {  	s9 =	sadd.s32 $0xFFFFFEF7, lr;
	s5 =	simm.s32 $0xFFFFFFFF;
	p2 =	slt.u32 s8, $0xFFFFF086  }
0x1c: {  	p1 =	slt.u32 s9, $0xF7A;
	s5 =	simm.s32 @!p2 $0x0  }
0x1d: {  	s5 =	simm.s32 @p1 $0x1;
	p0 =	seq.s32 s7, s2  }
0x1e: {  	s7 =	smul.u32 @!p0 $0xF7A, s2;
	p2 =	seq.s32 @!p0 s5, $0x0  }
0x1f: {  	s9 =	smul.u32 $0xF7A, s1;
	s8 =	simm.s32 @!p0 $0x1BF5;
	p2 =	por !p2, p0  }
0x20: {  	[sflag:s8] =	ssyncset.s32 @!p0 $0xFFFFF086;
	s6 =	sadd.s32 @!p0 s3, s7;
	s7 =	simm.s32 @!p0 $0x108  }
0x21: {  	s3 =	sadd.s32 s3, s9;
	s6 =	sadd.s32 @!p0 $0x88, s6;
	s7 =	simm.s32 @p2 $0x1082  }
0x22: {  	[simem:s7], [sflag:s8] =	dma.local @!p0 [hbm:s6], $0xF7A  }
0x23: {  	s9 =	sor.u32 $0xD0000000, s2;
	s6 =	simm.s32 $0x108;
	_ =	swait.ge @!p0 [sflag:s8], $0x0  }
0x24: {  	s3 =	sadd.s32 $0x88, s3;
	s6 =	simm.s32 @!p1 $0x1082;
	[sflag:s4] =	ssyncset.s32 $0xFFFFF086  }
0x25: {  	[simem:s6], [sflag:s4] =	dma.local [hbm:s3], $0xF7A  }
0x26: {  	[smem:$0x3F9A] =	sst s1;
	(tag) =	ssettag s2;
	_ =	strace s9  }
0x27: {  	s1 =	sld [smem:$0x3FAA]  }
0x28: {  	s2 =	sld [smem:$0x3FAB]  }
0x29: {  	s4 =	sld [smem:$0x3FAD]  }
0x2a: {  	p0 =	seq.s32 s5, $0x0;
	s5 =	sld [smem:$0x3FAE]  }
0x2b: {  	s6 =	sld [smem:$0x3FAF]  }
0x2c: {  	s7 =	sld [smem:$0x3FB0]  }
0x2d: {  	s3 =	simm.s32 $0x108;
	s8 =	sld [smem:$0x3FB1]  }
0x2e: {  	s3 =	simm.s32 @!p0 $0x1082;
	s9 =	sld [smem:$0x3FB2]  }
0x2f: {  	lr =	sadd.s32 s0, s3;
	s0 =	sld [smem:$0x3FA9]  }
0x30: {  	s3 =	sld [smem:$0x3FAC]  }
0x31: {  	[smem:$0x3FB5] =	sst s10  }
0x32: {  	s10 =	sld [smem:$0x3FB3];
	_ =	sdelay $0x3  }
0x33: {  	p0 =	seq.s32 s10, $0x1;
	s10 =	sld [smem:$0x3FB5];
	_ =	sdelay $0x3  }
0x34: {  	[smem:$0x3FB5] =	sst s10  }
0x35: {  	s10 =	sld [smem:$0x3FB4];
	_ =	sdelay $0x3  }
0x36: {  	p1 =	seq.s32 s10, $0x1;
	s10 =	sld [smem:$0x3FB5];
	_ =	sdelay $0x3  }
0x37: {  	[smem:$0x3FB5] =	sst s10  }
0x38: {  	s10 =	sld [smem:$0x3FB6]  }
0x39: {  	_ = 	snop;
	(pc) =	sbr.ind lr, $3  }
0x3a: {  	_ = 	snop  }
0x3b: {  	_ = 	snop  }
0x3c: {  	p2 =	seq.s32 s10, $0x1;
	s10 =	sld [smem:$0x3FB5]  }
0x3d: {  	_ =	shalt  }
0x3e: {  	_ =	shalt  }
0x3f: {  	_ =	shalt  }
0x40: {  	_ =	shalt  }
0x41: {  	_ =	shalt  }
0x42: {  	_ =	shalt  }
0x43: {  	_ =	shalt  }
0x44: {  	_ =	shalt  }
0x45: {  	_ =	shalt  }
0x46: {  	_ =	shalt  }
0x47: {  	_ =	shalt  }
0x48: {  	_ =	shalt  }
0x49: {  	_ =	shalt  }
0x4a: {  	_ =	shalt  }
0x4b: {  	_ =	shalt  }
0x4c: {  	_ =	shalt  }
0x4d: {  	_ =	shalt  }
0x4e: {  	_ =	shalt  }
0x4f: {  	_ =	shalt  }
0x50: {  	_ =	shalt  }
0x51: {  	_ =	shalt  }
0x52: {  	_ =	shalt  }
0x53: {  	_ =	shalt  }
0x54: {  	_ =	shalt  }
0x55: {  	_ =	shalt  }
0x56: {  	_ =	shalt  }
0x57: {  	_ =	shalt  }
0x58: {  	_ =	shalt  }
0x59: {  	_ =	shalt  }
0x5a: {  	_ =	shalt  }
0x5b: {  	_ =	shalt  }
0x5c: {  	_ =	shalt  }
0x5d: {  	_ =	shalt  }
0x5e: {  	_ =	shalt  }
0x5f: {  	_ =	shalt  }
0x60: {  	_ =	shalt  }
0x61: {  	_ =	shalt  }
0x62: {  	_ =	shalt  }
0x63: {  	_ =	shalt  }
0x64: {  	_ =	shalt  }
0x65: {  	_ =	shalt  }
0x66: {  	_ =	shalt  }
0x67: {  	_ =	shalt  }
0x68: {  	_ =	shalt  }
0x69: {  	_ =	shalt  }
0x6a: {  	_ =	shalt  }
0x6b: {  	_ =	shalt  }
0x6c: {  	_ =	shalt  }
0x6d: {  	_ =	shalt  }
0x6e: {  	_ =	shalt  }
0x6f: {  	_ =	shalt  }
0x70: {  	_ =	shalt  }
0x71: {  	_ =	shalt  }
0x72: {  	_ =	shalt  }
0x73: {  	_ =	shalt  }
0x74: {  	_ =	shalt  }
0x75: {  	_ =	shalt  }
0x76: {  	_ =	shalt  }
0x77: {  	_ =	shalt  }
0x78: {  	_ =	shalt  }
0x79: {  	_ =	shalt  }
0x7a: {  	_ =	shalt  }
0x7b: {  	_ =	shalt  }
0x7c: {  	_ =	shalt  }
0x7d: {  	_ =	shalt  }
0x7e: {  	_ =	shalt  }
0x7f: {  	_ =	shalt  }
0x80: {  	_ =	shalt  }
0x81: {  	_ =	shalt  }
0x82: {  	_ =	shalt  }
0x83: {  	_ =	shalt  }
0x84: {  	_ =	shalt  }
0x85: {  	_ =	shalt  }
0x86: {  	_ =	shalt  }
0x87: {  	_ =	shalt  }
.Lfunc_end0:
.L_simem_size_0:
called_computation_lowered:
.L_overlay_start_0:
0x88: {  	s2 =	sld [smem:$0x3FD9]  }
0x89: {  	s3 =	sld [smem:$0x3FFE];
	_ =	sdelay $0x1  }
0x8a: {  	s1 =	srdreg.scid  }
0x8b: {  	s0 =	sand.u32 $0x1, s1  }
0x8c: {  	s17 =	sshll.u32 s0, $0xA;
	s2 =	sadd.s32 s3, s2  }
0x8d: {  	s2 =	sadd.s32 s2, s17  }
0x8e: {  	[smem:$0x3FC1] =	sst s2  }
0x8f: {  	_ = 	snop  }
0x90: {  	s2 =	sld [smem:$0x3FD0];
	(tm) =	ssettm $0x1  }
0x91: {  	s18 =	sld [smem:$0x3FFB];
	_ =	sdelay $0x3  }
0x92: {  	_ =	strace s18  }
0x93: {  	s3 =	sld [smem:$0x3FFC];
	_ =	sdelay $0x3  }
0x94: {  	_ =	strace s3  }
0x95: {  	s3 =	sld [smem:$0x3FFD];
	_ =	sdelay $0x3  }
0x96: {  	_ =	strace s3  }
0x97: {  	_ =	strace $0x8FFFFFFF  }
0x98: {  	s19 =	sld [smem:$0x3FDB];
	_ =	sdelay $0x1  }
0x99: {  	s4 =	simm.s32 $_scs_section_size  }
0x9a: {  	s5 =	simm.s32 $_size__tile_overlayer_lowered;
	s6 =	simm.s32 $_tile_overlayer_lowered  }
0x9b: {  	s22 =	simm.s32 $0x1BFF;
	s21 =	sshll.u32 s6, $0x1;
	s3 =	sadd.s32 s4, s19  }
0x9c: {  	s7 =	simm.s32 $0x0;
	s20 =	sshll.u32 s5, $0x1;
	s5 =	sadd.s32 s21, s3  }
0x9d: {  	[timem:s7], [sflag:s22] =	dma.local [hbm:s5], s20  }
0x9e: {  	_ =	swait.ge [sflag:s22], s20  }
0x9f: {  	s4 =	ssub.s32 $0x0, s20;
	[sflag:s22] =	ssyncset.done $0x0  }
0xa0: {  	[sflag:s22] =	ssyncadd.s32 s4;
	_ =	sdelay $0x1  }
0xa1: {  	s23 =	simm.s32 $0x1B8B  }
0xa2: {  	_ =	swait.ge [sflag:s23], $0x1  }
0xa3: {  	[sflag:s23] =	ssyncset.done $0x0  }
0xa4: {  	s25 =	simm.s32 $0x1B8E;
	s24 =	sld [smem:$0x3FFE];
	[sflag:s23] =	ssyncadd.s32 $0xFFFFFFFF  }
0xa5: {  	s26 =	simm.s32 $execute0_lowered;
	[smem:$0x3FD2] =	sst s25  }
0xa6: {  	s5 =	sshll.u32 s26, $0x1;
	_ =	strace $0x80000046;
	[dreg:$0x1] =	wrdreg $0xFFFFFFFF  }
0xa7: {  	s28 =	simm.s32 $_size_execute0_lowered;
	s3 =	sadd.s32 s3, s5;
	[dreg:$0x0] =	wrdreg $0x0  }
0xa8: {  	s5 =	sshll.u32 s28, $0x1;
	[dreg:$0x2] =	wrdreg s3  }
0xa9: {  	[dreg:$0x3] =	wrdreg s5  }
0xaa: {  	[dreg:$0x4] =	wrdreg $0xC0  }
0xab: {  	_ =	task [dreg:s7], $0x5FFFF  }
0xac: {  	[dreg:$0x1] =	wrdreg $0xFFFFFFFF  }
0xad: {  	[dreg:$0x0] =	wrdreg $0x60  }
0xae: {  	[dreg:$0x2] =	wrdreg s2  }
0xaf: {  	[dreg:$0x3] =	wrdreg s24  }
0xb0: {  	[dreg:$0x4] =	wrdreg $0x9  }
0xb1: {  	_ =	task.clear_ibuf [dreg:s7], $0x5FFFF;
	_ =	strace $0x90000046  }
0xb2: {  	s29 =	simm.s32 $0x9;
	_ =	strace $0x80000048  }
0xb3: {  	_ =	swait.ge [sflag:s29], $0x1  }
0xb4: {  	[sflag:s29] =	ssyncadd.s32 $0xFFFFFFFF  }
0xb5: {  	_ =	strace $0x90000048  }
0xb6: {  	_ =	sfence  }
0xb7: {  	s30 =	sld [smem:$0x0];
	_ =	sdelay $0x2  }
0xb8: {  	s31 =	sshll.u32 s1, $0xD;
	s1 =	sshrl.u32 s1, $0x2  }
0xb9: {  	s3 =	sand.u32 $0x4000, s31;
	s1 =	sadd.s32 s1, s30  }
0xba: {  	s0 =	sor.u32 s3, s0;
	s1 =	sshll.u32 s1, $0x11  }
0xbb: {  	s0 =	sor.u32 s1, s0  }
0xbc: {  	s0 =	sadd.s32 $0x8F2B, s0  }
0xbd: {  	[sflag:s0] =	ssyncadd.remote.s32 $0x1  }
0xbe: {  	_ =	sfence.sel $0xFFFF  }
0xbf: {  	[dreg:$0x0] =	wrdreg $0xFFFFFFFF;
	(pc) =	sbr.abs _section_cstart, $3  }
0xc0: {  	[dreg:$0x1] =	wrdreg $0xFFFFFFFF  }
0xc1: {  	_ =	task.clear_ibuf [dreg:s7], $0x2FFFF;
	_ =	strace $0x9FFFFFFF  }
0xc2: {  	(tm) =	ssettm $0x7FFFFFFF  }
0xc3: {  	_ =	shalt  }
tec
execute0_lowered:
.L_overlay_start_1:
0x0: {  	(tag) =	ssettag $0x1  }
0x1: {  	s0 =	rddreg [dreg:$0x0]  }
0x2: {  	s1 =	rddreg [dreg:$0x1];
	s2 =	simm.s32 $0x0  }
0x3: {  	s3 =	srdreg.scid;
	s4 =	stileid.u32;
	s7 =	simm.s32 $0x5  }
0x4: {  	s8 =	simm.s32 $0x80;
	s19 =	simm.s32 $0x20;
	s20 =	simm.s32 $0x300  }
0x5: {  	s21 =	simm.s32 $0xC400;
	s22 =	simm.s32 $0xC800;
	s23 =	simm.s32 $0xD800  }
0x6: {  	s24 =	simm.s32 $0xE800;
	s25 =	simm.s32 $0xF800;
	s28 =	simm.s32 $0x11800  }
0x7: {  	s29 =	simm.s32 $0x12800;
	s30 =	simm.s32 $0x1;
	s31 =	simm.s32 $0x12C00  }
0x8: {  	s9 =	simm.s32 $0x3;
	s10 =	simm.s32 $0x4;
	s11 =	simm.s32 $0x0  }
0x9: {  	[smem:$0x7FF] =	sst s2;
	s3 =	sand.u32 $0x1, s3;
	s4 =	sshll.u32 s4, $0x1  }
0xa: {  	_ =	strace $0x80000047;
	s4 =	sor.u32 s3, s4;
	s6 =	ssub.s32 $0x2, s3  }
0xb: {  	s5 =	sshll.u32 s4, $0xB;
	s4 =	smul.u32 $0xC80, s4;
	s26 =	sshrl.u32 s6, $0x1  }
0xc: {  	s3 =	sadd.s32 $0x189400, s1;
	s1 =	sadd.s32 s5, s1;
	s6 =	ssub.s32 s6, s26  }
0xd: {  	s26 =	simm.s32 $0x10800;
	s4 =	sadd.s32 s0, s4;
	s5 =	sadd.s32 $0x2A00, s1  }
0xe: {  	s6 =	smax.u32 s6, $0x1;
	s0 =	simm.s32 $0x2;
	s1 =	simm.s32 $0x12E00  }
.LBB2_1:
0xf: {  	[tilespmem:s2], [sflag:$0x5] =	stream.linear.gather [hbm4b:s4+s2], $0x6400, $0x38;
	[tilespmem:$0x13000] =	vst v63  }
0x10: {  	_ =	swait.ge [sflag:s7], $0x6400  }
0x11: {  	[sflag:s7] =	ssyncset.done $0x0  }
0x12: {  	s12 =	simm.s32 $0x6400;
	[sflag:s7] =	ssyncadd.s32 $0xFFFF9C00  }
0x13: {  	[tilespmem:s12], [sflag:$0x1] =	stream.indirect.gather [hbm4b:s3+s8], $0x20, s2, s8, $0xb8;
	[tilespmem:$0x13000] =	vst v63  }
0x14: {  	s17 =	simm.s32 $0x7400  }
0x15: {  	[tilespmem:s17], [sflag:$0x1] =	stream.indirect.gather [hbm4b:s3+s8], $0x20, s8, s8, $0xb8;
	[tilespmem:$0x13000] =	vst v63  }
0x16: {  	s18 =	simm.s32 $0x100;
	s13 =	simm.s32 $0x8400  }
0x17: {  	[tilespmem:s13], [sflag:$0x1] =	stream.indirect.gather [hbm4b:s3+s8], $0x20, s18, s8, $0xb8;
	[tilespmem:$0x13000] =	vst v63  }
0x18: {  	s14 =	simm.s32 $0x9400;
	s13 =	simm.s32 $0x180  }
0x19: {  	[tilespmem:s14], [sflag:$0x1] =	stream.indirect.gather [hbm4b:s3+s8], $0x20, s13, s8, $0xb8;
	[tilespmem:$0x13000] =	vst v63  }
0x1a: {  	s15 =	simm.s32 $0x200;
	s16 =	simm.s32 $0xA400  }
0x1b: {  	[tilespmem:s16], [sflag:$0x1] =	stream.indirect.gather [hbm4b:s3+s8], $0x20, s15, s8, $0xb8;
	[tilespmem:$0x13000] =	vst v63  }
0x1c: {  	s17 =	simm.s32 $0x280;
	s18 =	simm.s32 $0xB400  }
0x1d: {  	[tilespmem:s18], [sflag:$0x1] =	stream.indirect.gather [hbm4b:s3+s8], $0x20, s17, s8, $0xb8;
	[tilespmem:$0x13000] =	vst v63  }
0x1e: {  	s12 =	simm.s32 $0x0  }
0x1f: {  	[tilespmem:s21], [sflag:$0x1] =	stream.indirect.gather [hbm4b:s3+s19], $0x20, s20, s19, $0xb8;
	[tilespmem:$0x13000] =	vst v63  }
.LBB2_2:
0x20: {  	s13 =	sshllo.u32 s12, $0x1  }
0x21: {  	s14 =	smul.u32 $0xC80, s13;
	_ =	sdelay $0x1  }
0x22: {  	s14 =	sshra.s32 s14, $0x2  }
0x23: {  	[tilespmem:s22], [sflag:$0x2] =	stream.indirect.gather [hbm4b:s3+s8], $0x20, s14, s8, $0xb8;
	[tilespmem:$0x13000] =	vst v63  }
0x24: {  	s15 =	sadd.s32 $0x80, s14  }
0x25: {  	[tilespmem:s23], [sflag:$0x2] =	stream.indirect.gather [hbm4b:s3+s8], $0x20, s15, s8, $0xb8;
	[tilespmem:$0x13000] =	vst v63  }
0x26: {  	s18 =	sadd.s32 $0x100, s14  }
0x27: {  	[tilespmem:s24], [sflag:$0x2] =	stream.indirect.gather [hbm4b:s3+s8], $0x20, s18, s8, $0xb8;
	[tilespmem:$0x13000] =	vst v63  }
0x28: {  	s16 =	sadd.s32 $0x180, s14  }
0x29: {  	[tilespmem:s25], [sflag:$0x2] =	stream.indirect.gather [hbm4b:s3+s8], $0x20, s16, s8, $0xb8;
	[tilespmem:$0x13000] =	vst v63  }
0x2a: {  	s17 =	sadd.s32 $0x200, s14  }
0x2b: {  	[tilespmem:s26], [sflag:$0x2] =	stream.indirect.gather [hbm4b:s3+s8], $0x20, s17, s8, $0xb8;
	[tilespmem:$0x13000] =	vst v63  }
0x2c: {  	s18 =	sadd.s32 $0x280, s14  }
0x2d: {  	[tilespmem:s28], [sflag:$0x2] =	stream.indirect.gather [hbm4b:s3+s8], $0x20, s18, s8, $0xb8;
	[tilespmem:$0x13000] =	vst v63  }
0x2e: {  	s14 =	sadd.s32 $0x300, s14  }
0x2f: {  	[tilespmem:s29], [sflag:$0x2] =	stream.indirect.gather [hbm4b:s3+s19], $0x20, s14, s19, $0xb8;
	[tilespmem:$0x13000] =	vst v63  }
0x30: {  	_ =	swait.ge [sflag:s30], $0x1000  }
0x31: {  	[sflag:s30] =	ssyncset.done $0x0  }
0x32: {  	[sflag:s30] =	ssyncadd.s32 $0xFFFFF000  }
0x33: {  	_ =	swait.ge [sflag:s30], $0x1000  }
0x34: {  	[sflag:s30] =	ssyncset.done $0x0  }
0x35: {  	[sflag:s30] =	ssyncadd.s32 $0xFFFFF000  }
0x36: {  	_ =	swait.ge [sflag:s30], $0x1000  }
0x37: {  	[sflag:s30] =	ssyncset.done $0x0  }
0x38: {  	[sflag:s30] =	ssyncadd.s32 $0xFFFFF000  }
0x39: {  	_ =	swait.ge [sflag:s30], $0x1000  }
0x3a: {  	[sflag:s30] =	ssyncset.done $0x0  }
0x3b: {  	[sflag:s30] =	ssyncadd.s32 $0xFFFFF000  }
0x3c: {  	_ =	swait.ge [sflag:s30], $0x1000  }
0x3d: {  	[sflag:s30] =	ssyncset.done $0x0  }
0x3e: {  	[sflag:s30] =	ssyncadd.s32 $0xFFFFF000  }
0x3f: {  	_ =	swait.ge [sflag:s30], $0x1000  }
0x40: {  	[sflag:s30] =	ssyncset.done $0x0  }
0x41: {  	[sflag:s30] =	ssyncadd.s32 $0xFFFFF000  }
0x42: {  	_ =	swait.ge [sflag:s30], $0x400  }
0x43: {  	p0 =	seq.s32 s12, $0x0;
	[sflag:s30] =	ssyncset.done $0x0  }
0x44: {  	s14 =	simm.s32 @!p0 $0x3;
	[sflag:s30] =	ssyncadd.s32 $0xFFFFFC00  }
0x45: {  	_ =	swait.ge @!p0 [sflag:s14], $0x200  }
0x46: {  	[sflag:s14] =	ssyncset.done @!p0 $0x0  }
0x47: {  	[sflag:s14] =	ssyncadd.s32 @!p0 $0xFFFFFE00;
	s14 =	simm.s32 $0x6720  }
0x48: {  	v0 =	vld [tilespmem:s14+$0x2C0]  }
0x49: {  	v1 =	vld [tilespmem:s14+$0x300]  }
0x4a: {  	v2 =	vld [tilespmem:s14+$0x240]  }
0x4b: {  	v3 =	vld [tilespmem:s14+$0x260]  }
0x4c: {  	v4 =	vld [tilespmem:s14+$0x1C0]  }
0x4d: {  	v5 =	vld [tilespmem:s14+$0x1E0]  }
0x4e: {  	v6 =	vld [tilespmem:s14+$0x140]  }
0x4f: {  	v7 =	vld [tilespmem:s14+$0x160]  }
0x50: {  	v8 =	vld [tilespmem:s14+$0xC0]  }
0x51: {  	v9 =	vld [tilespmem:s14+$0xE0]  }
0x52: {  	v10 =	vld [tilespmem:s14+$0x40]  }
0x53: {  	v11 =	vld [tilespmem:s14+$0x60]  }
0x54: {  	v12 =	vld [tilespmem:s14+$0xFFFFFFC0]  }
0x55: {  	v13 =	vld [tilespmem:s14+$0xFFFFFFE0]  }
0x56: {  	v14 =	vld [tilespmem:s14+$0xFFFFFF40]  }
0x57: {  	v15 =	vld [tilespmem:s14+$0xFFFFFF60]  }
0x58: {  	v16 =	vld [tilespmem:s14+$0xFFFFFEC0]  }
0x59: {  	v17 =	vld [tilespmem:s14+$0xFFFFFEE0]  }
0x5a: {  	v18 =	vld [tilespmem:s14+$0xFFFFFE40]  }
0x5b: {  	v19 =	vld [tilespmem:s14+$0xFFFFFE60]  }
0x5c: {  	v20 =	vld [tilespmem:s14+$0xFFFFFE00]  }
0x5d: {  	v21 =	vld [tilespmem:s14+$0xFFFFFDC0]  }
0x5e: {  	v22 =	vld [tilespmem:s14+$0xFFFFFDE0]  }
0x5f: {  	v23 =	vld [tilespmem:s14+$0xFFFFFCE0]  }
0x60: {  	v24 =	vld [tilespmem:s14+$0xFFFFFD60]  }
0x61: {  	v25 =	vld [tilespmem:s14+$0xFFFFFD80]  }
0x62: {  	v26 =	vld [tilespmem:s14+$0xFFFFFD00]  }
0x63: {  	v27 =	vld [tilespmem:s14+$0xFFFFFD40]  }
0x64: {  	v28 =	vld [tilespmem:s14+$0xFFFFFD20]  }
0x65: {  	v29 =	vld [tilespmem:s14+$0xFFFFFDA0]  }
0x66: {  	v30 =	vld [tilespmem:s14+$0xFFFFFE80]  }
0x67: {  	v23 =	vadd.f32 v24, v23;
	v24 =	vadd.f32 v25, v26;
	v25 =	vld [tilespmem:s14+$0xFFFFFE20]  }
0x68: {  	v26 =	vld [tilespmem:s14+$0xFFFFFF00];
	v21 =	vadd.f32 v21, v27  }
0x69: {  	v22 =	vadd.f32 v22, v23;
	v20 =	vadd.f32 v20, v24;
	v23 =	vld [tilespmem:s14+$0xFFFFFEA0]  }
0x6a: {  	v27 =	vld [tilespmem:s14+$0xFFFFFF80];
	v24 =	vadd.f32 v29, v28;
	v18 =	vadd.f32 v18, v21  }
0x6b: {  	v19 =	vadd.f32 v19, v22;
	v20 =	vadd.f32 v30, v20;
	v22 =	vld [tilespmem:s14+$0xFFFFFF20]  }
0x6c: {  	v16 =	vadd.f32 v16, v18;
	v21 =	vadd.f32 v25, v24;
	v24 =	vld [tilespmem:s14+$0x0]  }
0x6d: {  	v17 =	vadd.f32 v17, v19;
	v19 =	vadd.f32 v26, v20;
	v20 =	vld [tilespmem:s14+$0xFFFFFFA0]  }
0x6e: {  	v14 =	vadd.f32 v14, v16;
	v18 =	vadd.f32 v23, v21;
	v21 =	vld [tilespmem:s14+$0x80]  }
0x6f: {  	v15 =	vadd.f32 v15, v17;
	v17 =	vadd.f32 v27, v19;
	v19 =	vld [tilespmem:s14+$0x20]  }
0x70: {  	v12 =	vadd.f32 v12, v14;
	v16 =	vadd.f32 v22, v18;
	v18 =	vld [tilespmem:s14+$0x100]  }
0x71: {  	v13 =	vadd.f32 v13, v15;
	v15 =	vadd.f32 v24, v17;
	v17 =	vld [tilespmem:s14+$0xA0]  }
0x72: {  	v10 =	vadd.f32 v10, v12;
	v14 =	vadd.f32 v20, v16;
	v16 =	vld [tilespmem:s14+$0x180]  }
0x73: {  	v11 =	vadd.f32 v11, v13;
	v13 =	vadd.f32 v21, v15;
	v15 =	vld [tilespmem:s14+$0x120]  }
0x74: {  	v8 =	vadd.f32 v8, v10;
	v12 =	vadd.f32 v19, v14;
	v14 =	vld [tilespmem:s14+$0x200]  }
0x75: {  	v9 =	vadd.f32 v9, v11;
	v11 =	vadd.f32 v18, v13;
	v13 =	vld [tilespmem:s14+$0x1A0]  }
0x76: {  	v6 =	vadd.f32 v6, v8;
	v10 =	vadd.f32 v17, v12;
	v12 =	vld [tilespmem:s14+$0x280]  }
0x77: {  	v7 =	vadd.f32 v7, v9;
	v9 =	vadd.f32 v16, v11;
	v11 =	vld [tilespmem:s14+$0x220]  }
0x78: {  	v4 =	vadd.f32 v4, v6;
	v8 =	vadd.f32 v15, v10;
	v10 =	vld [tilespmem:s14+$0x2E0]  }
0x79: {  	v5 =	vadd.f32 v5, v7;
	v7 =	vadd.f32 v14, v9;
	v9 =	vld [tilespmem:s14+$0x2A0]  }
0x7a: {  	v6 =	vadd.f32 v13, v8  }
0x7b: {  	v2 =	vadd.f32 v2, v4;
	v3 =	vadd.f32 v3, v5  }
0x7c: {  	v5 =	vadd.f32 v12, v7;
	v4 =	vadd.f32 v11, v6  }
0x7d: {  	v0 =	vadd.f32 v0, v2;
	v3 =	vadd.f32 v10, v3  }
0x7e: {  	v1 =	vadd.f32 v1, v5;
	v4 =	vadd.f32 v9, v4;
	_ =	sdelay $0x1  }
0x7f: {  	v1 =	vadd.f32 v1, v3;
	v0 =	vadd.f32 v0, v4;
	_ =	sdelay $0x1  }
0x80: {  	v0 =	vadd.f32 v1, v0  }
0x81: {  	s17 =	simm.s32 $0x0  }
0x82: {  	[tilespmem:s17+$0x12C00] =	vst v0  }
0x83: {  	v3 =	vld [tilespmem:s14+$0x70]  }
0x84: {  	v6 =	vld [tilespmem:s14+$0xFFFFFFF0]  }
0x85: {  	v8 =	vld [tilespmem:s14+$0xFFFFFF70]  }
0x86: {  	v1 =	vld [tilespmem:s14+$0x110]  }
0x87: {  	v0 =	vld [tilespmem:s14+$0x170]  }
0x88: {  	v10 =	vld [tilespmem:s14+$0xFFFFFF10]  }
0x89: {  	v9 =	vld [tilespmem:s14+$0xFFFFFF50]  }
0x8a: {  	v7 =	vld [tilespmem:s14+$0x10]  }
0x8b: {  	v5 =	vld [tilespmem:s14+$0xF0]  }
0x8c: {  	v2 =	vld [tilespmem:s14+$0x230]  }
0x8d: {  	v11 =	vld [tilespmem:s14+$0xFFFFFFB0]  }
0x8e: {  	v4 =	vld [tilespmem:s14+$0x190]  }
0x8f: {  	v12 =	vld [tilespmem:s14+$0xFFFFFEF0]  }
0x90: {  	v16 =	vld [tilespmem:s14+$0xFFFFFE10]  }
0x91: {  	v20 =	vld [tilespmem:s14+$0xFFFFFE30]  }
0x92: {  	v13 =	vld [tilespmem:s14+$0xFFFFFE90]  }
0x93: {  	v15 =	vld [tilespmem:s14+$0xFFFFFE70]  }
0x94: {  	v18 =	vld [tilespmem:s14+$0xFFFFFDF0]  }
0x95: {  	v14 =	vld [tilespmem:s14+$0xFFFFFED0]  }
0x96: {  	v19 =	vld [tilespmem:s14+$0xFFFFFE50]  }
0x97: {  	v22 =	vld [tilespmem:s14+$0xFFFFFDD0]  }
0x98: {  	v21 =	vld [tilespmem:s14+$0xFFFFFD70]  }
0x99: {  	v17 =	vld [tilespmem:s14+$0xFFFFFDB0]  }
0x9a: {  	v24 =	vld [tilespmem:s14+$0xFFFFFD30]  }
0x9b: {  	v26 =	vld [tilespmem:s14+$0xFFFFFD90]  }
0x9c: {  	v27 =	vld [tilespmem:s14+$0xFFFFFD50]  }
0x9d: {  	v28 =	vld [tilespmem:s14+$0xFFFFFD10]  }
0x9e: {  	v25 =	vld [tilespmem:s14+$0xFFFFFCF0]  }
0x9f: {  	v23 =	vld [tilespmem:s14+$0xFFFFFEB0]  }
0xa0: {  	v29 =	vadd.f32 v17, v24;
	v17 =	vld [tilespmem:s14+$0xFFFFFF90]  }
0xa1: {  	v24 =	vadd.f32 v22, v27;
	v22 =	vld [tilespmem:s14+$0xFFFFFF30]  }
0xa2: {  	s15 =	simm.s32 $0x80;
	s16 =	simm.s32 $0x6720;
	v27 =	vadd.f32 v26, v28;
	v26 =	vadd.f32 v20, v29;
	v20 =	vld [tilespmem:s14+$0xFFFFFFD0]  }
.LBB2_3:
0xa3: {  	p1 =	sne.s32 s15, $0x780  }
0xa4: {  	v21 =	vadd.f32 v21, v25;
	v25 =	vld [tilespmem:s14+$0x90];
	s16 =	sadd.s32 $0x640, s16;
	s18 =	smov.u32 s15;
	s15 =	sadd.s32 $0x80, s15  }
0xa5: {  	v16 =	vadd.f32 v16, v27;
	v23 =	vadd.f32 v23, v26;
	v26 =	vld [tilespmem:s14+$0x50]  }
0xa6: {  	v18 =	vadd.f32 v18, v21;
	v21 =	vld [tilespmem:s14+$0x30]  }
0xa7: {  	v19 =	vadd.f32 v19, v24;
	v22 =	vadd.f32 v22, v23;
	v23 =	vld [tilespmem:s14+$0xD0]  }
0xa8: {  	v13 =	vadd.f32 v13, v16;
	v15 =	vadd.f32 v15, v18;
	v16 =	vld [tilespmem:s14+$0xB0]  }
0xa9: {  	v14 =	vadd.f32 v14, v19;
	v11 =	vadd.f32 v11, v22;
	v18 =	vld [tilespmem:s14+$0x150]  }
0xaa: {  	v10 =	vadd.f32 v10, v13;
	v12 =	vadd.f32 v12, v15;
	v13 =	vld [tilespmem:s14+$0x130]  }
0xab: {  	v9 =	vadd.f32 v9, v14;
	v11 =	vadd.f32 v21, v11;
	v14 =	vld [tilespmem:s14+$0x1D0]  }
0xac: {  	v10 =	vadd.f32 v17, v10;
	v8 =	vadd.f32 v8, v12;
	v12 =	vld [tilespmem:s14+$0x1B0]  }
0xad: {  	v9 =	vadd.f32 v20, v9;
	v11 =	vadd.f32 v16, v11;
	v15 =	vld [tilespmem:s14+$0x1F0]  }
0xae: {  	v7 =	vadd.f32 v7, v10;
	v6 =	vadd.f32 v6, v8;
	v8 =	vld [tilespmem:s14+$0x210]  }
0xaf: {  	v9 =	vadd.f32 v26, v9;
	v10 =	vadd.f32 v13, v11;
	v11 =	vld [tilespmem:s14+$0x310]  }
0xb0: {  	v3 =	vadd.f32 v3, v6;
	v6 =	vadd.f32 v25, v7;
	v7 =	vld [tilespmem:s14+$0x290]  }
0xb1: {  	v9 =	vadd.f32 v23, v9;
	v10 =	vadd.f32 v12, v10;
	v12 =	vld [tilespmem:s14+$0x2B0]  }
0xb2: {  	v3 =	vadd.f32 v5, v3;
	v1 =	vadd.f32 v1, v6;
	v5 =	vld [tilespmem:s14+$0x250]  }
0xb3: {  	v6 =	vadd.f32 v18, v9;
	v2 =	vadd.f32 v2, v10;
	v9 =	vld [tilespmem:s14+$0x270]  }
0xb4: {  	v0 =	vadd.f32 v0, v3;
	v1 =	vadd.f32 v4, v1;
	v3 =	vld [tilespmem:s14+$0x2D0]  }
0xb5: {  	v4 =	vadd.f32 v14, v6;
	v6 =	vld [tilespmem:s14+$0x2F0];
	s14 =	smov.u32 s16  }
0xb6: {  	v0 =	vadd.f32 v15, v0;
	v2 =	vadd.f32 v12, v2  }
0xb7: {  	v1 =	vadd.f32 v8, v1;
	v4 =	vadd.f32 v5, v4  }
0xb8: {  	v0 =	vadd.f32 v9, v0  }
0xb9: {  	v1 =	vadd.f32 v7, v1;
	v3 =	vadd.f32 v3, v4  }
0xba: {  	v0 =	vadd.f32 v6, v0  }
0xbb: {  	v1 =	vadd.f32 v11, v1;
	v2 =	vadd.f32 v3, v2;
	_ =	sdelay $0x1  }
0xbc: {  	v0 =	vadd.f32 v1, v0;
	_ =	sdelay $0x1  }
0xbd: {  	v0 =	vadd.f32 v0, v2;
	_ =	sdelay $0x1  }
0xbe: {  	[tilespmem:s17+$0x12C10] =	vst v0;
	_ =	sdelay $0x1  }
0xbf: {  	v0 =	vld [tilespmem:s16+$0x2C0]  }
0xc0: {  	v1 =	vld [tilespmem:s16+$0x300]  }
0xc1: {  	v2 =	vld [tilespmem:s16+$0x240]  }
0xc2: {  	v3 =	vld [tilespmem:s16+$0x260]  }
0xc3: {  	v4 =	vld [tilespmem:s16+$0x1C0]  }
0xc4: {  	v5 =	vld [tilespmem:s16+$0x1E0]  }
0xc5: {  	v6 =	vld [tilespmem:s16+$0x140]  }
0xc6: {  	v7 =	vld [tilespmem:s16+$0x160]  }
0xc7: {  	v8 =	vld [tilespmem:s16+$0xC0]  }
0xc8: {  	v9 =	vld [tilespmem:s16+$0xE0]  }
0xc9: {  	v10 =	vld [tilespmem:s16+$0x40]  }
0xca: {  	v11 =	vld [tilespmem:s16+$0x60]  }
0xcb: {  	v12 =	vld [tilespmem:s16+$0xFFFFFFC0]  }
0xcc: {  	v13 =	vld [tilespmem:s16+$0xFFFFFFE0]  }
0xcd: {  	v14 =	vld [tilespmem:s16+$0xFFFFFF40]  }
0xce: {  	v15 =	vld [tilespmem:s16+$0xFFFFFF60]  }
0xcf: {  	v16 =	vld [tilespmem:s16+$0xFFFFFEC0]  }
0xd0: {  	v17 =	vld [tilespmem:s16+$0xFFFFFEE0]  }
0xd1: {  	v18 =	vld [tilespmem:s16+$0xFFFFFE40]  }
0xd2: {  	v19 =	vld [tilespmem:s16+$0xFFFFFE60]  }
0xd3: {  	v20 =	vld [tilespmem:s16+$0xFFFFFE00]  }
0xd4: {  	v21 =	vld [tilespmem:s16+$0xFFFFFDC0]  }
0xd5: {  	v22 =	vld [tilespmem:s16+$0xFFFFFDE0]  }
0xd6: {  	v23 =	vld [tilespmem:s16+$0xFFFFFCE0]  }
0xd7: {  	v24 =	vld [tilespmem:s16+$0xFFFFFD60]  }
0xd8: {  	v25 =	vld [tilespmem:s16+$0xFFFFFD80]  }
0xd9: {  	v26 =	vld [tilespmem:s16+$0xFFFFFD00]  }
0xda: {  	v27 =	vld [tilespmem:s16+$0xFFFFFD40]  }
0xdb: {  	v28 =	vld [tilespmem:s16+$0xFFFFFD20]  }
0xdc: {  	v23 =	vadd.f32 v24, v23;
	v24 =	vld [tilespmem:s16+$0xFFFFFDA0]  }
0xdd: {  	v29 =	vld [tilespmem:s16+$0xFFFFFE80]  }
0xde: {  	v25 =	vadd.f32 v25, v26;
	v22 =	vadd.f32 v22, v23;
	v23 =	vld [tilespmem:s16+$0xFFFFFE20]  }
0xdf: {  	v21 =	vadd.f32 v21, v27;
	v26 =	vld [tilespmem:s16+$0xFFFFFF00]  }
0xe0: {  	v20 =	vadd.f32 v20, v25;
	v19 =	vadd.f32 v19, v22;
	v22 =	vld [tilespmem:s16+$0xFFFFFEA0]  }
0xe1: {  	v24 =	vadd.f32 v24, v28;
	v18 =	vadd.f32 v18, v21;
	v21 =	vld [tilespmem:s16+$0xFFFFFF80]  }
0xe2: {  	v20 =	vadd.f32 v29, v20;
	v17 =	vadd.f32 v17, v19;
	v19 =	vld [tilespmem:s16+$0xFFFFFF20]  }
0xe3: {  	v23 =	vadd.f32 v23, v24;
	v16 =	vadd.f32 v16, v18;
	v18 =	vld [tilespmem:s16+$0x0]  }
0xe4: {  	v20 =	vadd.f32 v26, v20;
	v15 =	vadd.f32 v15, v17;
	v17 =	vld [tilespmem:s16+$0xFFFFFFA0]  }
0xe5: {  	v22 =	vadd.f32 v22, v23;
	v14 =	vadd.f32 v14, v16;
	v16 =	vld [tilespmem:s16+$0x80]  }
0xe6: {  	v20 =	vadd.f32 v21, v20;
	v13 =	vadd.f32 v13, v15;
	v15 =	vld [tilespmem:s16+$0x20]  }
0xe7: {  	v19 =	vadd.f32 v19, v22;
	v12 =	vadd.f32 v12, v14;
	v14 =	vld [tilespmem:s16+$0x100]  }
0xe8: {  	v18 =	vadd.f32 v18, v20;
	v11 =	vadd.f32 v11, v13;
	v13 =	vld [tilespmem:s16+$0xA0]  }
0xe9: {  	v17 =	vadd.f32 v17, v19;
	v10 =	vadd.f32 v10, v12;
	v12 =	vld [tilespmem:s16+$0x180]  }
0xea: {  	v16 =	vadd.f32 v16, v18;
	v9 =	vadd.f32 v9, v11;
	v11 =	vld [tilespmem:s16+$0x120]  }
0xeb: {  	v15 =	vadd.f32 v15, v17;
	v8 =	vadd.f32 v8, v10;
	v10 =	vld [tilespmem:s16+$0x200]  }
0xec: {  	v14 =	vadd.f32 v14, v16;
	v7 =	vadd.f32 v7, v9;
	v9 =	vld [tilespmem:s16+$0x1A0]  }
0xed: {  	v13 =	vadd.f32 v13, v15;
	v6 =	vadd.f32 v6, v8;
	v8 =	vld [tilespmem:s16+$0x280]  }
0xee: {  	v12 =	vadd.f32 v12, v14;
	v5 =	vadd.f32 v5, v7;
	v7 =	vld [tilespmem:s16+$0x220]  }
0xef: {  	v11 =	vadd.f32 v11, v13;
	v4 =	vadd.f32 v4, v6;
	v6 =	vld [tilespmem:s16+$0x2E0]  }
0xf0: {  	v10 =	vadd.f32 v10, v12;
	v3 =	vadd.f32 v3, v5;
	v5 =	vld [tilespmem:s16+$0x2A0]  }
0xf1: {  	v9 =	vadd.f32 v9, v11;
	v2 =	vadd.f32 v2, v4  }
0xf2: {  	v4 =	vadd.f32 v8, v10  }
0xf3: {  	v7 =	vadd.f32 v7, v9  }
0xf4: {  	v3 =	vadd.f32 v6, v3;
	v1 =	vadd.f32 v1, v4  }
0xf5: {  	v0 =	vadd.f32 v0, v2;
	v4 =	vadd.f32 v5, v7  }
0xf6: {  	v1 =	vadd.f32 v1, v3  }
0xf7: {  	v0 =	vadd.f32 v0, v4;
	_ =	sdelay $0x1  }
0xf8: {  	v0 =	vadd.f32 v1, v0  }
0xf9: {  	s17 =	sshra.s32 s18, $0x2  }
0xfa: {  	[tilespmem:s17+$0x12C00] =	vst v0  }
0xfb: {  	v3 =	vld [tilespmem:s16+$0x70]  }
0xfc: {  	v6 =	vld [tilespmem:s16+$0xFFFFFFF0]  }
0xfd: {  	v8 =	vld [tilespmem:s16+$0xFFFFFF70]  }
0xfe: {  	v1 =	vld [tilespmem:s16+$0x110]  }
0xff: {  	v0 =	vld [tilespmem:s16+$0x170]  }
0x100: {  	v10 =	vld [tilespmem:s16+$0xFFFFFF10]  }
0x101: {  	v9 =	vld [tilespmem:s16+$0xFFFFFF50]  }
0x102: {  	v7 =	vld [tilespmem:s16+$0x10]  }
0x103: {  	v5 =	vld [tilespmem:s16+$0xF0]  }
0x104: {  	v2 =	vld [tilespmem:s16+$0x230]  }
0x105: {  	v11 =	vld [tilespmem:s16+$0xFFFFFFB0]  }
0x106: {  	v4 =	vld [tilespmem:s16+$0x190]  }
0x107: {  	v12 =	vld [tilespmem:s16+$0xFFFFFEF0]  }
0x108: {  	v16 =	vld [tilespmem:s16+$0xFFFFFE10]  }
0x109: {  	v20 =	vld [tilespmem:s16+$0xFFFFFE30]  }
0x10a: {  	v13 =	vld [tilespmem:s16+$0xFFFFFE90]  }
0x10b: {  	v15 =	vld [tilespmem:s16+$0xFFFFFE70]  }
0x10c: {  	v18 =	vld [tilespmem:s16+$0xFFFFFDF0]  }
0x10d: {  	v14 =	vld [tilespmem:s16+$0xFFFFFED0]  }
0x10e: {  	v19 =	vld [tilespmem:s16+$0xFFFFFE50]  }
0x10f: {  	v22 =	vld [tilespmem:s16+$0xFFFFFDD0]  }
0x110: {  	v21 =	vld [tilespmem:s16+$0xFFFFFD70]  }
0x111: {  	v17 =	vld [tilespmem:s16+$0xFFFFFDB0]  }
0x112: {  	v23 =	vld [tilespmem:s16+$0xFFFFFD30]  }
0x113: {  	v26 =	vld [tilespmem:s16+$0xFFFFFD90]  }
0x114: {  	v24 =	vld [tilespmem:s16+$0xFFFFFD50]  }
0x115: {  	v27 =	vld [tilespmem:s16+$0xFFFFFD10]  }
.Ltmp0:
0x116: {  	v25 =	vld [tilespmem:s16+$0xFFFFFCF0];
	(pc) =	sbr.rel @p1 .LBB2_3-.Ltmp0, $4  }
0x117: {  	v28 =	vadd.f32 v17, v23;
	v23 =	vld [tilespmem:s16+$0xFFFFFEB0]  }
0x118: {  	v17 =	vld [tilespmem:s16+$0xFFFFFF90]  }
0x119: {  	v24 =	vadd.f32 v22, v24;
	v22 =	vld [tilespmem:s16+$0xFFFFFF30]  }
0x11a: {  	v27 =	vadd.f32 v26, v27;
	v26 =	vadd.f32 v20, v28;
	v20 =	vld [tilespmem:s16+$0xFFFFFFD0]  }
0x11b: {  	v21 =	vadd.f32 v21, v25;
	v25 =	vld [tilespmem:s14+$0x90]  }
0x11c: {  	v28 =	vld [tilespmem:s14+$0x50];
	v19 =	vadd.f32 v19, v24  }
0x11d: {  	v24 =	vld [tilespmem:s14+$0xD0];
	v16 =	vadd.f32 v16, v27;
	v18 =	vadd.f32 v18, v21  }
0x11e: {  	v21 =	vld [tilespmem:s14+$0x30];
	v14 =	vadd.f32 v14, v19  }
0x11f: {  	v19 =	vld [tilespmem:s14+$0x150];
	v13 =	vadd.f32 v13, v16;
	v15 =	vadd.f32 v15, v18  }
0x120: {  	v16 =	vld [tilespmem:s14+$0xB0];
	v18 =	vadd.f32 v23, v26;
	v9 =	vadd.f32 v9, v14  }
0x121: {  	v14 =	vld [tilespmem:s14+$0x1D0];
	v10 =	vadd.f32 v10, v13;
	v12 =	vadd.f32 v12, v15  }
0x122: {  	v13 =	vld [tilespmem:s14+$0x130];
	v15 =	vadd.f32 v22, v18  }
0x123: {  	v10 =	vadd.f32 v17, v10;
	v8 =	vadd.f32 v8, v12;
	v12 =	vld [tilespmem:s14+$0x1B0]  }
0x124: {  	v9 =	vadd.f32 v20, v9;
	v11 =	vadd.f32 v11, v15;
	v15 =	vld [tilespmem:s14+$0x1F0]  }
0x125: {  	v7 =	vadd.f32 v7, v10;
	v6 =	vadd.f32 v6, v8;
	v8 =	vld [tilespmem:s14+$0x210]  }
0x126: {  	v9 =	vadd.f32 v28, v9;
	v10 =	vadd.f32 v21, v11;
	v11 =	vld [tilespmem:s14+$0x310]  }
0x127: {  	v3 =	vadd.f32 v3, v6;
	v6 =	vadd.f32 v25, v7;
	v7 =	vld [tilespmem:s14+$0x290]  }
0x128: {  	v9 =	vadd.f32 v24, v9;
	v10 =	vadd.f32 v16, v10;
	v16 =	vld [tilespmem:s14+$0x2B0]  }
0x129: {  	v3 =	vadd.f32 v5, v3;
	v1 =	vadd.f32 v1, v6;
	v5 =	vld [tilespmem:s14+$0x250]  }
0x12a: {  	v9 =	vadd.f32 v19, v9;
	v6 =	vadd.f32 v13, v10;
	v10 =	vld [tilespmem:s14+$0x270]  }
0x12b: {  	v0 =	vadd.f32 v0, v3;
	v1 =	vadd.f32 v4, v1;
	v3 =	vld [tilespmem:s14+$0x2D0]  }
0x12c: {  	v4 =	vadd.f32 v12, v6;
	v6 =	vadd.f32 v14, v9;
	v9 =	vld [tilespmem:s14+$0x2F0]  }
0x12d: {  	v0 =	vadd.f32 v15, v0;
	v1 =	vadd.f32 v8, v1  }
0x12e: {  	v2 =	vadd.f32 v2, v4;
	v4 =	vadd.f32 v5, v6  }
0x12f: {  	v0 =	vadd.f32 v10, v0;
	v1 =	vadd.f32 v7, v1  }
0x130: {  	v2 =	vadd.f32 v16, v2;
	v3 =	vadd.f32 v3, v4  }
0x131: {  	v0 =	vadd.f32 v9, v0;
	v1 =	vadd.f32 v11, v1;
	_ =	sdelay $0x1  }
0x132: {  	v2 =	vadd.f32 v3, v2;
	v0 =	vadd.f32 v1, v0;
	_ =	sdelay $0x1  }
0x133: {  	v0 =	vadd.f32 v0, v2  }
0x134: {  	s18 =	sshll.u32 s12, $0x7;
	p1 =	seq.s32 s12, $0xF  }
0x135: {  	s15 =	smul.u32 @!p1 $0x1900, s12;
	s14 =	sadd.s32 s18, s5;
	[tilespmem:s17+$0x12C10] =	vst v0  }
0x136: {  	[hbm4b:s14+s2] =	stream.linear.scatter [tilespmem:s31], [sflag:$0x3], $0x200, $0x38;
	[tilespmem:$0x13000] =	vst v63  }
0x137: {  	s14 =	sshra.s32 @!p1 s15, $0x2  }
0x138: {  	s16 =	simm.s32 @!p1 $0x80;
	s17 =	simm.s32 @!p1 $0x6400;
	s15 =	sadd.s32 @!p1 $0x640, s14  }
0x139: {  	[tilespmem:s17], [sflag:$0x1] =	stream.indirect.gather @!p1 [hbm4b:s3+s16], $0x20, s15, s16, $0xb8;
	[tilespmem:$0x13000] =	vst v63  }
0x13a: {  	s15 =	sadd.s32 @!p1 $0x6C0, s14;
	s17 =	simm.s32 @!p1 $0x7400  }
0x13b: {  	[tilespmem:s17], [sflag:$0x1] =	stream.indirect.gather @!p1 [hbm4b:s3+s16], $0x20, s15, s16, $0xb8;
	[tilespmem:$0x13000] =	vst v63  }
0x13c: {  	s15 =	sadd.s32 @!p1 $0x740, s14;
	s17 =	simm.s32 @!p1 $0x8400  }
0x13d: {  	[tilespmem:s17], [sflag:$0x1] =	stream.indirect.gather @!p1 [hbm4b:s3+s16], $0x20, s15, s16, $0xb8;
	[tilespmem:$0x13000] =	vst v63  }
0x13e: {  	s15 =	sadd.s32 @!p1 $0x7C0, s14;
	s17 =	simm.s32 @!p1 $0x9400  }
0x13f: {  	[tilespmem:s17], [sflag:$0x1] =	stream.indirect.gather @!p1 [hbm4b:s3+s16], $0x20, s15, s16, $0xb8;
	[tilespmem:$0x13000] =	vst v63  }
0x140: {  	s15 =	sadd.s32 @!p1 $0x840, s14;
	s17 =	simm.s32 @!p1 $0xA400  }
0x141: {  	[tilespmem:s17], [sflag:$0x1] =	stream.indirect.gather @!p1 [hbm4b:s3+s16], $0x20, s15, s16, $0xb8;
	[tilespmem:$0x13000] =	vst v63  }
0x142: {  	s15 =	sadd.s32 @!p1 $0x8C0, s14;
	s17 =	simm.s32 @!p1 $0xB400  }
0x143: {  	[tilespmem:s17], [sflag:$0x1] =	stream.indirect.gather @!p1 [hbm4b:s3+s16], $0x20, s15, s16, $0xb8;
	[tilespmem:$0x13000] =	vst v63  }
0x144: {  	s14 =	sadd.s32 @!p1 $0x940, s14;
	s15 =	simm.s32 @!p1 $0x20;
	s16 =	simm.s32 @!p1 $0xC400  }
0x145: {  	[tilespmem:s16], [sflag:$0x1] =	stream.indirect.gather @!p1 [hbm4b:s3+s15], $0x20, s14, s15, $0xb8;
	[tilespmem:$0x13000] =	vst v63  }
0x146: {  	_ =	swait.ge [sflag:s0], $0x1000  }
0x147: {  	[sflag:s0] =	ssyncset.done $0x0  }
0x148: {  	[sflag:s0] =	ssyncadd.s32 $0xFFFFF000  }
0x149: {  	_ =	swait.ge [sflag:s0], $0x1000  }
0x14a: {  	[sflag:s0] =	ssyncset.done $0x0  }
0x14b: {  	[sflag:s0] =	ssyncadd.s32 $0xFFFFF000  }
0x14c: {  	_ =	swait.ge [sflag:s0], $0x1000  }
0x14d: {  	[sflag:s0] =	ssyncset.done $0x0  }
0x14e: {  	[sflag:s0] =	ssyncadd.s32 $0xFFFFF000  }
0x14f: {  	_ =	swait.ge [sflag:s0], $0x1000  }
0x150: {  	[sflag:s0] =	ssyncset.done $0x0  }
0x151: {  	[sflag:s0] =	ssyncadd.s32 $0xFFFFF000  }
0x152: {  	_ =	swait.ge [sflag:s0], $0x1000  }
0x153: {  	[sflag:s0] =	ssyncset.done $0x0  }
0x154: {  	[sflag:s0] =	ssyncadd.s32 $0xFFFFF000  }
0x155: {  	_ =	swait.ge [sflag:s0], $0x1000  }
0x156: {  	[sflag:s0] =	ssyncset.done $0x0  }
0x157: {  	[sflag:s0] =	ssyncadd.s32 $0xFFFFF000  }
0x158: {  	_ =	swait.ge [sflag:s0], $0x400  }
0x159: {  	[sflag:s0] =	ssyncset.done $0x0  }
0x15a: {  	s14 =	simm.s32 @!p0 $0x4;
	[sflag:s0] =	ssyncadd.s32 $0xFFFFFC00  }
0x15b: {  	_ =	swait.ge @!p0 [sflag:s14], $0x200  }
0x15c: {  	[sflag:s14] =	ssyncset.done @!p0 $0x0  }
0x15d: {  	[sflag:s14] =	ssyncadd.s32 @!p0 $0xFFFFFE00;
	s14 =	simm.s32 $0xCB20  }
0x15e: {  	v0 =	vld [tilespmem:s14+$0x2C0]  }
0x15f: {  	v1 =	vld [tilespmem:s14+$0x300]  }
0x160: {  	v2 =	vld [tilespmem:s14+$0x240]  }
0x161: {  	v3 =	vld [tilespmem:s14+$0x260]  }
0x162: {  	v4 =	vld [tilespmem:s14+$0x1C0]  }
0x163: {  	v5 =	vld [tilespmem:s14+$0x1E0]  }
0x164: {  	v6 =	vld [tilespmem:s14+$0x140]  }
0x165: {  	v7 =	vld [tilespmem:s14+$0x160]  }
0x166: {  	v8 =	vld [tilespmem:s14+$0xC0]  }
0x167: {  	v9 =	vld [tilespmem:s14+$0xE0]  }
0x168: {  	v10 =	vld [tilespmem:s14+$0x40]  }
0x169: {  	v11 =	vld [tilespmem:s14+$0x60]  }
0x16a: {  	v12 =	vld [tilespmem:s14+$0xFFFFFFC0]  }
0x16b: {  	v13 =	vld [tilespmem:s14+$0xFFFFFFE0]  }
0x16c: {  	v14 =	vld [tilespmem:s14+$0xFFFFFF40]  }
0x16d: {  	v15 =	vld [tilespmem:s14+$0xFFFFFF60]  }
0x16e: {  	v16 =	vld [tilespmem:s14+$0xFFFFFEC0]  }
0x16f: {  	v17 =	vld [tilespmem:s14+$0xFFFFFEE0]  }
0x170: {  	v18 =	vld [tilespmem:s14+$0xFFFFFE40]  }
0x171: {  	v19 =	vld [tilespmem:s14+$0xFFFFFE60]  }
0x172: {  	v20 =	vld [tilespmem:s14+$0xFFFFFE00]  }
0x173: {  	v21 =	vld [tilespmem:s14+$0xFFFFFDC0]  }
0x174: {  	v22 =	vld [tilespmem:s14+$0xFFFFFDE0]  }
0x175: {  	v23 =	vld [tilespmem:s14+$0xFFFFFCE0]  }
0x176: {  	v24 =	vld [tilespmem:s14+$0xFFFFFD60]  }
0x177: {  	v25 =	vld [tilespmem:s14+$0xFFFFFD80]  }
0x178: {  	v26 =	vld [tilespmem:s14+$0xFFFFFD00]  }
0x179: {  	v27 =	vld [tilespmem:s14+$0xFFFFFD40]  }
0x17a: {  	v28 =	vld [tilespmem:s14+$0xFFFFFD20]  }
0x17b: {  	v29 =	vld [tilespmem:s14+$0xFFFFFDA0]  }
0x17c: {  	v30 =	vld [tilespmem:s14+$0xFFFFFE80]  }
0x17d: {  	v23 =	vadd.f32 v24, v23;
	v24 =	vadd.f32 v25, v26;
	v25 =	vld [tilespmem:s14+$0xFFFFFE20]  }
0x17e: {  	v26 =	vld [tilespmem:s14+$0xFFFFFF00];
	v21 =	vadd.f32 v21, v27  }
0x17f: {  	v22 =	vadd.f32 v22, v23;
	v20 =	vadd.f32 v20, v24;
	v23 =	vld [tilespmem:s14+$0xFFFFFEA0]  }
0x180: {  	v27 =	vld [tilespmem:s14+$0xFFFFFF80];
	v24 =	vadd.f32 v29, v28;
	v18 =	vadd.f32 v18, v21  }
0x181: {  	v19 =	vadd.f32 v19, v22;
	v20 =	vadd.f32 v30, v20;
	v22 =	vld [tilespmem:s14+$0xFFFFFF20]  }
0x182: {  	v16 =	vadd.f32 v16, v18;
	v21 =	vadd.f32 v25, v24;
	v24 =	vld [tilespmem:s14+$0x0]  }
0x183: {  	v17 =	vadd.f32 v17, v19;
	v19 =	vadd.f32 v26, v20;
	v20 =	vld [tilespmem:s14+$0xFFFFFFA0]  }
0x184: {  	v14 =	vadd.f32 v14, v16;
	v18 =	vadd.f32 v23, v21;
	v21 =	vld [tilespmem:s14+$0x80]  }
0x185: {  	v15 =	vadd.f32 v15, v17;
	v17 =	vadd.f32 v27, v19;
	v19 =	vld [tilespmem:s14+$0x20]  }
0x186: {  	v12 =	vadd.f32 v12, v14;
	v16 =	vadd.f32 v22, v18;
	v18 =	vld [tilespmem:s14+$0x100]  }
0x187: {  	v13 =	vadd.f32 v13, v15;
	v15 =	vadd.f32 v24, v17;
	v17 =	vld [tilespmem:s14+$0xA0]  }
0x188: {  	v10 =	vadd.f32 v10, v12;
	v14 =	vadd.f32 v20, v16;
	v16 =	vld [tilespmem:s14+$0x180]  }
0x189: {  	v11 =	vadd.f32 v11, v13;
	v13 =	vadd.f32 v21, v15;
	v15 =	vld [tilespmem:s14+$0x120]  }
0x18a: {  	v8 =	vadd.f32 v8, v10;
	v12 =	vadd.f32 v19, v14;
	v14 =	vld [tilespmem:s14+$0x200]  }
0x18b: {  	v9 =	vadd.f32 v9, v11;
	v11 =	vadd.f32 v18, v13;
	v13 =	vld [tilespmem:s14+$0x1A0]  }
0x18c: {  	v6 =	vadd.f32 v6, v8;
	v10 =	vadd.f32 v17, v12;
	v12 =	vld [tilespmem:s14+$0x280]  }
0x18d: {  	v7 =	vadd.f32 v7, v9;
	v9 =	vadd.f32 v16, v11;
	v11 =	vld [tilespmem:s14+$0x220]  }
0x18e: {  	v4 =	vadd.f32 v4, v6;
	v8 =	vadd.f32 v15, v10;
	v10 =	vld [tilespmem:s14+$0x2E0]  }
0x18f: {  	v5 =	vadd.f32 v5, v7;
	v7 =	vadd.f32 v14, v9;
	v9 =	vld [tilespmem:s14+$0x2A0]  }
0x190: {  	v6 =	vadd.f32 v13, v8  }
0x191: {  	v2 =	vadd.f32 v2, v4;
	v3 =	vadd.f32 v3, v5  }
0x192: {  	v5 =	vadd.f32 v12, v7;
	v4 =	vadd.f32 v11, v6  }
0x193: {  	v0 =	vadd.f32 v0, v2;
	v3 =	vadd.f32 v10, v3  }
0x194: {  	v1 =	vadd.f32 v1, v5;
	v4 =	vadd.f32 v9, v4;
	_ =	sdelay $0x1  }
0x195: {  	v1 =	vadd.f32 v1, v3;
	v0 =	vadd.f32 v0, v4;
	_ =	sdelay $0x1  }
0x196: {  	v0 =	vadd.f32 v1, v0  }
0x197: {  	s17 =	simm.s32 $0x0  }
0x198: {  	[tilespmem:s17+$0x12E00] =	vst v0  }
0x199: {  	v3 =	vld [tilespmem:s14+$0x70]  }
0x19a: {  	v6 =	vld [tilespmem:s14+$0xFFFFFFF0]  }
0x19b: {  	v8 =	vld [tilespmem:s14+$0xFFFFFF70]  }
0x19c: {  	v1 =	vld [tilespmem:s14+$0x110]  }
0x19d: {  	v0 =	vld [tilespmem:s14+$0x170]  }
0x19e: {  	v10 =	vld [tilespmem:s14+$0xFFFFFF10]  }
0x19f: {  	v9 =	vld [tilespmem:s14+$0xFFFFFF50]  }
0x1a0: {  	v7 =	vld [tilespmem:s14+$0x10]  }
0x1a1: {  	v5 =	vld [tilespmem:s14+$0xF0]  }
0x1a2: {  	v2 =	vld [tilespmem:s14+$0x230]  }
0x1a3: {  	v11 =	vld [tilespmem:s14+$0xFFFFFFB0]  }
0x1a4: {  	v4 =	vld [tilespmem:s14+$0x190]  }
0x1a5: {  	v12 =	vld [tilespmem:s14+$0xFFFFFEF0]  }
0x1a6: {  	v16 =	vld [tilespmem:s14+$0xFFFFFE10]  }
0x1a7: {  	v20 =	vld [tilespmem:s14+$0xFFFFFE30]  }
0x1a8: {  	v13 =	vld [tilespmem:s14+$0xFFFFFE90]  }
0x1a9: {  	v15 =	vld [tilespmem:s14+$0xFFFFFE70]  }
0x1aa: {  	v18 =	vld [tilespmem:s14+$0xFFFFFDF0]  }
0x1ab: {  	v14 =	vld [tilespmem:s14+$0xFFFFFED0]  }
0x1ac: {  	v19 =	vld [tilespmem:s14+$0xFFFFFE50]  }
0x1ad: {  	v22 =	vld [tilespmem:s14+$0xFFFFFDD0]  }
0x1ae: {  	v21 =	vld [tilespmem:s14+$0xFFFFFD70]  }
0x1af: {  	v17 =	vld [tilespmem:s14+$0xFFFFFDB0]  }
0x1b0: {  	v24 =	vld [tilespmem:s14+$0xFFFFFD30]  }
0x1b1: {  	v26 =	vld [tilespmem:s14+$0xFFFFFD90]  }
0x1b2: {  	v27 =	vld [tilespmem:s14+$0xFFFFFD50]  }
0x1b3: {  	v28 =	vld [tilespmem:s14+$0xFFFFFD10]  }
0x1b4: {  	v25 =	vld [tilespmem:s14+$0xFFFFFCF0]  }
0x1b5: {  	v23 =	vld [tilespmem:s14+$0xFFFFFEB0]  }
0x1b6: {  	v29 =	vadd.f32 v17, v24;
	v17 =	vld [tilespmem:s14+$0xFFFFFF90]  }
0x1b7: {  	v24 =	vadd.f32 v22, v27;
	v22 =	vld [tilespmem:s14+$0xFFFFFF30]  }
0x1b8: {  	s13 =	sshll.u32 s13, $0x6;
	s15 =	simm.s32 $0x80;
	s16 =	simm.s32 $0xCB20;
	v27 =	vadd.f32 v26, v28;
	v26 =	vadd.f32 v20, v29;
	v20 =	vld [tilespmem:s14+$0xFFFFFFD0]  }
.LBB2_5:
0x1b9: {  	p0 =	sne.s32 s15, $0x780  }
0x1ba: {  	v21 =	vadd.f32 v21, v25;
	v25 =	vld [tilespmem:s14+$0x90];
	s16 =	sadd.s32 $0x640, s16;
	s18 =	smov.u32 s15;
	s15 =	sadd.s32 $0x80, s15  }
0x1bb: {  	v16 =	vadd.f32 v16, v27;
	v23 =	vadd.f32 v23, v26;
	v26 =	vld [tilespmem:s14+$0x50]  }
0x1bc: {  	v18 =	vadd.f32 v18, v21;
	v21 =	vld [tilespmem:s14+$0x30]  }
0x1bd: {  	v19 =	vadd.f32 v19, v24;
	v22 =	vadd.f32 v22, v23;
	v23 =	vld [tilespmem:s14+$0xD0]  }
0x1be: {  	v13 =	vadd.f32 v13, v16;
	v15 =	vadd.f32 v15, v18;
	v16 =	vld [tilespmem:s14+$0xB0]  }
0x1bf: {  	v14 =	vadd.f32 v14, v19;
	v11 =	vadd.f32 v11, v22;
	v18 =	vld [tilespmem:s14+$0x150]  }
0x1c0: {  	v10 =	vadd.f32 v10, v13;
	v12 =	vadd.f32 v12, v15;
	v13 =	vld [tilespmem:s14+$0x130]  }
0x1c1: {  	v9 =	vadd.f32 v9, v14;
	v11 =	vadd.f32 v21, v11;
	v14 =	vld [tilespmem:s14+$0x1D0]  }
0x1c2: {  	v10 =	vadd.f32 v17, v10;
	v8 =	vadd.f32 v8, v12;
	v12 =	vld [tilespmem:s14+$0x1B0]  }
0x1c3: {  	v9 =	vadd.f32 v20, v9;
	v11 =	vadd.f32 v16, v11;
	v15 =	vld [tilespmem:s14+$0x1F0]  }
0x1c4: {  	v7 =	vadd.f32 v7, v10;
	v6 =	vadd.f32 v6, v8;
	v8 =	vld [tilespmem:s14+$0x210]  }
0x1c5: {  	v9 =	vadd.f32 v26, v9;
	v10 =	vadd.f32 v13, v11;
	v11 =	vld [tilespmem:s14+$0x310]  }
0x1c6: {  	v3 =	vadd.f32 v3, v6;
	v6 =	vadd.f32 v25, v7;
	v7 =	vld [tilespmem:s14+$0x290]  }
0x1c7: {  	v9 =	vadd.f32 v23, v9;
	v10 =	vadd.f32 v12, v10;
	v12 =	vld [tilespmem:s14+$0x2B0]  }
0x1c8: {  	v3 =	vadd.f32 v5, v3;
	v1 =	vadd.f32 v1, v6;
	v5 =	vld [tilespmem:s14+$0x250]  }
0x1c9: {  	v6 =	vadd.f32 v18, v9;
	v2 =	vadd.f32 v2, v10;
	v9 =	vld [tilespmem:s14+$0x270]  }
0x1ca: {  	v0 =	vadd.f32 v0, v3;
	v1 =	vadd.f32 v4, v1;
	v3 =	vld [tilespmem:s14+$0x2D0]  }
0x1cb: {  	v4 =	vadd.f32 v14, v6;
	v6 =	vld [tilespmem:s14+$0x2F0];
	s14 =	smov.u32 s16  }
0x1cc: {  	v0 =	vadd.f32 v15, v0;
	v2 =	vadd.f32 v12, v2  }
0x1cd: {  	v1 =	vadd.f32 v8, v1;
	v4 =	vadd.f32 v5, v4  }
0x1ce: {  	v0 =	vadd.f32 v9, v0  }
0x1cf: {  	v1 =	vadd.f32 v7, v1;
	v3 =	vadd.f32 v3, v4  }
0x1d0: {  	v0 =	vadd.f32 v6, v0  }
0x1d1: {  	v1 =	vadd.f32 v11, v1;
	v2 =	vadd.f32 v3, v2;
	_ =	sdelay $0x1  }
0x1d2: {  	v0 =	vadd.f32 v1, v0;
	_ =	sdelay $0x1  }
0x1d3: {  	v0 =	vadd.f32 v0, v2;
	_ =	sdelay $0x1  }
0x1d4: {  	[tilespmem:s17+$0x12E10] =	vst v0;
	_ =	sdelay $0x1  }
0x1d5: {  	v0 =	vld [tilespmem:s16+$0x2C0]  }
0x1d6: {  	v1 =	vld [tilespmem:s16+$0x300]  }
0x1d7: {  	v2 =	vld [tilespmem:s16+$0x240]  }
0x1d8: {  	v3 =	vld [tilespmem:s16+$0x260]  }
0x1d9: {  	v4 =	vld [tilespmem:s16+$0x1C0]  }
0x1da: {  	v5 =	vld [tilespmem:s16+$0x1E0]  }
0x1db: {  	v6 =	vld [tilespmem:s16+$0x140]  }
0x1dc: {  	v7 =	vld [tilespmem:s16+$0x160]  }
0x1dd: {  	v8 =	vld [tilespmem:s16+$0xC0]  }
0x1de: {  	v9 =	vld [tilespmem:s16+$0xE0]  }
0x1df: {  	v10 =	vld [tilespmem:s16+$0x40]  }
0x1e0: {  	v11 =	vld [tilespmem:s16+$0x60]  }
0x1e1: {  	v12 =	vld [tilespmem:s16+$0xFFFFFFC0]  }
0x1e2: {  	v13 =	vld [tilespmem:s16+$0xFFFFFFE0]  }
0x1e3: {  	v14 =	vld [tilespmem:s16+$0xFFFFFF40]  }
0x1e4: {  	v15 =	vld [tilespmem:s16+$0xFFFFFF60]  }
0x1e5: {  	v16 =	vld [tilespmem:s16+$0xFFFFFEC0]  }
0x1e6: {  	v17 =	vld [tilespmem:s16+$0xFFFFFEE0]  }
0x1e7: {  	v18 =	vld [tilespmem:s16+$0xFFFFFE40]  }
0x1e8: {  	v19 =	vld [tilespmem:s16+$0xFFFFFE60]  }
0x1e9: {  	v20 =	vld [tilespmem:s16+$0xFFFFFE00]  }
0x1ea: {  	v21 =	vld [tilespmem:s16+$0xFFFFFDC0]  }
0x1eb: {  	v22 =	vld [tilespmem:s16+$0xFFFFFDE0]  }
0x1ec: {  	v23 =	vld [tilespmem:s16+$0xFFFFFCE0]  }
0x1ed: {  	v24 =	vld [tilespmem:s16+$0xFFFFFD60]  }
0x1ee: {  	v25 =	vld [tilespmem:s16+$0xFFFFFD80]  }
0x1ef: {  	v26 =	vld [tilespmem:s16+$0xFFFFFD00]  }
0x1f0: {  	v27 =	vld [tilespmem:s16+$0xFFFFFD40]  }
0x1f1: {  	v28 =	vld [tilespmem:s16+$0xFFFFFD20]  }
0x1f2: {  	v23 =	vadd.f32 v24, v23;
	v24 =	vld [tilespmem:s16+$0xFFFFFDA0]  }
0x1f3: {  	v29 =	vld [tilespmem:s16+$0xFFFFFE80]  }
0x1f4: {  	v25 =	vadd.f32 v25, v26;
	v22 =	vadd.f32 v22, v23;
	v23 =	vld [tilespmem:s16+$0xFFFFFE20]  }
0x1f5: {  	v21 =	vadd.f32 v21, v27;
	v26 =	vld [tilespmem:s16+$0xFFFFFF00]  }
0x1f6: {  	v20 =	vadd.f32 v20, v25;
	v19 =	vadd.f32 v19, v22;
	v22 =	vld [tilespmem:s16+$0xFFFFFEA0]  }
0x1f7: {  	v24 =	vadd.f32 v24, v28;
	v18 =	vadd.f32 v18, v21;
	v21 =	vld [tilespmem:s16+$0xFFFFFF80]  }
0x1f8: {  	v20 =	vadd.f32 v29, v20;
	v17 =	vadd.f32 v17, v19;
	v19 =	vld [tilespmem:s16+$0xFFFFFF20]  }
0x1f9: {  	v23 =	vadd.f32 v23, v24;
	v16 =	vadd.f32 v16, v18;
	v18 =	vld [tilespmem:s16+$0x0]  }
0x1fa: {  	v20 =	vadd.f32 v26, v20;
	v15 =	vadd.f32 v15, v17;
	v17 =	vld [tilespmem:s16+$0xFFFFFFA0]  }
0x1fb: {  	v22 =	vadd.f32 v22, v23;
	v14 =	vadd.f32 v14, v16;
	v16 =	vld [tilespmem:s16+$0x80]  }
0x1fc: {  	v20 =	vadd.f32 v21, v20;
	v13 =	vadd.f32 v13, v15;
	v15 =	vld [tilespmem:s16+$0x20]  }
0x1fd: {  	v19 =	vadd.f32 v19, v22;
	v12 =	vadd.f32 v12, v14;
	v14 =	vld [tilespmem:s16+$0x100]  }
0x1fe: {  	v18 =	vadd.f32 v18, v20;
	v11 =	vadd.f32 v11, v13;
	v13 =	vld [tilespmem:s16+$0xA0]  }
0x1ff: {  	v17 =	vadd.f32 v17, v19;
	v10 =	vadd.f32 v10, v12;
	v12 =	vld [tilespmem:s16+$0x180]  }
0x200: {  	v16 =	vadd.f32 v16, v18;
	v9 =	vadd.f32 v9, v11;
	v11 =	vld [tilespmem:s16+$0x120]  }
0x201: {  	v15 =	vadd.f32 v15, v17;
	v8 =	vadd.f32 v8, v10;
	v10 =	vld [tilespmem:s16+$0x200]  }
0x202: {  	v14 =	vadd.f32 v14, v16;
	v7 =	vadd.f32 v7, v9;
	v9 =	vld [tilespmem:s16+$0x1A0]  }
0x203: {  	v13 =	vadd.f32 v13, v15;
	v6 =	vadd.f32 v6, v8;
	v8 =	vld [tilespmem:s16+$0x280]  }
0x204: {  	v12 =	vadd.f32 v12, v14;
	v5 =	vadd.f32 v5, v7;
	v7 =	vld [tilespmem:s16+$0x220]  }
0x205: {  	v11 =	vadd.f32 v11, v13;
	v4 =	vadd.f32 v4, v6;
	v6 =	vld [tilespmem:s16+$0x2E0]  }
0x206: {  	v10 =	vadd.f32 v10, v12;
	v3 =	vadd.f32 v3, v5;
	v5 =	vld [tilespmem:s16+$0x2A0]  }
0x207: {  	v9 =	vadd.f32 v9, v11;
	v2 =	vadd.f32 v2, v4  }
0x208: {  	v4 =	vadd.f32 v8, v10  }
0x209: {  	v7 =	vadd.f32 v7, v9  }
0x20a: {  	v3 =	vadd.f32 v6, v3;
	v1 =	vadd.f32 v1, v4  }
0x20b: {  	v0 =	vadd.f32 v0, v2;
	v4 =	vadd.f32 v5, v7  }
0x20c: {  	v1 =	vadd.f32 v1, v3  }
0x20d: {  	v0 =	vadd.f32 v0, v4;
	_ =	sdelay $0x1  }
0x20e: {  	v0 =	vadd.f32 v1, v0  }
0x20f: {  	s17 =	sshra.s32 s18, $0x2  }
0x210: {  	[tilespmem:s17+$0x12E00] =	vst v0  }
0x211: {  	v3 =	vld [tilespmem:s16+$0x70]  }
0x212: {  	v6 =	vld [tilespmem:s16+$0xFFFFFFF0]  }
0x213: {  	v8 =	vld [tilespmem:s16+$0xFFFFFF70]  }
0x214: {  	v1 =	vld [tilespmem:s16+$0x110]  }
0x215: {  	v0 =	vld [tilespmem:s16+$0x170]  }
0x216: {  	v10 =	vld [tilespmem:s16+$0xFFFFFF10]  }
0x217: {  	v9 =	vld [tilespmem:s16+$0xFFFFFF50]  }
0x218: {  	v7 =	vld [tilespmem:s16+$0x10]  }
0x219: {  	v5 =	vld [tilespmem:s16+$0xF0]  }
0x21a: {  	v2 =	vld [tilespmem:s16+$0x230]  }
0x21b: {  	v11 =	vld [tilespmem:s16+$0xFFFFFFB0]  }
0x21c: {  	v4 =	vld [tilespmem:s16+$0x190]  }
0x21d: {  	v12 =	vld [tilespmem:s16+$0xFFFFFEF0]  }
0x21e: {  	v16 =	vld [tilespmem:s16+$0xFFFFFE10]  }
0x21f: {  	v20 =	vld [tilespmem:s16+$0xFFFFFE30]  }
0x220: {  	v13 =	vld [tilespmem:s16+$0xFFFFFE90]  }
0x221: {  	v15 =	vld [tilespmem:s16+$0xFFFFFE70]  }
0x222: {  	v18 =	vld [tilespmem:s16+$0xFFFFFDF0]  }
0x223: {  	v14 =	vld [tilespmem:s16+$0xFFFFFED0]  }
0x224: {  	v19 =	vld [tilespmem:s16+$0xFFFFFE50]  }
0x225: {  	v22 =	vld [tilespmem:s16+$0xFFFFFDD0]  }
0x226: {  	v21 =	vld [tilespmem:s16+$0xFFFFFD70]  }
0x227: {  	v17 =	vld [tilespmem:s16+$0xFFFFFDB0]  }
0x228: {  	v23 =	vld [tilespmem:s16+$0xFFFFFD30]  }
0x229: {  	v26 =	vld [tilespmem:s16+$0xFFFFFD90]  }
0x22a: {  	v24 =	vld [tilespmem:s16+$0xFFFFFD50]  }
0x22b: {  	v27 =	vld [tilespmem:s16+$0xFFFFFD10]  }
.Ltmp1:
0x22c: {  	v25 =	vld [tilespmem:s16+$0xFFFFFCF0];
	(pc) =	sbr.rel @p0 .LBB2_5-.Ltmp1, $4  }
0x22d: {  	v28 =	vadd.f32 v17, v23;
	v23 =	vld [tilespmem:s16+$0xFFFFFEB0]  }
0x22e: {  	v17 =	vld [tilespmem:s16+$0xFFFFFF90]  }
0x22f: {  	v24 =	vadd.f32 v22, v24;
	v22 =	vld [tilespmem:s16+$0xFFFFFF30]  }
0x230: {  	v27 =	vadd.f32 v26, v27;
	v26 =	vadd.f32 v20, v28;
	v20 =	vld [tilespmem:s16+$0xFFFFFFD0]  }
0x231: {  	v21 =	vadd.f32 v21, v25;
	v39 =	vld [tilespmem:s14+$0x90]  }
0x232: {  	v28 =	vld [tilespmem:s14+$0x50]  }
0x233: {  	v40 =	vld [tilespmem:s14+$0x30];
	v16 =	vadd.f32 v16, v27;
	v18 =	vadd.f32 v18, v21  }
0x234: {  	v19 =	vadd.f32 v19, v24;
	v41 =	vld [tilespmem:s14+$0xD0]  }
0x235: {  	v42 =	vld [tilespmem:s14+$0xB0];
	v13 =	vadd.f32 v13, v16;
	v15 =	vadd.f32 v15, v18  }
0x236: {  	v44 =	vld [tilespmem:s14+$0x150];
	v43 =	vadd.f32 v23, v26;
	v14 =	vadd.f32 v14, v19  }
0x237: {  	v45 =	vld [tilespmem:s14+$0x130];
	v10 =	vadd.f32 v10, v13;
	v12 =	vadd.f32 v12, v15  }
0x238: {  	v47 =	vld [tilespmem:s14+$0x1D0];
	v46 =	vadd.f32 v22, v43;
	v9 =	vadd.f32 v9, v14  }
0x239: {  	v48 =	vld [tilespmem:s14+$0x1B0];
	v10 =	vadd.f32 v17, v10;
	v8 =	vadd.f32 v8, v12  }
0x23a: {  	v49 =	vld [tilespmem:s14+$0x1F0];
	v11 =	vadd.f32 v11, v46;
	v9 =	vadd.f32 v20, v9  }
0x23b: {  	v50 =	vld [tilespmem:s14+$0x210];
	v7 =	vadd.f32 v7, v10;
	v6 =	vadd.f32 v6, v8  }
0x23c: {  	v52 =	vld [tilespmem:s14+$0x310];
	v51 =	vadd.f32 v40, v11;
	v9 =	vadd.f32 v28, v9  }
0x23d: {  	v54 =	vld [tilespmem:s14+$0x290];
	v53 =	vadd.f32 v39, v7;
	v3 =	vadd.f32 v3, v6  }
0x23e: {  	v55 =	vld [tilespmem:s14+$0x2B0];
	v10 =	vadd.f32 v42, v51;
	v9 =	vadd.f32 v41, v9  }
0x23f: {  	v56 =	vld [tilespmem:s14+$0x250];
	v1 =	vadd.f32 v1, v53;
	v3 =	vadd.f32 v5, v3  }
0x240: {  	v58 =	vld [tilespmem:s14+$0x270];
	v57 =	vadd.f32 v45, v10;
	v9 =	vadd.f32 v44, v9  }
0x241: {  	v59 =	vld [tilespmem:s14+$0x2D0];
	v1 =	vadd.f32 v4, v1;
	v0 =	vadd.f32 v0, v3  }
0x242: {  	v62 =	vld [tilespmem:s14+$0x2F0];
	v60 =	vadd.f32 v48, v57;
	v61 =	vadd.f32 v47, v9  }
0x243: {  	v1 =	vadd.f32 v50, v1;
	v0 =	vadd.f32 v49, v0  }
0x244: {  	v2 =	vadd.f32 v2, v60;
	v63 =	vadd.f32 v56, v61  }
0x245: {  	v1 =	vadd.f32 v54, v1;
	v0 =	vadd.f32 v58, v0  }
0x246: {  	v2 =	vadd.f32 v55, v2;
	v3 =	vadd.f32 v59, v63  }
0x247: {  	v1 =	vadd.f32 v52, v1;
	v0 =	vadd.f32 v62, v0  }
0x248: {  	s12 =	sadd.s32 $0x1, s12  }
0x249: {  	p0 =	sne.s32 s12, $0x10;
	v2 =	vadd.f32 v3, v2;
	v0 =	vadd.f32 v1, v0  }
.Ltmp2:
0x24a: {  	_ = 	snop;
	(pc) =	sbr.rel @p0 .LBB2_2-.Ltmp2, $3  }
0x24b: {  	v0 =	vadd.f32 v0, v2;
	_ =	sdelay $0x1  }
0x24c: {  	s13 =	sadd.s32 s13, s5;
	[tilespmem:s17+$0x12E10] =	vst v0  }
0x24d: {  	[hbm4b:s13+s2] =	stream.linear.scatter [tilespmem:s1], [sflag:$0x4], $0x200, $0x38;
	[tilespmem:$0x13000] =	vst v63  }
0x24e: {  	s11 =	sadd.s32 $0x1, s11  }
0x24f: {  	_ =	swait.ge [sflag:s9], $0x200;
	p0 =	sne.s32 s11, s6  }
.Ltmp3:
0x250: {  	[sflag:s9] =	ssyncset.done $0x0;
	(pc) =	sbr.rel @p0 .LBB2_1-.Ltmp3, $4  }
0x251: {  	[sflag:s9] =	ssyncadd.s32 $0xFFFFFE00  }
0x252: {  	_ =	swait.ge [sflag:s10], $0x200  }
0x253: {  	[sflag:s10] =	ssyncset.done $0x0  }
0x254: {  	[sflag:s10] =	ssyncadd.s32 $0xFFFFFE00  }
0x255: {  	_ =	sfence.sel $0x180000  }
0x256: {  	[bflag:$0x0] =	sbarrier.arrive $0xFFFF  }
0x257: {  	_ =	strace $0x90000047  }
0x258: {  	s0 =	stileid.u32;
	[bflag:$0x2] =	sbarrier.arrive $0xFFFF  }
0x259: {  	p0 =	sne.s32 s0, $0x0;
	s0 =	rddreg [dreg:$0x2]  }
0x25a: {  	s0 =	sadd.s32 @!p0 $0x100000, s0  }
0x25b: {  	[sflag:s0] =	ssyncadd.tile.s32 @!p0 $0x1;
	_ =	shalt  }
.Lfunc_end2:
_tile_overlayer_lowered:
.L_overlay_start_2:
0x25c: {  	(tag) =	ssettag $0x2  }
0x25d: {  	s0 =	rddreg [dreg:$0x0];
	s2 =	stileid.u32  }
0x25e: {  	s1 =	rddreg [dreg:$0x1];
	p0 =	sne.s32 s2, $0x0  }
0x25f: {  	s3 =	rddreg [dreg:$0x2];
	[bflag:$0x3] =	sbarrier.arrive $0xFFFF;
	s2 =	simm.s32 @!p0 $0x1C05  }
0x260: {  	[timem:s3], [sflag:s2] =	dma.local @!p0 [hbm:s0], s1  }
0x261: {  	s0 =	simm.s32 @!p0 $0x5  }
0x262: {  	_ =	swait.ge @!p0 [sflag:s0], s1  }
0x263: {  	s1 =	ssub.s32 @!p0 $0x0, s1;
	[sflag:s0] =	ssyncset.done @!p0 $0x0  }
0x264: {  	[sflag:s0] =	ssyncadd.s32 @!p0 s1  }
0x265: {  	[bflag:$0x3] =	sbarrier.arrive $0xFFFF  }
0x266: {  	_ =	shalt  }

// kernel: kernel.7.cloned.1.call-start
scs
__scs_entry_jumppad:
0x0: {  	(pc) =	sbr.rel $0x88, $3  }
0x1: {  	(tag) =	ssettag $0x0;
	lr =	simm.s32 $0x1  }
0x2: {  	[smem:$0x3F9A] =	sst lr;
	_ =	strace $0xD0000000  }
0x3: {  	_ = 	snop  }
0x4: {  	_ = 	snop  }
0x5: {  	_ = 	snop  }
0x6: {  	_ = 	snop  }
0x7: {  	_ = 	snop  }
__scs_overlays_trampoline_lowered:
0x8: {  	[smem:$0x3FA9] =	sst s0  }
0x9: {  	[smem:$0x3FAA] =	sst s1  }
0xa: {  	[smem:$0x3FAB] =	sst s2  }
0xb: {  	[smem:$0x3FAC] =	sst s3  }
0xc: {  	[smem:$0x3FAD] =	sst s4  }
0xd: {  	[smem:$0x3FAE] =	sst s5  }
0xe: {  	[smem:$0x3FAF] =	sst s6  }
0xf: {  	[smem:$0x3FB0] =	sst s7  }
0x10: {  	[smem:$0x3FB1] =	sst s8  }
0x11: {  	[smem:$0x3FB2] =	sst s9;
	s0 =	simm.s32 @!p0 $0x0  }
0x12: {  	s1 =	sld [smem:$0x3F98];
	s0 =	simm.s32 @p0 $0x1  }
0x13: {  	[smem:$0x3FB3] =	sst s0;
	s0 =	simm.s32 @!p1 $0x0  }
0x14: {  	s2 =	sld [smem:$0x3F97];
	s0 =	simm.s32 @p1 $0x1  }
0x15: {  	[smem:$0x3FB4] =	sst s0;
	s0 =	simm.s32 @!p2 $0x0  }
0x16: {  	s3 =	sld [smem:$0x3FDB];
	s0 =	simm.s32 @p2 $0x1  }
0x17: {  	s4 =	simm.s32 $0x1BF5;
	[smem:$0x3FB6] =	sst s0  }
0x18: {  	s0 =	sld [smem:$0x3F99];
	_ =	swait.ge [sflag:s4], $0x0  }
0x19: {  	s7 =	sld [smem:$0x3F9A]  }
0x1a: {  	s8 =	sadd.s32 $0xFFFFE003, lr  }
0x1b: {  	s9 =	sadd.s32 $0xFFFFFEF7, lr;
	s5 =	simm.s32 $0xFFFFFFFF;
	p2 =	slt.u32 s8, $0xFFFFF086  }
0x1c: {  	p1 =	slt.u32 s9, $0xF7A;
	s5 =	simm.s32 @!p2 $0x0  }
0x1d: {  	s5 =	simm.s32 @p1 $0x1;
	p0 =	seq.s32 s7, s2  }
0x1e: {  	s7 =	smul.u32 @!p0 $0xF7A, s2;
	p2 =	seq.s32 @!p0 s5, $0x0  }
0x1f: {  	s9 =	smul.u32 $0xF7A, s1;
	s8 =	simm.s32 @!p0 $0x1BF5;
	p2 =	por !p2, p0  }
0x20: {  	[sflag:s8] =	ssyncset.s32 @!p0 $0xFFFFF086;
	s6 =	sadd.s32 @!p0 s3, s7;
	s7 =	simm.s32 @!p0 $0x108  }
0x21: {  	s3 =	sadd.s32 s3, s9;
	s6 =	sadd.s32 @!p0 $0x88, s6;
	s7 =	simm.s32 @p2 $0x1082  }
0x22: {  	[simem:s7], [sflag:s8] =	dma.local @!p0 [hbm:s6], $0xF7A  }
0x23: {  	s9 =	sor.u32 $0xD0000000, s2;
	s6 =	simm.s32 $0x108;
	_ =	swait.ge @!p0 [sflag:s8], $0x0  }
0x24: {  	s3 =	sadd.s32 $0x88, s3;
	s6 =	simm.s32 @!p1 $0x1082;
	[sflag:s4] =	ssyncset.s32 $0xFFFFF086  }
0x25: {  	[simem:s6], [sflag:s4] =	dma.local [hbm:s3], $0xF7A  }
0x26: {  	[smem:$0x3F9A] =	sst s1;
	(tag) =	ssettag s2;
	_ =	strace s9  }
0x27: {  	s1 =	sld [smem:$0x3FAA]  }
0x28: {  	s2 =	sld [smem:$0x3FAB]  }
0x29: {  	s4 =	sld [smem:$0x3FAD]  }
0x2a: {  	p0 =	seq.s32 s5, $0x0;
	s5 =	sld [smem:$0x3FAE]  }
0x2b: {  	s6 =	sld [smem:$0x3FAF]  }
0x2c: {  	s7 =	sld [smem:$0x3FB0]  }
0x2d: {  	s3 =	simm.s32 $0x108;
	s8 =	sld [smem:$0x3FB1]  }
0x2e: {  	s3 =	simm.s32 @!p0 $0x1082;
	s9 =	sld [smem:$0x3FB2]  }
0x2f: {  	lr =	sadd.s32 s0, s3;
	s0 =	sld [smem:$0x3FA9]  }
0x30: {  	s3 =	sld [smem:$0x3FAC]  }
0x31: {  	[smem:$0x3FB5] =	sst s10  }
0x32: {  	s10 =	sld [smem:$0x3FB3];
	_ =	sdelay $0x3  }
0x33: {  	p0 =	seq.s32 s10, $0x1;
	s10 =	sld [smem:$0x3FB5];
	_ =	sdelay $0x3  }
0x34: {  	[smem:$0x3FB5] =	sst s10  }
0x35: {  	s10 =	sld [smem:$0x3FB4];
	_ =	sdelay $0x3  }
0x36: {  	p1 =	seq.s32 s10, $0x1;
	s10 =	sld [smem:$0x3FB5];
	_ =	sdelay $0x3  }
0x37: {  	[smem:$0x3FB5] =	sst s10  }
0x38: {  	s10 =	sld [smem:$0x3FB6]  }
0x39: {  	_ = 	snop;
	(pc) =	sbr.ind lr, $3  }
0x3a: {  	_ = 	snop  }
0x3b: {  	_ = 	snop  }
0x3c: {  	p2 =	seq.s32 s10, $0x1;
	s10 =	sld [smem:$0x3FB5]  }
0x3d: {  	_ =	shalt  }
0x3e: {  	_ =	shalt  }
0x3f: {  	_ =	shalt  }
0x40: {  	_ =	shalt  }
0x41: {  	_ =	shalt  }
0x42: {  	_ =	shalt  }
0x43: {  	_ =	shalt  }
0x44: {  	_ =	shalt  }
0x45: {  	_ =	shalt  }
0x46: {  	_ =	shalt  }
0x47: {  	_ =	shalt  }
0x48: {  	_ =	shalt  }
0x49: {  	_ =	shalt  }
0x4a: {  	_ =	shalt  }
0x4b: {  	_ =	shalt  }
0x4c: {  	_ =	shalt  }
0x4d: {  	_ =	shalt  }
0x4e: {  	_ =	shalt  }
0x4f: {  	_ =	shalt  }
0x50: {  	_ =	shalt  }
0x51: {  	_ =	shalt  }
0x52: {  	_ =	shalt  }
0x53: {  	_ =	shalt  }
0x54: {  	_ =	shalt  }
0x55: {  	_ =	shalt  }
0x56: {  	_ =	shalt  }
0x57: {  	_ =	shalt  }
0x58: {  	_ =	shalt  }
0x59: {  	_ =	shalt  }
0x5a: {  	_ =	shalt  }
0x5b: {  	_ =	shalt  }
0x5c: {  	_ =	shalt  }
0x5d: {  	_ =	shalt  }
0x5e: {  	_ =	shalt  }
0x5f: {  	_ =	shalt  }
0x60: {  	_ =	shalt  }
0x61: {  	_ =	shalt  }
0x62: {  	_ =	shalt  }
0x63: {  	_ =	shalt  }
0x64: {  	_ =	shalt  }
0x65: {  	_ =	shalt  }
0x66: {  	_ =	shalt  }
0x67: {  	_ =	shalt  }
0x68: {  	_ =	shalt  }
0x69: {  	_ =	shalt  }
0x6a: {  	_ =	shalt  }
0x6b: {  	_ =	shalt  }
0x6c: {  	_ =	shalt  }
0x6d: {  	_ =	shalt  }
0x6e: {  	_ =	shalt  }
0x6f: {  	_ =	shalt  }
0x70: {  	_ =	shalt  }
0x71: {  	_ =	shalt  }
0x72: {  	_ =	shalt  }
0x73: {  	_ =	shalt  }
0x74: {  	_ =	shalt  }
0x75: {  	_ =	shalt  }
0x76: {  	_ =	shalt  }
0x77: {  	_ =	shalt  }
0x78: {  	_ =	shalt  }
0x79: {  	_ =	shalt  }
0x7a: {  	_ =	shalt  }
0x7b: {  	_ =	shalt  }
0x7c: {  	_ =	shalt  }
0x7d: {  	_ =	shalt  }
0x7e: {  	_ =	shalt  }
0x7f: {  	_ =	shalt  }
0x80: {  	_ =	shalt  }
0x81: {  	_ =	shalt  }
0x82: {  	_ =	shalt  }
0x83: {  	_ =	shalt  }
0x84: {  	_ =	shalt  }
0x85: {  	_ =	shalt  }
0x86: {  	_ =	shalt  }
0x87: {  	_ =	shalt  }
.Lfunc_end0:
.L_simem_size_0:
called_computation.1_lowered:
.L_overlay_start_0:
0x88: {  	s2 =	sld [smem:$0x3FD9]  }
0x89: {  	s3 =	sld [smem:$0x3FFE];
	_ =	sdelay $0x1  }
0x8a: {  	s1 =	srdreg.scid  }
0x8b: {  	s0 =	sand.u32 $0x1, s1  }
0x8c: {  	s17 =	sshll.u32 s0, $0xA;
	s2 =	sadd.s32 s3, s2  }
0x8d: {  	s2 =	sadd.s32 s2, s17  }
0x8e: {  	[smem:$0x3FC1] =	sst s2  }
0x8f: {  	_ = 	snop  }
0x90: {  	s2 =	sld [smem:$0x3FC9]  }
0x91: {  	s18 =	sld [smem:$0x3FC8]  }
0x92: {  	s4 =	sld [smem:$0x3FC6]  }
0x93: {  	s5 =	sld [smem:$0x3FD0];
	(tm) =	ssettm $0x1  }
0x94: {  	s6 =	sld [smem:$0x3FFB];
	_ =	sdelay $0x3  }
0x95: {  	_ =	strace s6  }
0x96: {  	s6 =	sld [smem:$0x3FFC];
	_ =	sdelay $0x3  }
0x97: {  	_ =	strace s6  }
0x98: {  	s6 =	sld [smem:$0x3FFD];
	_ =	sdelay $0x3  }
0x99: {  	_ =	strace s6  }
0x9a: {  	_ =	strace $0x8FFFFFFF  }
0x9b: {  	s19 =	sld [smem:$0x3FDB];
	_ =	sdelay $0x1  }
0x9c: {  	s7 =	simm.s32 $_scs_section_size  }
0x9d: {  	s8 =	simm.s32 $_size__tile_overlayer_lowered;
	s9 =	simm.s32 $_tile_overlayer_lowered  }
0x9e: {  	s22 =	simm.s32 $0x1BFF;
	s21 =	sshll.u32 s9, $0x1;
	s6 =	sadd.s32 s7, s19  }
0x9f: {  	s10 =	simm.s32 $0x0;
	s20 =	sshll.u32 s8, $0x1;
	s8 =	sadd.s32 s21, s6  }
0xa0: {  	[timem:s10], [sflag:s22] =	dma.local [hbm:s8], s20  }
0xa1: {  	_ =	swait.ge [sflag:s22], s20  }
0xa2: {  	s7 =	ssub.s32 $0x0, s20;
	[sflag:s22] =	ssyncset.done $0x0  }
0xa3: {  	[sflag:s22] =	ssyncadd.s32 s7;
	_ =	sdelay $0x1  }
0xa4: {  	s23 =	simm.s32 $0x1B8B  }
0xa5: {  	_ =	swait.ge [sflag:s23], $0x1  }
0xa6: {  	[sflag:s23] =	ssyncset.done $0x0  }
0xa7: {  	s25 =	simm.s32 $0x1B8E;
	s24 =	sld [smem:$0x3FFE];
	[sflag:s23] =	ssyncadd.s32 $0xFFFFFFFF  }
0xa8: {  	s26 =	simm.s32 $execute0_lowered;
	[smem:$0x3FD2] =	sst s25  }
0xa9: {  	s8 =	sshll.u32 s26, $0x1;
	_ =	strace $0x80000049;
	[dreg:$0x1] =	wrdreg $0xFFFFFFFF  }
0xaa: {  	s28 =	simm.s32 $_size_execute0_lowered;
	s6 =	sadd.s32 s6, s8;
	[dreg:$0x0] =	wrdreg $0x0  }
0xab: {  	s8 =	sshll.u32 s28, $0x1;
	[dreg:$0x2] =	wrdreg s6  }
0xac: {  	[dreg:$0x3] =	wrdreg s8  }
0xad: {  	[dreg:$0x4] =	wrdreg $0xC0  }
0xae: {  	_ =	task [dreg:s10], $0x5FFFF  }
0xaf: {  	[dreg:$0x1] =	wrdreg $0xFFFFFFFF  }
0xb0: {  	[dreg:$0x0] =	wrdreg $0x60  }
0xb1: {  	[dreg:$0x2] =	wrdreg s2  }
0xb2: {  	[dreg:$0x3] =	wrdreg s18  }
0xb3: {  	[dreg:$0x4] =	wrdreg s4  }
0xb4: {  	[dreg:$0x5] =	wrdreg s24  }
0xb5: {  	[dreg:$0x6] =	wrdreg s5  }
0xb6: {  	[dreg:$0x7] =	wrdreg $0x9  }
0xb7: {  	_ =	task.clear_ibuf [dreg:s10], $0x8FFFF;
	_ =	strace $0x90000049  }
0xb8: {  	s29 =	simm.s32 $0x9;
	_ =	strace $0x8000004B  }
0xb9: {  	_ =	swait.ge [sflag:s29], $0x1  }
0xba: {  	[sflag:s29] =	ssyncadd.s32 $0xFFFFFFFF  }
0xbb: {  	_ =	strace $0x9000004B  }
0xbc: {  	_ =	sfence  }
0xbd: {  	s30 =	sld [smem:$0x0];
	_ =	sdelay $0x2  }
0xbe: {  	s31 =	sshll.u32 s1, $0xD;
	s1 =	sshrl.u32 s1, $0x2  }
0xbf: {  	s3 =	sand.u32 $0x4000, s31;
	s1 =	sadd.s32 s1, s30  }
0xc0: {  	s0 =	sor.u32 s3, s0;
	s1 =	sshll.u32 s1, $0x11  }
0xc1: {  	s0 =	sor.u32 s1, s0  }
0xc2: {  	s0 =	sadd.s32 $0x8F2B, s0  }
0xc3: {  	[sflag:s0] =	ssyncadd.remote.s32 $0x1  }
0xc4: {  	_ =	sfence.sel $0xFFFF  }
0xc5: {  	[dreg:$0x0] =	wrdreg $0xFFFFFFFF;
	(pc) =	sbr.abs _section_cstart, $3  }
0xc6: {  	[dreg:$0x1] =	wrdreg $0xFFFFFFFF  }
0xc7: {  	_ =	task.clear_ibuf [dreg:s10], $0x2FFFF;
	_ =	strace $0x9FFFFFFF  }
0xc8: {  	(tm) =	ssettm $0x7FFFFFFF  }
0xc9: {  	_ =	shalt  }
tec
execute0_lowered:
.L_overlay_start_1:
0x0: {  	(tag) =	ssettag $0x1  }
0x1: {  	s0 =	rddreg [dreg:$0x0]  }
0x2: {  	s2 =	rddreg [dreg:$0x1]  }
0x3: {  	s10 =	rddreg [dreg:$0x2]  }
0x4: {  	s7 =	rddreg [dreg:$0x3]  }
0x5: {  	s1 =	rddreg [dreg:$0x4];
	s3 =	simm.s32 $0x0  }
0x6: {  	s4 =	srdreg.scid;
	s6 =	stileid.u32;
	s13 =	simm.s32 $0x200  }
0x7: {  	s15 =	simm.s32 $0x1;
	s16 =	simm.s32 $0x10;
	s20 =	simm.s32 $0x800  }
0x8: {  	s21 =	simm.s32 $0xC00;
	s22 =	simm.s32 $0x1000;
	s23 =	simm.s32 $0x1200  }
0x9: {  	s24 =	simm.s32 $0x2;
	s25 =	simm.s32 $0x1880;
	s26 =	simm.s32 $0x3  }
0xa: {  	s28 =	simm.s32 $0x4;
	s29 =	simm.s32 $0x0;
	[smem:$0x7FF] =	sst s3  }
0xb: {  	s5 =	sand.u32 $0x1, s4;
	s6 =	sshll.u32 s6, $0xA;
	s4 =	sadd.s32 $0x2A00, s7  }
0xc: {  	_ =	strace $0x8000004A;
	s8 =	sshll.u32 s5, $0x9;
	s9 =	ssub.s32 $0x2, s5  }
0xd: {  	v0 =	vlaneseq.u32;
	s5 =	sor.u32 s8, s6;
	s6 =	sadd.s32 $0x74600, s7;
	s30 =	sshrl.u32 s9, $0x1  }
0xe: {  	v0 =	vmul.u32 $0x68, v0;
	s7 =	sadd.s32 $0x12A00, s7;
	s11 =	sshrl.u32 s5, $0x3;
	s12 =	ssub.s32 s9, s30  }
0xf: {  	s31 =	sshll.u32 s5, $0x2;
	s8 =	sadd.s32 s0, s11;
	s9 =	sadd.s32 s2, s11  }
0x10: {  	v0 =	vadd.s32 $0x60, v0;
	s10 =	sadd.s32 s10, s11;
	s11 =	sadd.s32 s4, s31;
	s12 =	smax.u32 s12, $0x1  }
.LBB2_1:
0x11: {  	[tilespmem:s3], [sflag:$0x1] =	stream.linear.gather [hbm4b:s8+s3], $0x200, $0x38;
	[tilespmem:$0x1F00] =	vst v63  }
0x12: {  	_ = 	snop  }
0x13: {  	[tilespmem:s13], [sflag:$0x1] =	stream.linear.gather [hbm4b:s9+s3], $0x200, $0x38;
	[tilespmem:$0x1F00] =	vst v63  }
0x14: {  	s0 =	simm.s32 $0x400  }
0x15: {  	[tilespmem:s0], [sflag:$0x1] =	stream.linear.gather [hbm4b:s10+s3], $0x200, $0x38;
	[tilespmem:$0x1F00] =	vst v63  }
0x16: {  	_ =	swait.ge [sflag:s15], $0x200  }
0x17: {  	[sflag:s15] =	ssyncset.done $0x0  }
0x18: {  	[sflag:s15] =	ssyncadd.s32 $0xFFFFFE00  }
0x19: {  	_ =	swait.ge [sflag:s15], $0x200  }
0x1a: {  	[sflag:s15] =	ssyncset.done $0x0  }
0x1b: {  	[sflag:s15] =	ssyncadd.s32 $0xFFFFFE00  }
0x1c: {  	_ =	swait.ge [sflag:s15], $0x200  }
0x1d: {  	[sflag:s15] =	ssyncset.done $0x0  }
0x1e: {  	s18 =	simm.s32 $0x600;
	[sflag:s15] =	ssyncadd.s32 $0xFFFFFE00  }
0x1f: {  	[tilespmem:s18], [sflag:$0x1] =	stream.indirect.gather [hbm4b:s6+s16], $0x20, s3, s16, $0xb8;
	[tilespmem:$0x1F00] =	vst v63  }
0x20: {  	s19 =	simm.s32 $0xA00  }
0x21: {  	[tilespmem:s19], [sflag:$0x1] =	stream.indirect.gather [hbm4b:s7+s16], $0x20, s13, s16, $0xb8;
	[tilespmem:$0x1F00] =	vst v63  }
0x22: {  	s31 =	simm.s32 $0xE00;
	s30 =	simm.s32 $0x0  }
0x23: {  	[tilespmem:s31], [sflag:$0x1] =	stream.linear.gather [hbm4b:s11+s3], $0x200, $0x38;
	[tilespmem:$0x1F00] =	vst v63  }
.LBB2_2:
0x24: {  	s2 =	sshll.u32 s30, $0x5  }
0x25: {  	s31 =	sor.u32 $0x10, s2  }
0x26: {  	[tilespmem:s20], [sflag:$0x2] =	stream.indirect.gather [hbm4b:s6+s16], $0x20, s31, s16, $0xb8;
	[tilespmem:$0x1F00] =	vst v63  }
0x27: {  	s0 =	sadd.s32 $0x210, s2  }
0x28: {  	[tilespmem:s21], [sflag:$0x2] =	stream.indirect.gather [hbm4b:s7+s16], $0x20, s0, s16, $0xb8;
	[tilespmem:$0x1F00] =	vst v63  }
0x29: {  	s0 =	sor.u32 s5, s31  }
0x2a: {  	s14 =	sshll.u32 s0, $0x2  }
0x2b: {  	s14 =	sadd.s32 s4, s14  }
0x2c: {  	[tilespmem:s22], [sflag:$0x2] =	stream.linear.gather [hbm4b:s14+s3], $0x200, $0x38;
	[tilespmem:$0x1F00] =	vst v63  }
0x2d: {  	_ =	swait.ge [sflag:s15], $0x200  }
0x2e: {  	[sflag:s15] =	ssyncset.done $0x0  }
0x2f: {  	[sflag:s15] =	ssyncadd.s32 $0xFFFFFE00  }
0x30: {  	_ =	swait.ge [sflag:s15], $0x200  }
0x31: {  	[sflag:s15] =	ssyncset.done $0x0  }
0x32: {  	[sflag:s15] =	ssyncadd.s32 $0xFFFFFE00  }
0x33: {  	_ =	swait.ge [sflag:s15], $0x200  }
0x34: {  	p0 =	seq.s32 s30, $0x0;
	[sflag:s15] =	ssyncset.done $0x0  }
0x35: {  	s14 =	simm.s32 @!p0 $0x3;
	[sflag:s15] =	ssyncadd.s32 $0xFFFFFE00  }
0x36: {  	_ =	swait.ge @!p0 [sflag:s14], $0x680  }
0x37: {  	[sflag:s14] =	ssyncset.done @!p0 $0x0  }
0x38: {  	s19 =	simm.s32 $0x0;
	[sflag:s14] =	ssyncadd.s32 @!p0 $0xFFFFF980  }
0x39: {  	v1 =	vld [tilespmem:s19+$0x600];
	_ =	sdelay $0x3  }
0x3a: {  	s17 =	simm.s32 $0x1230  }
0x3b: {  	[tilespmem:s17+$0xFFFFFFD0] =	vst v1  }
0x3c: {  	v1 =	vld [tilespmem:s19+$0xA00];
	_ =	sdelay $0x4  }
0x3d: {  	[tilespmem:s17+$0xFFFFFFF0] =	vst v1  }
0x3e: {  	v1 =	vld [tilespmem:s19+$0xE00];
	_ =	sdelay $0x4  }
0x3f: {  	[tilespmem:s17+$0x10] =	vst v1  }
0x40: {  	v1 =	vld [tilespmem:s19+$0x610];
	_ =	sdelay $0x4  }
0x41: {  	[tilespmem:s17+$0xFFFFFFE0] =	vst v1  }
0x42: {  	v1 =	vld [tilespmem:s19+$0xA10];
	_ =	sdelay $0x4  }
0x43: {  	[tilespmem:s17+$0x0] =	vst v1  }
0x44: {  	v1 =	vld [tilespmem:s19+$0xE10];
	_ =	sdelay $0x4  }
0x45: {  	s18 =	simm.s32 $0x20;
	s14 =	sadd.s32 s5, s2;
	s19 =	simm.s32 $0x100;
	[tilespmem:s17+$0x20] =	vst v1  }
.LBB2_3:
0x46: {  	p1 =	sne.s32 s19, $0x780;
	v1 =	vld [tilespmem:s18+$0x600];
	_ =	sdelay $0x3  }
0x47: {  	s17 =	sadd.s32 $0x68, s17  }
0x48: {  	[tilespmem:s17+$0xFFFFFFD0] =	vst v1  }
0x49: {  	v1 =	vld [tilespmem:s18+$0xA00];
	_ =	sdelay $0x4  }
0x4a: {  	[tilespmem:s17+$0xFFFFFFF0] =	vst v1  }
0x4b: {  	v1 =	vld [tilespmem:s18+$0xE00];
	_ =	sdelay $0x4  }
0x4c: {  	[tilespmem:s17+$0x10] =	vst v1  }
0x4d: {  	v1 =	vld [tilespmem:s18+$0x610];
	_ =	sdelay $0x4  }
0x4e: {  	[tilespmem:s17+$0xFFFFFFE0] =	vst v1  }
0x4f: {  	v1 =	vld [tilespmem:s18+$0xA10];
	_ =	sdelay $0x4  }
0x50: {  	[tilespmem:s17+$0x0] =	vst v1  }
0x51: {  	v1 =	vld [tilespmem:s18+$0xE10]  }
.Ltmp0:
0x52: {  	(pc) =	sbr.rel @p1 .LBB2_3-.Ltmp0, $2  }
0x53: {  	_ =	sdelay $0x2  }
0x54: {  	s18 =	sshra.s32 s19, $0x2;
	s19 =	sadd.s32 $0x80, s19;
	[tilespmem:s17+$0x20] =	vst v1  }
0x55: {  	v1 =	vld [tilespmem:s18+$0x600];
	_ =	sdelay $0x3  }
0x56: {  	s17 =	sadd.s32 $0x68, s17  }
0x57: {  	[tilespmem:s17+$0xFFFFFFD0] =	vst v1  }
0x58: {  	v1 =	vld [tilespmem:s18+$0xA00];
	_ =	sdelay $0x4  }
0x59: {  	[tilespmem:s17+$0xFFFFFFF0] =	vst v1  }
0x5a: {  	v1 =	vld [tilespmem:s18+$0xE00];
	_ =	sdelay $0x4  }
0x5b: {  	[tilespmem:s17+$0x10] =	vst v1  }
0x5c: {  	v1 =	vld [tilespmem:s18+$0x610];
	_ =	sdelay $0x4  }
0x5d: {  	[tilespmem:s17+$0xFFFFFFE0] =	vst v1  }
0x5e: {  	v1 =	vld [tilespmem:s18+$0xA10];
	_ =	sdelay $0x4  }
0x5f: {  	[tilespmem:s17+$0x0] =	vst v1  }
0x60: {  	v1 =	vld [tilespmem:s18+$0xE10];
	_ =	sdelay $0x4  }
0x61: {  	[tilespmem:s17+$0x20] =	vst v1  }
0x62: {  	v1 =	vld [tilespmem:s2+$0x400];
	_ =	sdelay $0x2  }
0x63: {  	s14 =	smul.u32 $0xD, s14;
	_ =	sdelay $0x1  }
0x64: {  	p1 =	seq.s32 s30, $0xF;
	s14 =	sadd.s32 s1, s14;
	[tilespmem:v0+s23+$0x0] =	vst.idx.msk $0xffff, v1  }
0x65: {  	[hbm4b:s14+s3] =	stream.linear.scatter [tilespmem:s23], [sflag:$0x3], $0x680, $0x38;
	[tilespmem:$0x1F00] =	vst v63  }
0x66: {  	s18 =	simm.s32 @!p1 $0x600;
	s17 =	simm.s32 @!p1 $0x10;
	s14 =	sadd.s32 @!p1 $0x20, s2  }
0x67: {  	[tilespmem:s18], [sflag:$0x1] =	stream.indirect.gather @!p1 [hbm4b:s6+s17], $0x20, s14, s17, $0xb8;
	[tilespmem:$0x1F00] =	vst v63  }
0x68: {  	s2 =	sadd.s32 @!p1 $0x220, s2;
	s18 =	simm.s32 @!p1 $0xA00  }
0x69: {  	[tilespmem:s18], [sflag:$0x1] =	stream.indirect.gather @!p1 [hbm4b:s7+s17], $0x20, s2, s17, $0xb8;
	[tilespmem:$0x1F00] =	vst v63  }
0x6a: {  	s2 =	sadd.s32 @!p1 s5, s14  }
0x6b: {  	s2 =	sshll.u32 @!p1 s2, $0x2  }
0x6c: {  	s14 =	simm.s32 @!p1 $0x0;
	s17 =	simm.s32 @!p1 $0xE00;
	s2 =	sadd.s32 @!p1 s4, s2  }
0x6d: {  	[tilespmem:s17], [sflag:$0x1] =	stream.linear.gather @!p1 [hbm4b:s2+s14], $0x200, $0x38;
	[tilespmem:$0x1F00] =	vst v63  }
0x6e: {  	_ =	swait.ge [sflag:s24], $0x200  }
0x6f: {  	[sflag:s24] =	ssyncset.done $0x0  }
0x70: {  	[sflag:s24] =	ssyncadd.s32 $0xFFFFFE00  }
0x71: {  	_ =	swait.ge [sflag:s24], $0x200  }
0x72: {  	[sflag:s24] =	ssyncset.done $0x0  }
0x73: {  	[sflag:s24] =	ssyncadd.s32 $0xFFFFFE00  }
0x74: {  	_ =	swait.ge [sflag:s24], $0x200  }
0x75: {  	[sflag:s24] =	ssyncset.done $0x0  }
0x76: {  	s2 =	simm.s32 @!p0 $0x4;
	[sflag:s24] =	ssyncadd.s32 $0xFFFFFE00  }
0x77: {  	_ =	swait.ge @!p0 [sflag:s2], $0x680  }
0x78: {  	[sflag:s2] =	ssyncset.done @!p0 $0x0  }
0x79: {  	s19 =	simm.s32 $0x0;
	[sflag:s2] =	ssyncadd.s32 @!p0 $0xFFFFF980  }
0x7a: {  	v1 =	vld [tilespmem:s19+$0x800];
	_ =	sdelay $0x3  }
0x7b: {  	s2 =	simm.s32 $0x18B0  }
0x7c: {  	[tilespmem:s2+$0xFFFFFFD0] =	vst v1  }
0x7d: {  	v1 =	vld [tilespmem:s19+$0xC00];
	_ =	sdelay $0x4  }
0x7e: {  	[tilespmem:s2+$0xFFFFFFF0] =	vst v1  }
0x7f: {  	v1 =	vld [tilespmem:s19+$0x1000];
	_ =	sdelay $0x4  }
0x80: {  	[tilespmem:s2+$0x10] =	vst v1  }
0x81: {  	v1 =	vld [tilespmem:s19+$0x810];
	_ =	sdelay $0x4  }
0x82: {  	[tilespmem:s2+$0xFFFFFFE0] =	vst v1  }
0x83: {  	v1 =	vld [tilespmem:s19+$0xC10];
	_ =	sdelay $0x4  }
0x84: {  	[tilespmem:s2+$0x0] =	vst v1  }
0x85: {  	v1 =	vld [tilespmem:s19+$0x1010];
	_ =	sdelay $0x4  }
0x86: {  	s14 =	simm.s32 $0x20;
	s17 =	simm.s32 $0x100;
	[tilespmem:s2+$0x20] =	vst v1  }
.LBB2_5:
0x87: {  	p0 =	sne.s32 s17, $0x780;
	v1 =	vld [tilespmem:s14+$0x800];
	_ =	sdelay $0x3  }
0x88: {  	s2 =	sadd.s32 $0x68, s2  }
0x89: {  	[tilespmem:s2+$0xFFFFFFD0] =	vst v1  }
0x8a: {  	v1 =	vld [tilespmem:s14+$0xC00];
	_ =	sdelay $0x4  }
0x8b: {  	[tilespmem:s2+$0xFFFFFFF0] =	vst v1  }
0x8c: {  	v1 =	vld [tilespmem:s14+$0x1000];
	_ =	sdelay $0x4  }
0x8d: {  	[tilespmem:s2+$0x10] =	vst v1  }
0x8e: {  	v1 =	vld [tilespmem:s14+$0x810];
	_ =	sdelay $0x4  }
0x8f: {  	[tilespmem:s2+$0xFFFFFFE0] =	vst v1  }
0x90: {  	v1 =	vld [tilespmem:s14+$0xC10];
	_ =	sdelay $0x4  }
0x91: {  	[tilespmem:s2+$0x0] =	vst v1  }
0x92: {  	v1 =	vld [tilespmem:s14+$0x1010]  }
.Ltmp1:
0x93: {  	(pc) =	sbr.rel @p0 .LBB2_5-.Ltmp1, $2  }
0x94: {  	_ =	sdelay $0x2  }
0x95: {  	s14 =	sshra.s32 s17, $0x2;
	s17 =	sadd.s32 $0x80, s17;
	[tilespmem:s2+$0x20] =	vst v1  }
0x96: {  	v1 =	vld [tilespmem:s14+$0x800];
	_ =	sdelay $0x3  }
0x97: {  	s2 =	sadd.s32 $0x68, s2  }
0x98: {  	[tilespmem:s2+$0xFFFFFFD0] =	vst v1  }
0x99: {  	v1 =	vld [tilespmem:s14+$0xC00];
	_ =	sdelay $0x4  }
0x9a: {  	[tilespmem:s2+$0xFFFFFFF0] =	vst v1  }
0x9b: {  	v1 =	vld [tilespmem:s14+$0x1000];
	_ =	sdelay $0x4  }
0x9c: {  	[tilespmem:s2+$0x10] =	vst v1  }
0x9d: {  	v1 =	vld [tilespmem:s14+$0x810];
	_ =	sdelay $0x4  }
0x9e: {  	[tilespmem:s2+$0xFFFFFFE0] =	vst v1  }
0x9f: {  	v1 =	vld [tilespmem:s14+$0xC10];
	_ =	sdelay $0x4  }
0xa0: {  	[tilespmem:s2+$0x0] =	vst v1  }
0xa1: {  	v1 =	vld [tilespmem:s14+$0x1010];
	_ =	sdelay $0x4  }
0xa2: {  	[tilespmem:s2+$0x20] =	vst v1  }
0xa3: {  	s30 =	sadd.s32 $0x1, s30;
	v1 =	vld [tilespmem:s31+$0x400]  }
0xa4: {  	p0 =	sne.s32 s30, $0x10  }
.Ltmp2:
0xa5: {  	_ = 	snop;
	(pc) =	sbr.rel @p0 .LBB2_2-.Ltmp2, $3  }
0xa6: {  	s0 =	smul.u32 $0xD, s0;
	_ =	sdelay $0x1  }
0xa7: {  	s0 =	sadd.s32 s1, s0;
	[tilespmem:v0+s25+$0x0] =	vst.idx.msk $0xffff, v1  }
0xa8: {  	[hbm4b:s0+s3] =	stream.linear.scatter [tilespmem:s25], [sflag:$0x4], $0x680, $0x38;
	[tilespmem:$0x1F00] =	vst v63  }
0xa9: {  	s29 =	sadd.s32 $0x1, s29  }
0xaa: {  	_ =	swait.ge [sflag:s26], $0x680;
	p0 =	sne.s32 s29, s12  }
.Ltmp3:
0xab: {  	[sflag:s26] =	ssyncset.done $0x0;
	(pc) =	sbr.rel @p0 .LBB2_1-.Ltmp3, $4  }
0xac: {  	[sflag:s26] =	ssyncadd.s32 $0xFFFFF980  }
0xad: {  	_ =	swait.ge [sflag:s28], $0x680  }
0xae: {  	[sflag:s28] =	ssyncset.done $0x0  }
0xaf: {  	[sflag:s28] =	ssyncadd.s32 $0xFFFFF980  }
0xb0: {  	_ =	sfence.sel $0x180000  }
0xb1: {  	[bflag:$0x0] =	sbarrier.arrive $0xFFFF  }
0xb2: {  	_ =	strace $0x9000004A  }
0xb3: {  	s0 =	stileid.u32;
	[bflag:$0x2] =	sbarrier.arrive $0xFFFF  }
0xb4: {  	p0 =	sne.s32 s0, $0x0;
	s0 =	rddreg [dreg:$0x5]  }
0xb5: {  	s0 =	sadd.s32 @!p0 $0x100000, s0  }
0xb6: {  	[sflag:s0] =	ssyncadd.tile.s32 @!p0 $0x1;
	_ =	shalt  }
.Lfunc_end2:
_tile_overlayer_lowered:
.L_overlay_start_2:
0xb7: {  	(tag) =	ssettag $0x2  }
0xb8: {  	s0 =	rddreg [dreg:$0x0];
	s2 =	stileid.u32  }
0xb9: {  	s1 =	rddreg [dreg:$0x1];
	p0 =	sne.s32 s2, $0x0  }
0xba: {  	s3 =	rddreg [dreg:$0x2];
	[bflag:$0x3] =	sbarrier.arrive $0xFFFF;
	s2 =	simm.s32 @!p0 $0x1C05  }
0xbb: {  	[timem:s3], [sflag:s2] =	dma.local @!p0 [hbm:s0], s1  }
0xbc: {  	s0 =	simm.s32 @!p0 $0x5  }
0xbd: {  	_ =	swait.ge @!p0 [sflag:s0], s1  }
0xbe: {  	s1 =	ssub.s32 @!p0 $0x0, s1;
	[sflag:s0] =	ssyncset.done @!p0 $0x0  }
0xbf: {  	[sflag:s0] =	ssyncadd.s32 @!p0 s1  }
0xc0: {  	[bflag:$0x3] =	sbarrier.arrive $0xFFFF  }
0xc1: {  	_ =	shalt  }

</sc_bundles>
